<compile_context>
chip_gen: v7x
topology: tpu7x:2x2x1
jax: 0.10.2.dev20260603
libtpu: 0.0.44.dev20260713+nightly
codegen_flags: <defaults>
</compile_context>

<pallas_src>
import dataclasses
import functools

import jax
import jax.numpy as jnp
from jax import lax
from jax.experimental import pallas as pl
from jax.experimental.pallas import tpu as pltpu
from jax.experimental.pallas import tpu_sc as plsc

PAD = 0
B = 1024
L = 200
LANES = 16
LP = 256
V = 30522
VMAIN = 30464
W = 15232
TAILW = 128
NC = 2
NS = 16
NW = NC * NS
RPW = B // NW
GR = 8
GROUPS = RPW // GR
NCHUNK = LP // LANES

_mesh = plsc.VectorSubcoreMesh(core_axis_name="c", subcore_axis_name="s")

_cp = pltpu.CompilerParams()
if "needs_layout_passes" in pltpu.CompilerParams.__dataclass_fields__:
    _cp = dataclasses.replace(_cp, needs_layout_passes=False)
if "use_tc_tiling_on_sc" in pltpu.CompilerParams.__dataclass_fields__:
    _cp = dataclasses.replace(_cp, use_tc_tiling_on_sc=True)


@functools.partial(
    pl.kernel,
    out_type=(
        jax.ShapeDtypeStruct((B, V), jnp.float32),
        jax.ShapeDtypeStruct((B, TAILW), jnp.float32),
    ),
    mesh=_mesh,
    scratch_types=[
        pltpu.VMEM((GR, LP), jnp.int32),
        pltpu.VMEM((GR, W), jnp.float32),
        pltpu.VMEM((GR, TAILW), jnp.float32),
    ],
    compiler_params=_cp,
)
def _bow(ids_hbm, out_hbm, tail_hbm, ids_v, buf, tailbuf):
    wid = lax.axis_index("s") * NC + lax.axis_index("c")
    base = wid * RPW

    zeros_f = jnp.zeros((LANES,), jnp.float32)
    zeros_i = jnp.zeros((LANES,), jnp.int32)

    for r in range(GR):
        @pl.loop(0, W, step=LANES)
        def _(i, r=r):
            buf[r, pl.ds(i, LANES)] = zeros_f

        @pl.loop(0, TAILW, step=LANES)
        def _(i, r=r):
            tailbuf[r, pl.ds(i, LANES)] = zeros_f

    @pl.loop(0, GROUPS)
    def _(g):
        rg = base + g * GR
        pltpu.sync_copy(ids_hbm.at[pl.ds(rg, GR)], ids_v)

        for lo in (0, W):
            hi = lo + W

            @pl.loop(0, GR)
            def _(r8, lo=lo, hi=hi):
                r8v = jnp.full((LANES,), r8, jnp.int32)
                carry = zeros_i
                for c in range(NCHUNK):
                    ids16 = ids_v[r8, pl.ds(c * LANES, LANES)]
                    is_pad = ids16 == PAD
                    cum = plsc.cumsum(is_pad.astype(jnp.int32))
                    valid = (cum + carry) == 0
                    carry = carry + plsc.all_reduce_population_count(is_pad)
                    cnt, last = plsc.scan_count(ids16, mask=valid)
                    sel = last & valid
                    cntf = cnt.astype(jnp.float32)
                    m = sel & (ids16 >= lo) & (ids16 < hi)
                    rel = jnp.where(m, ids16 - lo, 0)
                    plsc.addupdate_scatter(buf, [r8v, rel], cntf, mask=m)
                    if hi == VMAIN:
                        mt = sel & (ids16 >= VMAIN)
                        relt = jnp.where(mt, ids16 - VMAIN, 0)
                        plsc.addupdate_scatter(
                            tailbuf, [r8v, relt], cntf, mask=mt
                        )

            pltpu.sync_copy(buf, out_hbm.at[pl.ds(rg, GR), pl.ds(lo, W)])

            @pl.loop(0, GR)
            def _(r8, lo=lo, hi=hi):
                r8v = jnp.full((LANES,), r8, jnp.int32)
                for c in range(NCHUNK):
                    ids16 = ids_v[r8, pl.ds(c * LANES, LANES)]
                    inh = (ids16 >= lo) & (ids16 < hi)
                    rel = jnp.where(inh, ids16 - lo, 0)
                    plsc.store_scatter(buf, [r8v, rel], zeros_f, mask=inh)

        pltpu.sync_copy(tailbuf, tail_hbm.at[pl.ds(rg, GR)])

        @pl.loop(0, GR)
        def _(r8):
            r8v = jnp.full((LANES,), r8, jnp.int32)
            for c in range(NCHUNK):
                ids16 = ids_v[r8, pl.ds(c * LANES, LANES)]
                mt = ids16 >= VMAIN
                relt = jnp.where(mt, ids16 - VMAIN, 0)
                plsc.store_scatter(tailbuf, [r8v, relt], zeros_f, mask=mt)


def kernel(input_ids):
    ids = jnp.pad(input_ids, ((0, 0), (0, LP - L)))
    main, tail = _bow(ids)
    tail58 = lax.slice(tail, (0, 0), (B, V - VMAIN))
    return lax.dynamic_update_slice(main, tail58, (0, VMAIN))

# --- scband reference (transcript-rebuilt; emitter-appended) ---
"""Pipeline reference for scband-bag-of-words-58609123721528 (READ-ONLY COPY).

The authoritative reference and input builder live on the scoring server;
editing this copy changes nothing except your own understanding.
"""

import jax, jax.numpy as jnp
import numpy as np

PAD_TOKEN = 0
VOCAB = 30522

def setup_inputs(seed: int = 0) -> dict:
    key = jax.random.key(seed)
    input_ids = jax.random.randint(key, (1024, 200), 0, 30522, dtype=jnp.int32)
    return {"input_ids": input_ids}

def reference(input_ids) -> jnp.ndarray:
    # Faithful translation of Bag_of_words.__call__:
    # for each sentence, count token occurrences, stopping at the first pad_token.
    B, L = input_ids.shape
    is_pad = (input_ids == PAD_TOKEN)
    # tokens strictly before the first pad are counted (break semantics)
    mask = (jnp.cumsum(is_pad.astype(jnp.int32), axis=1) == 0).astype(jnp.float32)
    rows = jnp.broadcast_to(jnp.arange(B)[:, None], (B, L))
    out = jnp.zeros((B, VOCAB), dtype=jnp.float32).at[rows, input_ids].add(mask)
    return out

if __name__ == "__main__":
    import jax
    _d = setup_inputs()
    print(jax.jit(kernel)(*tuple(_d.values())))

</pallas_src>

<mosaic_0001>
#map = affine_map<(d0, d1) -> (0, 0)>
module attributes {stable_mosaic.version = 14 : i64} {
  func.func @_bow(%arg0: i32, %arg1: i32, %arg2: memref<1024x256xi32, #tpu.memory_space<hbm>>, %arg3: memref<1024x30522xf32, #tpu.memory_space<hbm>>, %arg4: memref<1024x128xf32, #tpu.memory_space<hbm>>, %arg5: memref<8x256xi32, #tpu.memory_space<vmem>>, %arg6: memref<8x15232xf32, #tpu.memory_space<vmem>>, %arg7: memref<8x128xf32, #tpu.memory_space<vmem>>) attributes {dimension_semantics = [#tpu.dimension_semantics<core_parallel>, #tpu.dimension_semantics<subcore_parallel>], iteration_bounds = array<i64: 2, 16>, scalar_prefetch = 0 : i64, scratch_operands = 3 : i64, tpu.core_type = #tpu.core_type<sc_vector_subcore>, window_params = [{transform_indices = #map}, {transform_indices = #map}, {transform_indices = #map}]} {
    %mul3A = arith.constant 2 : i32
    %mul3A_0 = arith.muli %arg1, %mul3A : i32
    %add3A = arith.addi %mul3A_0, %arg0 : i32
    %mul3A_1 = arith.constant 32 : i32
    %mul3A_2 = arith.muli %add3A, %mul3A_1 : i32
    %broadcast_in_dim3A = arith.constant 0.000000e+00 : f32
    %broadcast_in_dim3A_3 = vector.broadcast %broadcast_in_dim3A : f32 to vector<16xf32>
    %broadcast_in_dim3A_4 = arith.constant 0 : i32
    %broadcast_in_dim3A_5 = vector.broadcast %broadcast_in_dim3A_4 : i32 to vector<16xi32>
    %scan3A = arith.constant 0 : i32
    %scan3A_6 = arith.constant 952 : i32
    %scan3A_7 = arith.addi %scan3A, %scan3A_6 : i32
    %scan3A_8 = arith.constant 1 : i32
    scf.for %scan3A_90 = %scan3A to %scan3A_7 step %scan3A_8  : i32 {
      %mul3A_91 = arith.constant 16 : i32
      %mul3A_92 = arith.muli %scan3A_90, %mul3A_91 : i32
      %add3A_93 = arith.constant 0 : i32
      %add3A_94 = arith.addi %add3A_93, %mul3A_92 : i32
      %swap3A = arith.constant 0 : i32
      %swap3A_95 = arith.index_cast %swap3A : i32 to index
      %swap3A_96 = arith.index_cast %add3A_94 : i32 to index
      %swap3A_97 = tpu.vector_load %arg6[%swap3A_95, %swap3A_96] {strides = array<i32>} : memref<8x15232xf32, #tpu.memory_space<vmem>>, vector<16xf32>,
      tpu.vector_store %arg6[%swap3A_95, %swap3A_96], %broadcast_in_dim3A_3 {strides = array<i32>} : memref<8x15232xf32, #tpu.memory_space<vmem>>, vector<16xf32>,
    }
    %scan3A_9 = arith.constant 952 : i32
    %scan3A_10 = arith.constant 0 : i32
    %scan3A_11 = arith.constant 8 : i32
    %scan3A_12 = arith.addi %scan3A_10, %scan3A_11 : i32
    %scan3A_13 = arith.constant 1 : i32
    scf.for %scan3A_90 = %scan3A_10 to %scan3A_12 step %scan3A_13  : i32 {
      %mul3A_91 = arith.constant 16 : i32
      %mul3A_92 = arith.muli %scan3A_90, %mul3A_91 : i32
      %add3A_93 = arith.constant 0 : i32
      %add3A_94 = arith.addi %add3A_93, %mul3A_92 : i32
      %swap3A = arith.constant 0 : i32
      %swap3A_95 = arith.index_cast %swap3A : i32 to index
      %swap3A_96 = arith.index_cast %add3A_94 : i32 to index
      %swap3A_97 = tpu.vector_load %arg7[%swap3A_95, %swap3A_96] {strides = array<i32>} : memref<8x128xf32, #tpu.memory_space<vmem>>, vector<16xf32>,
      tpu.vector_store %arg7[%swap3A_95, %swap3A_96], %broadcast_in_dim3A_3 {strides = array<i32>} : memref<8x128xf32, #tpu.memory_space<vmem>>, vector<16xf32>,
    }
    %scan3A_14 = arith.constant 8 : i32
    %scan3A_15 = arith.constant 0 : i32
    %scan3A_16 = arith.constant 952 : i32
    %scan3A_17 = arith.addi %scan3A_15, %scan3A_16 : i32
    %scan3A_18 = arith.constant 1 : i32
    scf.for %scan3A_90 = %scan3A_15 to %scan3A_17 step %scan3A_18  : i32 {
      %mul3A_91 = arith.constant 16 : i32
      %mul3A_92 = arith.muli %scan3A_90, %mul3A_91 : i32
      %add3A_93 = arith.constant 0 : i32
      %add3A_94 = arith.addi %add3A_93, %mul3A_92 : i32
      %swap3A = arith.constant 1 : i32
      %swap3A_95 = arith.index_cast %swap3A : i32 to index
      %swap3A_96 = arith.index_cast %add3A_94 : i32 to index
      %swap3A_97 = tpu.vector_load %arg6[%swap3A_95, %swap3A_96] {strides = array<i32>} : memref<8x15232xf32, #tpu.memory_space<vmem>>, vector<16xf32>,
      tpu.vector_store %arg6[%swap3A_95, %swap3A_96], %broadcast_in_dim3A_3 {strides = array<i32>} : memref<8x15232xf32, #tpu.memory_space<vmem>>, vector<16xf32>,
    }
    %scan3A_19 = arith.constant 952 : i32
    %scan3A_20 = arith.constant 0 : i32
    %scan3A_21 = arith.constant 8 : i32
    %scan3A_22 = arith.addi %scan3A_20, %scan3A_21 : i32
    %scan3A_23 = arith.constant 1 : i32
    scf.for %scan3A_90 = %scan3A_20 to %scan3A_22 step %scan3A_23  : i32 {
      %mul3A_91 = arith.constant 16 : i32
      %mul3A_92 = arith.muli %scan3A_90, %mul3A_91 : i32
      %add3A_93 = arith.constant 0 : i32
      %add3A_94 = arith.addi %add3A_93, %mul3A_92 : i32
      %swap3A = arith.constant 1 : i32
      %swap3A_95 = arith.index_cast %swap3A : i32 to index
      %swap3A_96 = arith.index_cast %add3A_94 : i32 to index
      %swap3A_97 = tpu.vector_load %arg7[%swap3A_95, %swap3A_96] {strides = array<i32>} : memref<8x128xf32, #tpu.memory_space<vmem>>, vector<16xf32>,
      tpu.vector_store %arg7[%swap3A_95, %swap3A_96], %broadcast_in_dim3A_3 {strides = array<i32>} : memref<8x128xf32, #tpu.memory_space<vmem>>, vector<16xf32>,
    }
    %scan3A_24 = arith.constant 8 : i32
    %scan3A_25 = arith.constant 0 : i32
    %scan3A_26 = arith.constant 952 : i32
    %scan3A_27 = arith.addi %scan3A_25, %scan3A_26 : i32
    %scan3A_28 = arith.constant 1 : i32
    scf.for %scan3A_90 = %scan3A_25 to %scan3A_27 step %scan3A_28  : i32 {
      %mul3A_91 = arith.constant 16 : i32
      %mul3A_92 = arith.muli %scan3A_90, %mul3A_91 : i32
      %add3A_93 = arith.constant 0 : i32
      %add3A_94 = arith.addi %add3A_93, %mul3A_92 : i32
      %swap3A = arith.constant 2 : i32
      %swap3A_95 = arith.index_cast %swap3A : i32 to index
      %swap3A_96 = arith.index_cast %add3A_94 : i32 to index
      %swap3A_97 = tpu.vector_load %arg6[%swap3A_95, %swap3A_96] {strides = array<i32>} : memref<8x15232xf32, #tpu.memory_space<vmem>>, vector<16xf32>,
      tpu.vector_store %arg6[%swap3A_95, %swap3A_96], %broadcast_in_dim3A_3 {strides = array<i32>} : memref<8x15232xf32, #tpu.memory_space<vmem>>, vector<16xf32>,
    }
    %scan3A_29 = arith.constant 952 : i32
    %scan3A_30 = arith.constant 0 : i32
    %scan3A_31 = arith.constant 8 : i32
    %scan3A_32 = arith.addi %scan3A_30, %scan3A_31 : i32
    %scan3A_33 = arith.constant 1 : i32
    scf.for %scan3A_90 = %scan3A_30 to %scan3A_32 step %scan3A_33  : i32 {
      %mul3A_91 = arith.constant 16 : i32
      %mul3A_92 = arith.muli %scan3A_90, %mul3A_91 : i32
      %add3A_93 = arith.constant 0 : i32
      %add3A_94 = arith.addi %add3A_93, %mul3A_92 : i32
      %swap3A = arith.constant 2 : i32
      %swap3A_95 = arith.index_cast %swap3A : i32 to index
      %swap3A_96 = arith.index_cast %add3A_94 : i32 to index
      %swap3A_97 = tpu.vector_load %arg7[%swap3A_95, %swap3A_96] {strides = array<i32>} : memref<8x128xf32, #tpu.memory_space<vmem>>, vector<16xf32>,
      tpu.vector_store %arg7[%swap3A_95, %swap3A_96], %broadcast_in_dim3A_3 {strides = array<i32>} : memref<8x128xf32, #tpu.memory_space<vmem>>, vector<16xf32>,
    }
    %scan3A_34 = arith.constant 8 : i32
    %scan3A_35 = arith.constant 0 : i32
    %scan3A_36 = arith.constant 952 : i32
    %scan3A_37 = arith.addi %scan3A_35, %scan3A_36 : i32
    %scan3A_38 = arith.constant 1 : i32
    scf.for %scan3A_90 = %scan3A_35 to %scan3A_37 step %scan3A_38  : i32 {
      %mul3A_91 = arith.constant 16 : i32
      %mul3A_92 = arith.muli %scan3A_90, %mul3A_91 : i32
      %add3A_93 = arith.constant 0 : i32
      %add3A_94 = arith.addi %add3A_93, %mul3A_92 : i32
      %swap3A = arith.constant 3 : i32
      %swap3A_95 = arith.index_cast %swap3A : i32 to index
      %swap3A_96 = arith.index_cast %add3A_94 : i32 to index
      %swap3A_97 = tpu.vector_load %arg6[%swap3A_95, %swap3A_96] {strides = array<i32>} : memref<8x15232xf32, #tpu.memory_space<vmem>>, vector<16xf32>,
      tpu.vector_store %arg6[%swap3A_95, %swap3A_96], %broadcast_in_dim3A_3 {strides = array<i32>} : memref<8x15232xf32, #tpu.memory_space<vmem>>, vector<16xf32>,
    }
    %scan3A_39 = arith.constant 952 : i32
    %scan3A_40 = arith.constant 0 : i32
    %scan3A_41 = arith.constant 8 : i32
    %scan3A_42 = arith.addi %scan3A_40, %scan3A_41 : i32
    %scan3A_43 = arith.constant 1 : i32
    scf.for %scan3A_90 = %scan3A_40 to %scan3A_42 step %scan3A_43  : i32 {
      %mul3A_91 = arith.constant 16 : i32
      %mul3A_92 = arith.muli %scan3A_90, %mul3A_91 : i32
      %add3A_93 = arith.constant 0 : i32
      %add3A_94 = arith.addi %add3A_93, %mul3A_92 : i32
      %swap3A = arith.constant 3 : i32
      %swap3A_95 = arith.index_cast %swap3A : i32 to index
      %swap3A_96 = arith.index_cast %add3A_94 : i32 to index
      %swap3A_97 = tpu.vector_load %arg7[%swap3A_95, %swap3A_96] {strides = array<i32>} : memref<8x128xf32, #tpu.memory_space<vmem>>, vector<16xf32>,
      tpu.vector_store %arg7[%swap3A_95, %swap3A_96], %broadcast_in_dim3A_3 {strides = array<i32>} : memref<8x128xf32, #tpu.memory_space<vmem>>, vector<16xf32>,
    }
    %scan3A_44 = arith.constant 8 : i32
    %scan3A_45 = arith.constant 0 : i32
    %scan3A_46 = arith.constant 952 : i32
    %scan3A_47 = arith.addi %scan3A_45, %scan3A_46 : i32
    %scan3A_48 = arith.constant 1 : i32
    scf.for %scan3A_90 = %scan3A_45 to %scan3A_47 step %scan3A_48  : i32 {
      %mul3A_91 = arith.constant 16 : i32
      %mul3A_92 = arith.muli %scan3A_90, %mul3A_91 : i32
      %add3A_93 = arith.constant 0 : i32
      %add3A_94 = arith.addi %add3A_93, %mul3A_92 : i32
      %swap3A = arith.constant 4 : i32
      %swap3A_95 = arith.index_cast %swap3A : i32 to index
      %swap3A_96 = arith.index_cast %add3A_94 : i32 to index
      %swap3A_97 = tpu.vector_load %arg6[%swap3A_95, %swap3A_96] {strides = array<i32>} : memref<8x15232xf32, #tpu.memory_space<vmem>>, vector<16xf32>,
      tpu.vector_store %arg6[%swap3A_95, %swap3A_96], %broadcast_in_dim3A_3 {strides = array<i32>} : memref<8x15232xf32, #tpu.memory_space<vmem>>, vector<16xf32>,
    }
    %scan3A_49 = arith.constant 952 : i32
    %scan3A_50 = arith.constant 0 : i32
    %scan3A_51 = arith.constant 8 : i32
    %scan3A_52 = arith.addi %scan3A_50, %scan3A_51 : i32
    %scan3A_53 = arith.constant 1 : i32
    scf.for %scan3A_90 = %scan3A_50 to %scan3A_52 step %scan3A_53  : i32 {
      %mul3A_91 = arith.constant 16 : i32
      %mul3A_92 = arith.muli %scan3A_90, %mul3A_91 : i32
      %add3A_93 = arith.constant 0 : i32
      %add3A_94 = arith.addi %add3A_93, %mul3A_92 : i32
      %swap3A = arith.constant 4 : i32
      %swap3A_95 = arith.index_cast %swap3A : i32 to index
      %swap3A_96 = arith.index_cast %add3A_94 : i32 to index
      %swap3A_97 = tpu.vector_load %arg7[%swap3A_95, %swap3A_96] {strides = array<i32>} : memref<8x128xf32, #tpu.memory_space<vmem>>, vector<16xf32>,
      tpu.vector_store %arg7[%swap3A_95, %swap3A_96], %broadcast_in_dim3A_3 {strides = array<i32>} : memref<8x128xf32, #tpu.memory_space<vmem>>, vector<16xf32>,
    }
    %scan3A_54 = arith.constant 8 : i32
    %scan3A_55 = arith.constant 0 : i32
    %scan3A_56 = arith.constant 952 : i32
    %scan3A_57 = arith.addi %scan3A_55, %scan3A_56 : i32
    %scan3A_58 = arith.constant 1 : i32
    scf.for %scan3A_90 = %scan3A_55 to %scan3A_57 step %scan3A_58  : i32 {
      %mul3A_91 = arith.constant 16 : i32
      %mul3A_92 = arith.muli %scan3A_90, %mul3A_91 : i32
      %add3A_93 = arith.constant 0 : i32
      %add3A_94 = arith.addi %add3A_93, %mul3A_92 : i32
      %swap3A = arith.constant 5 : i32
      %swap3A_95 = arith.index_cast %swap3A : i32 to index
      %swap3A_96 = arith.index_cast %add3A_94 : i32 to index
      %swap3A_97 = tpu.vector_load %arg6[%swap3A_95, %swap3A_96] {strides = array<i32>} : memref<8x15232xf32, #tpu.memory_space<vmem>>, vector<16xf32>,
      tpu.vector_store %arg6[%swap3A_95, %swap3A_96], %broadcast_in_dim3A_3 {strides = array<i32>} : memref<8x15232xf32, #tpu.memory_space<vmem>>, vector<16xf32>,
    }
    %scan3A_59 = arith.constant 952 : i32
    %scan3A_60 = arith.constant 0 : i32
    %scan3A_61 = arith.constant 8 : i32
    %scan3A_62 = arith.addi %scan3A_60, %scan3A_61 : i32
    %scan3A_63 = arith.constant 1 : i32
    scf.for %scan3A_90 = %scan3A_60 to %scan3A_62 step %scan3A_63  : i32 {
      %mul3A_91 = arith.constant 16 : i32
      %mul3A_92 = arith.muli %scan3A_90, %mul3A_91 : i32
      %add3A_93 = arith.constant 0 : i32
      %add3A_94 = arith.addi %add3A_93, %mul3A_92 : i32
      %swap3A = arith.constant 5 : i32
      %swap3A_95 = arith.index_cast %swap3A : i32 to index
      %swap3A_96 = arith.index_cast %add3A_94 : i32 to index
      %swap3A_97 = tpu.vector_load %arg7[%swap3A_95, %swap3A_96] {strides = array<i32>} : memref<8x128xf32, #tpu.memory_space<vmem>>, vector<16xf32>,
      tpu.vector_store %arg7[%swap3A_95, %swap3A_96], %broadcast_in_dim3A_3 {strides = array<i32>} : memref<8x128xf32, #tpu.memory_space<vmem>>, vector<16xf32>,
    }
    %scan3A_64 = arith.constant 8 : i32
    %scan3A_65 = arith.constant 0 : i32
    %scan3A_66 = arith.constant 952 : i32
    %scan3A_67 = arith.addi %scan3A_65, %scan3A_66 : i32
    %scan3A_68 = arith.constant 1 : i32
    scf.for %scan3A_90 = %scan3A_65 to %scan3A_67 step %scan3A_68  : i32 {
      %mul3A_91 = arith.constant 16 : i32
      %mul3A_92 = arith.muli %scan3A_90, %mul3A_91 : i32
      %add3A_93 = arith.constant 0 : i32
      %add3A_94 = arith.addi %add3A_93, %mul3A_92 : i32
      %swap3A = arith.constant 6 : i32
      %swap3A_95 = arith.index_cast %swap3A : i32 to index
      %swap3A_96 = arith.index_cast %add3A_94 : i32 to index
      %swap3A_97 = tpu.vector_load %arg6[%swap3A_95, %swap3A_96] {strides = array<i32>} : memref<8x15232xf32, #tpu.memory_space<vmem>>, vector<16xf32>,
      tpu.vector_store %arg6[%swap3A_95, %swap3A_96], %broadcast_in_dim3A_3 {strides = array<i32>} : memref<8x15232xf32, #tpu.memory_space<vmem>>, vector<16xf32>,
    }
    %scan3A_69 = arith.constant 952 : i32
    %scan3A_70 = arith.constant 0 : i32
    %scan3A_71 = arith.constant 8 : i32
    %scan3A_72 = arith.addi %scan3A_70, %scan3A_71 : i32
    %scan3A_73 = arith.constant 1 : i32
    scf.for %scan3A_90 = %scan3A_70 to %scan3A_72 step %scan3A_73  : i32 {
      %mul3A_91 = arith.constant 16 : i32
      %mul3A_92 = arith.muli %scan3A_90, %mul3A_91 : i32
      %add3A_93 = arith.constant 0 : i32
      %add3A_94 = arith.addi %add3A_93, %mul3A_92 : i32
      %swap3A = arith.constant 6 : i32
      %swap3A_95 = arith.index_cast %swap3A : i32 to index
      %swap3A_96 = arith.index_cast %add3A_94 : i32 to index
      %swap3A_97 = tpu.vector_load %arg7[%swap3A_95, %swap3A_96] {strides = array<i32>} : memref<8x128xf32, #tpu.memory_space<vmem>>, vector<16xf32>,
      tpu.vector_store %arg7[%swap3A_95, %swap3A_96], %broadcast_in_dim3A_3 {strides = array<i32>} : memref<8x128xf32, #tpu.memory_space<vmem>>, vector<16xf32>,
    }
    %scan3A_74 = arith.constant 8 : i32
    %scan3A_75 = arith.constant 0 : i32
    %scan3A_76 = arith.constant 952 : i32
    %scan3A_77 = arith.addi %scan3A_75, %scan3A_76 : i32
    %scan3A_78 = arith.constant 1 : i32
    scf.for %scan3A_90 = %scan3A_75 to %scan3A_77 step %scan3A_78  : i32 {
      %mul3A_91 = arith.constant 16 : i32
      %mul3A_92 = arith.muli %scan3A_90, %mul3A_91 : i32
      %add3A_93 = arith.constant 0 : i32
      %add3A_94 = arith.addi %add3A_93, %mul3A_92 : i32
      %swap3A = arith.constant 7 : i32
      %swap3A_95 = arith.index_cast %swap3A : i32 to index
      %swap3A_96 = arith.index_cast %add3A_94 : i32 to index
      %swap3A_97 = tpu.vector_load %arg6[%swap3A_95, %swap3A_96] {strides = array<i32>} : memref<8x15232xf32, #tpu.memory_space<vmem>>, vector<16xf32>,
      tpu.vector_store %arg6[%swap3A_95, %swap3A_96], %broadcast_in_dim3A_3 {strides = array<i32>} : memref<8x15232xf32, #tpu.memory_space<vmem>>, vector<16xf32>,
    }
    %scan3A_79 = arith.constant 952 : i32
    %scan3A_80 = arith.constant 0 : i32
    %scan3A_81 = arith.constant 8 : i32
    %scan3A_82 = arith.addi %scan3A_80, %scan3A_81 : i32
    %scan3A_83 = arith.constant 1 : i32
    scf.for %scan3A_90 = %scan3A_80 to %scan3A_82 step %scan3A_83  : i32 {
      %mul3A_91 = arith.constant 16 : i32
      %mul3A_92 = arith.muli %scan3A_90, %mul3A_91 : i32
      %add3A_93 = arith.constant 0 : i32
      %add3A_94 = arith.addi %add3A_93, %mul3A_92 : i32
      %swap3A = arith.constant 7 : i32
      %swap3A_95 = arith.index_cast %swap3A : i32 to index
      %swap3A_96 = arith.index_cast %add3A_94 : i32 to index
      %swap3A_97 = tpu.vector_load %arg7[%swap3A_95, %swap3A_96] {strides = array<i32>} : memref<8x128xf32, #tpu.memory_space<vmem>>, vector<16xf32>,
      tpu.vector_store %arg7[%swap3A_95, %swap3A_96], %broadcast_in_dim3A_3 {strides = array<i32>} : memref<8x128xf32, #tpu.memory_space<vmem>>, vector<16xf32>,
    }
    %scan3A_84 = arith.constant 8 : i32
    %scan3A_85 = arith.constant 0 : i32
    %scan3A_86 = arith.constant 4 : i32
    %scan3A_87 = arith.addi %scan3A_85, %scan3A_86 : i32
    %scan3A_88 = arith.constant 1 : i32
    scf.for %scan3A_90 = %scan3A_85 to %scan3A_87 step %scan3A_88  : i32 {
      %mul3A_91 = arith.constant 1 : i32
      %mul3A_92 = arith.muli %scan3A_90, %mul3A_91 : i32
      %add3A_93 = arith.constant 0 : i32
      %add3A_94 = arith.addi %add3A_93, %mul3A_92 : i32
      %mul3A_95 = arith.constant 8 : i32
      %mul3A_96 = arith.muli %add3A_94, %mul3A_95 : i32
      %add3A_97 = arith.addi %mul3A_2, %mul3A_96 : i32
      "tpu.region"() ({
        %run_scoped3A = tpu.sem_alloc : memref<!tpu.dma_semaphore, #tpu.memory_space<semaphore_mem>>
        %dma_start3A = arith.constant 0 : i32
        %dma_start3A_123 = tpu.memref_slice %arg2[%add3A_97, %dma_start3A] : memref<1024x256xi32, #tpu.memory_space<hbm>> -> memref<8x256xi32, #tpu.memory_space<hbm>>
        %dma_start3A_124 = arith.constant 0 : i32
        %dma_start3A_125 = tpu.memref_slice %arg2[%add3A_97, %dma_start3A_124] : memref<1024x256xi32, #tpu.memory_space<hbm>> -> memref<8x256xi32, #tpu.memory_space<hbm>>
        tpu.enqueue_dma source(%dma_start3A_125 : memref<8x256xi32, #tpu.memory_space<hbm>>) target(%arg5 : memref<8x256xi32, #tpu.memory_space<vmem>>) target_semaphore(%run_scoped3A : memref<!tpu.dma_semaphore, #tpu.memory_space<semaphore_mem>>)
        %dma_wait3A = arith.constant 0 : i32
        %dma_wait3A_126 = tpu.memref_slice %arg2[%add3A_97, %dma_wait3A] : memref<1024x256xi32, #tpu.memory_space<hbm>> -> memref<8x256xi32, #tpu.memory_space<hbm>>
        %dma_wait3A_127 = arith.constant 0 : i32
        %dma_wait3A_128 = tpu.memref_slice %arg2[%add3A_97, %dma_wait3A_127] : memref<1024x256xi32, #tpu.memory_space<hbm>> -> memref<8x256xi32, #tpu.memory_space<hbm>>
        tpu.wait_dma2 semaphore(%run_scoped3A : memref<!tpu.dma_semaphore, #tpu.memory_space<semaphore_mem>>) src(%dma_wait3A_128 : memref<8x256xi32, #tpu.memory_space<hbm>>) dst(%arg5 : memref<8x256xi32, #tpu.memory_space<vmem>>)
        tpu.yield
      }) : () -> ()
      %scan3A_98 = arith.constant 0 : i32
      %scan3A_99 = arith.constant 8 : i32
      %scan3A_100 = arith.addi %scan3A_98, %scan3A_99 : i32
      %scan3A_101 = arith.constant 1 : i32
      scf.for %scan3A_123 = %scan3A_98 to %scan3A_100 step %scan3A_101  : i32 {
        %mul3A_124 = arith.constant 1 : i32
        %mul3A_125 = arith.muli %scan3A_123, %mul3A_124 : i32
        %add3A_126 = arith.constant 0 : i32
        %add3A_127 = arith.addi %add3A_126, %mul3A_125 : i32
        %broadcast_in_dim3A_128 = vector.broadcast %add3A_127 : i32 to vector<16xi32>
        %get3A = arith.index_cast %add3A_127 : i32 to index
        %get3A_129 = arith.constant 0 : index
        %get3A_130 = tpu.vector_load %arg5[%get3A, %get3A_129] {strides = array<i32>} : memref<8x256xi32, #tpu.memory_space<vmem>>, vector<16xi32>,
        %eq3A = arith.constant 0 : i32
        %eq3A_131 = vector.broadcast %eq3A : i32 to vector<16xi32>
        %eq3A_132 = arith.cmpi eq, %get3A_130, %eq3A_131 : vector<16xi32>
        %convert_element_type3A = arith.extui %eq3A_132 : vector<16xi1> to vector<16xi32>
        %broadcast_in_dim3A_133 = arith.constant true
        %broadcast_in_dim3A_134 = vector.broadcast %broadcast_in_dim3A_133 : i1 to vector<16xi1>
        %masked_cumsum3A = tpu.scan <sum>, %convert_element_type3A masked %broadcast_in_dim3A_134 : vector<16xi32>, vector<16xi1> -> vector<16xi32>
        %add3A_135 = arith.addi %masked_cumsum3A, %broadcast_in_dim3A_5 : vector<16xi32>
        %eq3A_136 = arith.constant 0 : i32
        %eq3A_137 = vector.broadcast %eq3A_136 : i32 to vector<16xi32>
        %eq3A_138 = arith.cmpi eq, %add3A_135, %eq3A_137 : vector<16xi32>
        %all_reduce_population_count3A = tpu.all_reduce %eq3A_132 {dim = 0 : i64, kind = #tpu.reduction_kind<sum>} : vector<16xi1> -> vector<16xi32>
        %add3A_139 = arith.addi %broadcast_in_dim3A_5, %all_reduce_population_count3A : vector<16xi32>
        %unique3A, %unique3A_140 = tpu.scan_count mask(%eq3A_138 : vector<16xi1>) value(%get3A_130 : vector<16xi32>) : vector<16xi1>, vector<16xi32>
        %and3A = arith.andi %unique3A, %eq3A_138 : vector<16xi1>
        %convert_element_type3A_141 = arith.sitofp %unique3A_140 : vector<16xi32> to vector<16xf32>
        %ge3A = arith.constant 0 : i32
        %ge3A_142 = vector.broadcast %ge3A : i32 to vector<16xi32>
        %ge3A_143 = arith.cmpi sge, %get3A_130, %ge3A_142 : vector<16xi32>
        %and3A_144 = arith.andi %and3A, %ge3A_143 : vector<16xi1>
        %lt3A = arith.constant 15232 : i32
        %lt3A_145 = vector.broadcast %lt3A : i32 to vector<16xi32>
        %lt3A_146 = arith.cmpi slt, %get3A_130, %lt3A_145 : vector<16xi32>
        %and3A_147 = arith.andi %and3A_144, %lt3A_146 : vector<16xi1>
        %sub3A = arith.constant 0 : i32
        %sub3A_148 = vector.broadcast %sub3A : i32 to vector<16xi32>
        %sub3A_149 = arith.subi %get3A_130, %sub3A_148 : vector<16xi32>
        %jit3A = arith.constant 0 : i32
        %broadcast_in_dim3A_150 = vector.broadcast %jit3A : i32 to vector<16xi32>
        %select_n3A = arith.select %and3A_147, %sub3A_149, %broadcast_in_dim3A_150 : vector<16xi1>, vector<16xi32>
        tpu.vector_store_idx %arg6[%broadcast_in_dim3A_128, %select_n3A], %convert_element_type3A_141 masked %and3A_147 {add = true} : memref<8x15232xf32, #tpu.memory_space<vmem>>[vector<16xi32>, vector<16xi32>], vector<16xf32>, vector<16xi1>
        %get3A_151 = arith.index_cast %add3A_127 : i32 to index
        %get3A_152 = arith.constant 16 : index
        %get3A_153 = tpu.vector_load %arg5[%get3A_151, %get3A_152] {strides = array<i32>} : memref<8x256xi32, #tpu.memory_space<vmem>>, vector<16xi32>,
        %eq3A_154 = arith.constant 0 : i32
        %eq3A_155 = vector.broadcast %eq3A_154 : i32 to vector<16xi32>
        %eq3A_156 = arith.cmpi eq, %get3A_153, %eq3A_155 : vector<16xi32>
        %convert_element_type3A_157 = arith.extui %eq3A_156 : vector<16xi1> to vector<16xi32>
        %broadcast_in_dim3A_158 = arith.constant true
        %broadcast_in_dim3A_159 = vector.broadcast %broadcast_in_dim3A_158 : i1 to vector<16xi1>
        %masked_cumsum3A_160 = tpu.scan <sum>, %convert_element_type3A_157 masked %broadcast_in_dim3A_159 : vector<16xi32>, vector<16xi1> -> vector<16xi32>
        %add3A_161 = arith.addi %masked_cumsum3A_160, %add3A_139 : vector<16xi32>
        %eq3A_162 = arith.constant 0 : i32
        %eq3A_163 = vector.broadcast %eq3A_162 : i32 to vector<16xi32>
        %eq3A_164 = arith.cmpi eq, %add3A_161, %eq3A_163 : vector<16xi32>
        %all_reduce_population_count3A_165 = tpu.all_reduce %eq3A_156 {dim = 0 : i64, kind = #tpu.reduction_kind<sum>} : vector<16xi1> -> vector<16xi32>
        %add3A_166 = arith.addi %add3A_139, %all_reduce_population_count3A_165 : vector<16xi32>
        %unique3A_167, %unique3A_168 = tpu.scan_count mask(%eq3A_164 : vector<16xi1>) value(%get3A_153 : vector<16xi32>) : vector<16xi1>, vector<16xi32>
        %and3A_169 = arith.andi %unique3A_167, %eq3A_164 : vector<16xi1>
        %convert_element_type3A_170 = arith.sitofp %unique3A_168 : vector<16xi32> to vector<16xf32>
        %ge3A_171 = arith.constant 0 : i32
        %ge3A_172 = vector.broadcast %ge3A_171 : i32 to vector<16xi32>
        %ge3A_173 = arith.cmpi sge, %get3A_153, %ge3A_172 : vector<16xi32>
        %and3A_174 = arith.andi %and3A_169, %ge3A_173 : vector<16xi1>
        %lt3A_175 = arith.constant 15232 : i32
        %lt3A_176 = vector.broadcast %lt3A_175 : i32 to vector<16xi32>
        %lt3A_177 = arith.cmpi slt, %get3A_153, %lt3A_176 : vector<16xi32>
        %and3A_178 = arith.andi %and3A_174, %lt3A_177 : vector<16xi1>
        %sub3A_179 = arith.constant 0 : i32
        %sub3A_180 = vector.broadcast %sub3A_179 : i32 to vector<16xi32>
        %sub3A_181 = arith.subi %get3A_153, %sub3A_180 : vector<16xi32>
        %jit3A_182 = arith.constant 0 : i32
        %broadcast_in_dim3A_183 = vector.broadcast %jit3A_182 : i32 to vector<16xi32>
        %select_n3A_184 = arith.select %and3A_178, %sub3A_181, %broadcast_in_dim3A_183 : vector<16xi1>, vector<16xi32>
        tpu.vector_store_idx %arg6[%broadcast_in_dim3A_128, %select_n3A_184], %convert_element_type3A_170 masked %and3A_178 {add = true} : memref<8x15232xf32, #tpu.memory_space<vmem>>[vector<16xi32>, vector<16xi32>], vector<16xf32>, vector<16xi1>
        %get3A_185 = arith.index_cast %add3A_127 : i32 to index
        %get3A_186 = arith.constant 32 : index
        %get3A_187 = tpu.vector_load %arg5[%get3A_185, %get3A_186] {strides = array<i32>} : memref<8x256xi32, #tpu.memory_space<vmem>>, vector<16xi32>,
        %eq3A_188 = arith.constant 0 : i32
        %eq3A_189 = vector.broadcast %eq3A_188 : i32 to vector<16xi32>
        %eq3A_190 = arith.cmpi eq, %get3A_187, %eq3A_189 : vector<16xi32>
        %convert_element_type3A_191 = arith.extui %eq3A_190 : vector<16xi1> to vector<16xi32>
        %broadcast_in_dim3A_192 = arith.constant true
        %broadcast_in_dim3A_193 = vector.broadcast %broadcast_in_dim3A_192 : i1 to vector<16xi1>
        %masked_cumsum3A_194 = tpu.scan <sum>, %convert_element_type3A_191 masked %broadcast_in_dim3A_193 : vector<16xi32>, vector<16xi1> -> vector<16xi32>
        %add3A_195 = arith.addi %masked_cumsum3A_194, %add3A_166 : vector<16xi32>
        %eq3A_196 = arith.constant 0 : i32
        %eq3A_197 = vector.broadcast %eq3A_196 : i32 to vector<16xi32>
        %eq3A_198 = arith.cmpi eq, %add3A_195, %eq3A_197 : vector<16xi32>
        %all_reduce_population_count3A_199 = tpu.all_reduce %eq3A_190 {dim = 0 : i64, kind = #tpu.reduction_kind<sum>} : vector<16xi1> -> vector<16xi32>
        %add3A_200 = arith.addi %add3A_166, %all_reduce_population_count3A_199 : vector<16xi32>
        %unique3A_201, %unique3A_202 = tpu.scan_count mask(%eq3A_198 : vector<16xi1>) value(%get3A_187 : vector<16xi32>) : vector<16xi1>, vector<16xi32>
        %and3A_203 = arith.andi %unique3A_201, %eq3A_198 : vector<16xi1>
        %convert_element_type3A_204 = arith.sitofp %unique3A_202 : vector<16xi32> to vector<16xf32>
        %ge3A_205 = arith.constant 0 : i32
        %ge3A_206 = vector.broadcast %ge3A_205 : i32 to vector<16xi32>
        %ge3A_207 = arith.cmpi sge, %get3A_187, %ge3A_206 : vector<16xi32>
        %and3A_208 = arith.andi %and3A_203, %ge3A_207 : vector<16xi1>
        %lt3A_209 = arith.constant 15232 : i32
        %lt3A_210 = vector.broadcast %lt3A_209 : i32 to vector<16xi32>
        %lt3A_211 = arith.cmpi slt, %get3A_187, %lt3A_210 : vector<16xi32>
        %and3A_212 = arith.andi %and3A_208, %lt3A_211 : vector<16xi1>
        %sub3A_213 = arith.constant 0 : i32
        %sub3A_214 = vector.broadcast %sub3A_213 : i32 to vector<16xi32>
        %sub3A_215 = arith.subi %get3A_187, %sub3A_214 : vector<16xi32>
        %jit3A_216 = arith.constant 0 : i32
        %broadcast_in_dim3A_217 = vector.broadcast %jit3A_216 : i32 to vector<16xi32>
        %select_n3A_218 = arith.select %and3A_212, %sub3A_215, %broadcast_in_dim3A_217 : vector<16xi1>, vector<16xi32>
        tpu.vector_store_idx %arg6[%broadcast_in_dim3A_128, %select_n3A_218], %convert_element_type3A_204 masked %and3A_212 {add = true} : memref<8x15232xf32, #tpu.memory_space<vmem>>[vector<16xi32>, vector<16xi32>], vector<16xf32>, vector<16xi1>
        %get3A_219 = arith.index_cast %add3A_127 : i32 to index
        %get3A_220 = arith.constant 48 : index
        %get3A_221 = tpu.vector_load %arg5[%get3A_219, %get3A_220] {strides = array<i32>} : memref<8x256xi32, #tpu.memory_space<vmem>>, vector<16xi32>,
        %eq3A_222 = arith.constant 0 : i32
        %eq3A_223 = vector.broadcast %eq3A_222 : i32 to vector<16xi32>
        %eq3A_224 = arith.cmpi eq, %get3A_221, %eq3A_223 : vector<16xi32>
        %convert_element_type3A_225 = arith.extui %eq3A_224 : vector<16xi1> to vector<16xi32>
        %broadcast_in_dim3A_226 = arith.constant true
        %broadcast_in_dim3A_227 = vector.broadcast %broadcast_in_dim3A_226 : i1 to vector<16xi1>
        %masked_cumsum3A_228 = tpu.scan <sum>, %convert_element_type3A_225 masked %broadcast_in_dim3A_227 : vector<16xi32>, vector<16xi1> -> vector<16xi32>
        %add3A_229 = arith.addi %masked_cumsum3A_228, %add3A_200 : vector<16xi32>
        %eq3A_230 = arith.constant 0 : i32
        %eq3A_231 = vector.broadcast %eq3A_230 : i32 to vector<16xi32>
        %eq3A_232 = arith.cmpi eq, %add3A_229, %eq3A_231 : vector<16xi32>
        %all_reduce_population_count3A_233 = tpu.all_reduce %eq3A_224 {dim = 0 : i64, kind = #tpu.reduction_kind<sum>} : vector<16xi1> -> vector<16xi32>
        %add3A_234 = arith.addi %add3A_200, %all_reduce_population_count3A_233 : vector<16xi32>
        %unique3A_235, %unique3A_236 = tpu.scan_count mask(%eq3A_232 : vector<16xi1>) value(%get3A_221 : vector<16xi32>) : vector<16xi1>, vector<16xi32>
        %and3A_237 = arith.andi %unique3A_235, %eq3A_232 : vector<16xi1>
        %convert_element_type3A_238 = arith.sitofp %unique3A_236 : vector<16xi32> to vector<16xf32>
        %ge3A_239 = arith.constant 0 : i32
        %ge3A_240 = vector.broadcast %ge3A_239 : i32 to vector<16xi32>
        %ge3A_241 = arith.cmpi sge, %get3A_221, %ge3A_240 : vector<16xi32>
        %and3A_242 = arith.andi %and3A_237, %ge3A_241 : vector<16xi1>
        %lt3A_243 = arith.constant 15232 : i32
        %lt3A_244 = vector.broadcast %lt3A_243 : i32 to vector<16xi32>
        %lt3A_245 = arith.cmpi slt, %get3A_221, %lt3A_244 : vector<16xi32>
        %and3A_246 = arith.andi %and3A_242, %lt3A_245 : vector<16xi1>
        %sub3A_247 = arith.constant 0 : i32
        %sub3A_248 = vector.broadcast %sub3A_247 : i32 to vector<16xi32>
        %sub3A_249 = arith.subi %get3A_221, %sub3A_248 : vector<16xi32>
        %jit3A_250 = arith.constant 0 : i32
        %broadcast_in_dim3A_251 = vector.broadcast %jit3A_250 : i32 to vector<16xi32>
        %select_n3A_252 = arith.select %and3A_246, %sub3A_249, %broadcast_in_dim3A_251 : vector<16xi1>, vector<16xi32>
        tpu.vector_store_idx %arg6[%broadcast_in_dim3A_128, %select_n3A_252], %convert_element_type3A_238 masked %and3A_246 {add = true} : memref<8x15232xf32, #tpu.memory_space<vmem>>[vector<16xi32>, vector<16xi32>], vector<16xf32>, vector<16xi1>
        %get3A_253 = arith.index_cast %add3A_127 : i32 to index
        %get3A_254 = arith.constant 64 : index
        %get3A_255 = tpu.vector_load %arg5[%get3A_253, %get3A_254] {strides = array<i32>} : memref<8x256xi32, #tpu.memory_space<vmem>>, vector<16xi32>,
        %eq3A_256 = arith.constant 0 : i32
        %eq3A_257 = vector.broadcast %eq3A_256 : i32 to vector<16xi32>
        %eq3A_258 = arith.cmpi eq, %get3A_255, %eq3A_257 : vector<16xi32>
        %convert_element_type3A_259 = arith.extui %eq3A_258 : vector<16xi1> to vector<16xi32>
        %broadcast_in_dim3A_260 = arith.constant true
        %broadcast_in_dim3A_261 = vector.broadcast %broadcast_in_dim3A_260 : i1 to vector<16xi1>
        %masked_cumsum3A_262 = tpu.scan <sum>, %convert_element_type3A_259 masked %broadcast_in_dim3A_261 : vector<16xi32>, vector<16xi1> -> vector<16xi32>
        %add3A_263 = arith.addi %masked_cumsum3A_262, %add3A_234 : vector<16xi32>
        %eq3A_264 = arith.constant 0 : i32
        %eq3A_265 = vector.broadcast %eq3A_264 : i32 to vector<16xi32>
        %eq3A_266 = arith.cmpi eq, %add3A_263, %eq3A_265 : vector<16xi32>
        %all_reduce_population_count3A_267 = tpu.all_reduce %eq3A_258 {dim = 0 : i64, kind = #tpu.reduction_kind<sum>} : vector<16xi1> -> vector<16xi32>
        %add3A_268 = arith.addi %add3A_234, %all_reduce_population_count3A_267 : vector<16xi32>
        %unique3A_269, %unique3A_270 = tpu.scan_count mask(%eq3A_266 : vector<16xi1>) value(%get3A_255 : vector<16xi32>) : vector<16xi1>, vector<16xi32>
        %and3A_271 = arith.andi %unique3A_269, %eq3A_266 : vector<16xi1>
        %convert_element_type3A_272 = arith.sitofp %unique3A_270 : vector<16xi32> to vector<16xf32>
        %ge3A_273 = arith.constant 0 : i32
        %ge3A_274 = vector.broadcast %ge3A_273 : i32 to vector<16xi32>
        %ge3A_275 = arith.cmpi sge, %get3A_255, %ge3A_274 : vector<16xi32>
        %and3A_276 = arith.andi %and3A_271, %ge3A_275 : vector<16xi1>
        %lt3A_277 = arith.constant 15232 : i32
        %lt3A_278 = vector.broadcast %lt3A_277 : i32 to vector<16xi32>
        %lt3A_279 = arith.cmpi slt, %get3A_255, %lt3A_278 : vector<16xi32>
        %and3A_280 = arith.andi %and3A_276, %lt3A_279 : vector<16xi1>
        %sub3A_281 = arith.constant 0 : i32
        %sub3A_282 = vector.broadcast %sub3A_281 : i32 to vector<16xi32>
        %sub3A_283 = arith.subi %get3A_255, %sub3A_282 : vector<16xi32>
        %jit3A_284 = arith.constant 0 : i32
        %broadcast_in_dim3A_285 = vector.broadcast %jit3A_284 : i32 to vector<16xi32>
        %select_n3A_286 = arith.select %and3A_280, %sub3A_283, %broadcast_in_dim3A_285 : vector<16xi1>, vector<16xi32>
        tpu.vector_store_idx %arg6[%broadcast_in_dim3A_128, %select_n3A_286], %convert_element_type3A_272 masked %and3A_280 {add = true} : memref<8x15232xf32, #tpu.memory_space<vmem>>[vector<16xi32>, vector<16xi32>], vector<16xf32>, vector<16xi1>
        %get3A_287 = arith.index_cast %add3A_127 : i32 to index
        %get3A_288 = arith.constant 80 : index
        %get3A_289 = tpu.vector_load %arg5[%get3A_287, %get3A_288] {strides = array<i32>} : memref<8x256xi32, #tpu.memory_space<vmem>>, vector<16xi32>,
        %eq3A_290 = arith.constant 0 : i32
        %eq3A_291 = vector.broadcast %eq3A_290 : i32 to vector<16xi32>
        %eq3A_292 = arith.cmpi eq, %get3A_289, %eq3A_291 : vector<16xi32>
        %convert_element_type3A_293 = arith.extui %eq3A_292 : vector<16xi1> to vector<16xi32>
        %broadcast_in_dim3A_294 = arith.constant true
        %broadcast_in_dim3A_295 = vector.broadcast %broadcast_in_dim3A_294 : i1 to vector<16xi1>
        %masked_cumsum3A_296 = tpu.scan <sum>, %convert_element_type3A_293 masked %broadcast_in_dim3A_295 : vector<16xi32>, vector<16xi1> -> vector<16xi32>
        %add3A_297 = arith.addi %masked_cumsum3A_296, %add3A_268 : vector<16xi32>
        %eq3A_298 = arith.constant 0 : i32
        %eq3A_299 = vector.broadcast %eq3A_298 : i32 to vector<16xi32>
        %eq3A_300 = arith.cmpi eq, %add3A_297, %eq3A_299 : vector<16xi32>
        %all_reduce_population_count3A_301 = tpu.all_reduce %eq3A_292 {dim = 0 : i64, kind = #tpu.reduction_kind<sum>} : vector<16xi1> -> vector<16xi32>
        %add3A_302 = arith.addi %add3A_268, %all_reduce_population_count3A_301 : vector<16xi32>
        %unique3A_303, %unique3A_304 = tpu.scan_count mask(%eq3A_300 : vector<16xi1>) value(%get3A_289 : vector<16xi32>) : vector<16xi1>, vector<16xi32>
        %and3A_305 = arith.andi %unique3A_303, %eq3A_300 : vector<16xi1>
        %convert_element_type3A_306 = arith.sitofp %unique3A_304 : vector<16xi32> to vector<16xf32>
        %ge3A_307 = arith.constant 0 : i32
        %ge3A_308 = vector.broadcast %ge3A_307 : i32 to vector<16xi32>
        %ge3A_309 = arith.cmpi sge, %get3A_289, %ge3A_308 : vector<16xi32>
        %and3A_310 = arith.andi %and3A_305, %ge3A_309 : vector<16xi1>
        %lt3A_311 = arith.constant 15232 : i32
        %lt3A_312 = vector.broadcast %lt3A_311 : i32 to vector<16xi32>
        %lt3A_313 = arith.cmpi slt, %get3A_289, %lt3A_312 : vector<16xi32>
        %and3A_314 = arith.andi %and3A_310, %lt3A_313 : vector<16xi1>
        %sub3A_315 = arith.constant 0 : i32
        %sub3A_316 = vector.broadcast %sub3A_315 : i32 to vector<16xi32>
        %sub3A_317 = arith.subi %get3A_289, %sub3A_316 : vector<16xi32>
        %jit3A_318 = arith.constant 0 : i32
        %broadcast_in_dim3A_319 = vector.broadcast %jit3A_318 : i32 to vector<16xi32>
        %select_n3A_320 = arith.select %and3A_314, %sub3A_317, %broadcast_in_dim3A_319 : vector<16xi1>, vector<16xi32>
        tpu.vector_store_idx %arg6[%broadcast_in_dim3A_128, %select_n3A_320], %convert_element_type3A_306 masked %and3A_314 {add = true} : memref<8x15232xf32, #tpu.memory_space<vmem>>[vector<16xi32>, vector<16xi32>], vector<16xf32>, vector<16xi1>
        %get3A_321 = arith.index_cast %add3A_127 : i32 to index
        %get3A_322 = arith.constant 96 : index
        %get3A_323 = tpu.vector_load %arg5[%get3A_321, %get3A_322] {strides = array<i32>} : memref<8x256xi32, #tpu.memory_space<vmem>>, vector<16xi32>,
        %eq3A_324 = arith.constant 0 : i32
        %eq3A_325 = vector.broadcast %eq3A_324 : i32 to vector<16xi32>
        %eq3A_326 = arith.cmpi eq, %get3A_323, %eq3A_325 : vector<16xi32>
        %convert_element_type3A_327 = arith.extui %eq3A_326 : vector<16xi1> to vector<16xi32>
        %broadcast_in_dim3A_328 = arith.constant true
        %broadcast_in_dim3A_329 = vector.broadcast %broadcast_in_dim3A_328 : i1 to vector<16xi1>
        %masked_cumsum3A_330 = tpu.scan <sum>, %convert_element_type3A_327 masked %broadcast_in_dim3A_329 : vector<16xi32>, vector<16xi1> -> vector<16xi32>
        %add3A_331 = arith.addi %masked_cumsum3A_330, %add3A_302 : vector<16xi32>
        %eq3A_332 = arith.constant 0 : i32
        %eq3A_333 = vector.broadcast %eq3A_332 : i32 to vector<16xi32>
        %eq3A_334 = arith.cmpi eq, %add3A_331, %eq3A_333 : vector<16xi32>
        %all_reduce_population_count3A_335 = tpu.all_reduce %eq3A_326 {dim = 0 : i64, kind = #tpu.reduction_kind<sum>} : vector<16xi1> -> vector<16xi32>
        %add3A_336 = arith.addi %add3A_302, %all_reduce_population_count3A_335 : vector<16xi32>
        %unique3A_337, %unique3A_338 = tpu.scan_count mask(%eq3A_334 : vector<16xi1>) value(%get3A_323 : vector<16xi32>) : vector<16xi1>, vector<16xi32>
        %and3A_339 = arith.andi %unique3A_337, %eq3A_334 : vector<16xi1>
        %convert_element_type3A_340 = arith.sitofp %unique3A_338 : vector<16xi32> to vector<16xf32>
        %ge3A_341 = arith.constant 0 : i32
        %ge3A_342 = vector.broadcast %ge3A_341 : i32 to vector<16xi32>
        %ge3A_343 = arith.cmpi sge, %get3A_323, %ge3A_342 : vector<16xi32>
        %and3A_344 = arith.andi %and3A_339, %ge3A_343 : vector<16xi1>
        %lt3A_345 = arith.constant 15232 : i32
        %lt3A_346 = vector.broadcast %lt3A_345 : i32 to vector<16xi32>
        %lt3A_347 = arith.cmpi slt, %get3A_323, %lt3A_346 : vector<16xi32>
        %and3A_348 = arith.andi %and3A_344, %lt3A_347 : vector<16xi1>
        %sub3A_349 = arith.constant 0 : i32
        %sub3A_350 = vector.broadcast %sub3A_349 : i32 to vector<16xi32>
        %sub3A_351 = arith.subi %get3A_323, %sub3A_350 : vector<16xi32>
        %jit3A_352 = arith.constant 0 : i32
        %broadcast_in_dim3A_353 = vector.broadcast %jit3A_352 : i32 to vector<16xi32>
        %select_n3A_354 = arith.select %and3A_348, %sub3A_351, %broadcast_in_dim3A_353 : vector<16xi1>, vector<16xi32>
        tpu.vector_store_idx %arg6[%broadcast_in_dim3A_128, %select_n3A_354], %convert_element_type3A_340 masked %and3A_348 {add = true} : memref<8x15232xf32, #tpu.memory_space<vmem>>[vector<16xi32>, vector<16xi32>], vector<16xf32>, vector<16xi1>
        %get3A_355 = arith.index_cast %add3A_127 : i32 to index
        %get3A_356 = arith.constant 112 : index
        %get3A_357 = tpu.vector_load %arg5[%get3A_355, %get3A_356] {strides = array<i32>} : memref<8x256xi32, #tpu.memory_space<vmem>>, vector<16xi32>,
        %eq3A_358 = arith.constant 0 : i32
        %eq3A_359 = vector.broadcast %eq3A_358 : i32 to vector<16xi32>
        %eq3A_360 = arith.cmpi eq, %get3A_357, %eq3A_359 : vector<16xi32>
        %convert_element_type3A_361 = arith.extui %eq3A_360 : vector<16xi1> to vector<16xi32>
        %broadcast_in_dim3A_362 = arith.constant true
        %broadcast_in_dim3A_363 = vector.broadcast %broadcast_in_dim3A_362 : i1 to vector<16xi1>
        %masked_cumsum3A_364 = tpu.scan <sum>, %convert_element_type3A_361 masked %broadcast_in_dim3A_363 : vector<16xi32>, vector<16xi1> -> vector<16xi32>
        %add3A_365 = arith.addi %masked_cumsum3A_364, %add3A_336 : vector<16xi32>
        %eq3A_366 = arith.constant 0 : i32
        %eq3A_367 = vector.broadcast %eq3A_366 : i32 to vector<16xi32>
        %eq3A_368 = arith.cmpi eq, %add3A_365, %eq3A_367 : vector<16xi32>
        %all_reduce_population_count3A_369 = tpu.all_reduce %eq3A_360 {dim = 0 : i64, kind = #tpu.reduction_kind<sum>} : vector<16xi1> -> vector<16xi32>
        %add3A_370 = arith.addi %add3A_336, %all_reduce_population_count3A_369 : vector<16xi32>
        %unique3A_371, %unique3A_372 = tpu.scan_count mask(%eq3A_368 : vector<16xi1>) value(%get3A_357 : vector<16xi32>) : vector<16xi1>, vector<16xi32>
        %and3A_373 = arith.andi %unique3A_371, %eq3A_368 : vector<16xi1>
        %convert_element_type3A_374 = arith.sitofp %unique3A_372 : vector<16xi32> to vector<16xf32>
        %ge3A_375 = arith.constant 0 : i32
        %ge3A_376 = vector.broadcast %ge3A_375 : i32 to vector<16xi32>
        %ge3A_377 = arith.cmpi sge, %get3A_357, %ge3A_376 : vector<16xi32>
        %and3A_378 = arith.andi %and3A_373, %ge3A_377 : vector<16xi1>
        %lt3A_379 = arith.constant 15232 : i32
        %lt3A_380 = vector.broadcast %lt3A_379 : i32 to vector<16xi32>
        %lt3A_381 = arith.cmpi slt, %get3A_357, %lt3A_380 : vector<16xi32>
        %and3A_382 = arith.andi %and3A_378, %lt3A_381 : vector<16xi1>
        %sub3A_383 = arith.constant 0 : i32
        %sub3A_384 = vector.broadcast %sub3A_383 : i32 to vector<16xi32>
        %sub3A_385 = arith.subi %get3A_357, %sub3A_384 : vector<16xi32>
        %jit3A_386 = arith.constant 0 : i32
        %broadcast_in_dim3A_387 = vector.broadcast %jit3A_386 : i32 to vector<16xi32>
        %select_n3A_388 = arith.select %and3A_382, %sub3A_385, %broadcast_in_dim3A_387 : vector<16xi1>, vector<16xi32>
        tpu.vector_store_idx %arg6[%broadcast_in_dim3A_128, %select_n3A_388], %convert_element_type3A_374 masked %and3A_382 {add = true} : memref<8x15232xf32, #tpu.memory_space<vmem>>[vector<16xi32>, vector<16xi32>], vector<16xf32>, vector<16xi1>
        %get3A_389 = arith.index_cast %add3A_127 : i32 to index
        %get3A_390 = arith.constant 128 : index
        %get3A_391 = tpu.vector_load %arg5[%get3A_389, %get3A_390] {strides = array<i32>} : memref<8x256xi32, #tpu.memory_space<vmem>>, vector<16xi32>,
        %eq3A_392 = arith.constant 0 : i32
        %eq3A_393 = vector.broadcast %eq3A_392 : i32 to vector<16xi32>
        %eq3A_394 = arith.cmpi eq, %get3A_391, %eq3A_393 : vector<16xi32>
        %convert_element_type3A_395 = arith.extui %eq3A_394 : vector<16xi1> to vector<16xi32>
        %broadcast_in_dim3A_396 = arith.constant true
        %broadcast_in_dim3A_397 = vector.broadcast %broadcast_in_dim3A_396 : i1 to vector<16xi1>
        %masked_cumsum3A_398 = tpu.scan <sum>, %convert_element_type3A_395 masked %broadcast_in_dim3A_397 : vector<16xi32>, vector<16xi1> -> vector<16xi32>
        %add3A_399 = arith.addi %masked_cumsum3A_398, %add3A_370 : vector<16xi32>
        %eq3A_400 = arith.constant 0 : i32
        %eq3A_401 = vector.broadcast %eq3A_400 : i32 to vector<16xi32>
        %eq3A_402 = arith.cmpi eq, %add3A_399, %eq3A_401 : vector<16xi32>
        %all_reduce_population_count3A_403 = tpu.all_reduce %eq3A_394 {dim = 0 : i64, kind = #tpu.reduction_kind<sum>} : vector<16xi1> -> vector<16xi32>
        %add3A_404 = arith.addi %add3A_370, %all_reduce_population_count3A_403 : vector<16xi32>
        %unique3A_405, %unique3A_406 = tpu.scan_count mask(%eq3A_402 : vector<16xi1>) value(%get3A_391 : vector<16xi32>) : vector<16xi1>, vector<16xi32>
        %and3A_407 = arith.andi %unique3A_405, %eq3A_402 : vector<16xi1>
        %convert_element_type3A_408 = arith.sitofp %unique3A_406 : vector<16xi32> to vector<16xf32>
        %ge3A_409 = arith.constant 0 : i32
        %ge3A_410 = vector.broadcast %ge3A_409 : i32 to vector<16xi32>
        %ge3A_411 = arith.cmpi sge, %get3A_391, %ge3A_410 : vector<16xi32>
        %and3A_412 = arith.andi %and3A_407, %ge3A_411 : vector<16xi1>
        %lt3A_413 = arith.constant 15232 : i32
        %lt3A_414 = vector.broadcast %lt3A_413 : i32 to vector<16xi32>
        %lt3A_415 = arith.cmpi slt, %get3A_391, %lt3A_414 : vector<16xi32>
        %and3A_416 = arith.andi %and3A_412, %lt3A_415 : vector<16xi1>
        %sub3A_417 = arith.constant 0 : i32
        %sub3A_418 = vector.broadcast %sub3A_417 : i32 to vector<16xi32>
        %sub3A_419 = arith.subi %get3A_391, %sub3A_418 : vector<16xi32>
        %jit3A_420 = arith.constant 0 : i32
        %broadcast_in_dim3A_421 = vector.broadcast %jit3A_420 : i32 to vector<16xi32>
        %select_n3A_422 = arith.select %and3A_416, %sub3A_419, %broadcast_in_dim3A_421 : vector<16xi1>, vector<16xi32>
        tpu.vector_store_idx %arg6[%broadcast_in_dim3A_128, %select_n3A_422], %convert_element_type3A_408 masked %and3A_416 {add = true} : memref<8x15232xf32, #tpu.memory_space<vmem>>[vector<16xi32>, vector<16xi32>], vector<16xf32>, vector<16xi1>
        %get3A_423 = arith.index_cast %add3A_127 : i32 to index
        %get3A_424 = arith.constant 144 : index
        %get3A_425 = tpu.vector_load %arg5[%get3A_423, %get3A_424] {strides = array<i32>} : memref<8x256xi32, #tpu.memory_space<vmem>>, vector<16xi32>,
        %eq3A_426 = arith.constant 0 : i32
        %eq3A_427 = vector.broadcast %eq3A_426 : i32 to vector<16xi32>
        %eq3A_428 = arith.cmpi eq, %get3A_425, %eq3A_427 : vector<16xi32>
        %convert_element_type3A_429 = arith.extui %eq3A_428 : vector<16xi1> to vector<16xi32>
        %broadcast_in_dim3A_430 = arith.constant true
        %broadcast_in_dim3A_431 = vector.broadcast %broadcast_in_dim3A_430 : i1 to vector<16xi1>
        %masked_cumsum3A_432 = tpu.scan <sum>, %convert_element_type3A_429 masked %broadcast_in_dim3A_431 : vector<16xi32>, vector<16xi1> -> vector<16xi32>
        %add3A_433 = arith.addi %masked_cumsum3A_432, %add3A_404 : vector<16xi32>
        %eq3A_434 = arith.constant 0 : i32
        %eq3A_435 = vector.broadcast %eq3A_434 : i32 to vector<16xi32>
        %eq3A_436 = arith.cmpi eq, %add3A_433, %eq3A_435 : vector<16xi32>
        %all_reduce_population_count3A_437 = tpu.all_reduce %eq3A_428 {dim = 0 : i64, kind = #tpu.reduction_kind<sum>} : vector<16xi1> -> vector<16xi32>
        %add3A_438 = arith.addi %add3A_404, %all_reduce_population_count3A_437 : vector<16xi32>
        %unique3A_439, %unique3A_440 = tpu.scan_count mask(%eq3A_436 : vector<16xi1>) value(%get3A_425 : vector<16xi32>) : vector<16xi1>, vector<16xi32>
        %and3A_441 = arith.andi %unique3A_439, %eq3A_436 : vector<16xi1>
        %convert_element_type3A_442 = arith.sitofp %unique3A_440 : vector<16xi32> to vector<16xf32>
        %ge3A_443 = arith.constant 0 : i32
        %ge3A_444 = vector.broadcast %ge3A_443 : i32 to vector<16xi32>
        %ge3A_445 = arith.cmpi sge, %get3A_425, %ge3A_444 : vector<16xi32>
        %and3A_446 = arith.andi %and3A_441, %ge3A_445 : vector<16xi1>
        %lt3A_447 = arith.constant 15232 : i32
        %lt3A_448 = vector.broadcast %lt3A_447 : i32 to vector<16xi32>
        %lt3A_449 = arith.cmpi slt, %get3A_425, %lt3A_448 : vector<16xi32>
        %and3A_450 = arith.andi %and3A_446, %lt3A_449 : vector<16xi1>
        %sub3A_451 = arith.constant 0 : i32
        %sub3A_452 = vector.broadcast %sub3A_451 : i32 to vector<16xi32>
        %sub3A_453 = arith.subi %get3A_425, %sub3A_452 : vector<16xi32>
        %jit3A_454 = arith.constant 0 : i32
        %broadcast_in_dim3A_455 = vector.broadcast %jit3A_454 : i32 to vector<16xi32>
        %select_n3A_456 = arith.select %and3A_450, %sub3A_453, %broadcast_in_dim3A_455 : vector<16xi1>, vector<16xi32>
        tpu.vector_store_idx %arg6[%broadcast_in_dim3A_128, %select_n3A_456], %convert_element_type3A_442 masked %and3A_450 {add = true} : memref<8x15232xf32, #tpu.memory_space<vmem>>[vector<16xi32>, vector<16xi32>], vector<16xf32>, vector<16xi1>
        %get3A_457 = arith.index_cast %add3A_127 : i32 to index
        %get3A_458 = arith.constant 160 : index
        %get3A_459 = tpu.vector_load %arg5[%get3A_457, %get3A_458] {strides = array<i32>} : memref<8x256xi32, #tpu.memory_space<vmem>>, vector<16xi32>,
        %eq3A_460 = arith.constant 0 : i32
        %eq3A_461 = vector.broadcast %eq3A_460 : i32 to vector<16xi32>
        %eq3A_462 = arith.cmpi eq, %get3A_459, %eq3A_461 : vector<16xi32>
        %convert_element_type3A_463 = arith.extui %eq3A_462 : vector<16xi1> to vector<16xi32>
        %broadcast_in_dim3A_464 = arith.constant true
        %broadcast_in_dim3A_465 = vector.broadcast %broadcast_in_dim3A_464 : i1 to vector<16xi1>
        %masked_cumsum3A_466 = tpu.scan <sum>, %convert_element_type3A_463 masked %broadcast_in_dim3A_465 : vector<16xi32>, vector<16xi1> -> vector<16xi32>
        %add3A_467 = arith.addi %masked_cumsum3A_466, %add3A_438 : vector<16xi32>
        %eq3A_468 = arith.constant 0 : i32
        %eq3A_469 = vector.broadcast %eq3A_468 : i32 to vector<16xi32>
        %eq3A_470 = arith.cmpi eq, %add3A_467, %eq3A_469 : vector<16xi32>
        %all_reduce_population_count3A_471 = tpu.all_reduce %eq3A_462 {dim = 0 : i64, kind = #tpu.reduction_kind<sum>} : vector<16xi1> -> vector<16xi32>
        %add3A_472 = arith.addi %add3A_438, %all_reduce_population_count3A_471 : vector<16xi32>
        %unique3A_473, %unique3A_474 = tpu.scan_count mask(%eq3A_470 : vector<16xi1>) value(%get3A_459 : vector<16xi32>) : vector<16xi1>, vector<16xi32>
        %and3A_475 = arith.andi %unique3A_473, %eq3A_470 : vector<16xi1>
        %convert_element_type3A_476 = arith.sitofp %unique3A_474 : vector<16xi32> to vector<16xf32>
        %ge3A_477 = arith.constant 0 : i32
        %ge3A_478 = vector.broadcast %ge3A_477 : i32 to vector<16xi32>
        %ge3A_479 = arith.cmpi sge, %get3A_459, %ge3A_478 : vector<16xi32>
        %and3A_480 = arith.andi %and3A_475, %ge3A_479 : vector<16xi1>
        %lt3A_481 = arith.constant 15232 : i32
        %lt3A_482 = vector.broadcast %lt3A_481 : i32 to vector<16xi32>
        %lt3A_483 = arith.cmpi slt, %get3A_459, %lt3A_482 : vector<16xi32>
        %and3A_484 = arith.andi %and3A_480, %lt3A_483 : vector<16xi1>
        %sub3A_485 = arith.constant 0 : i32
        %sub3A_486 = vector.broadcast %sub3A_485 : i32 to vector<16xi32>
        %sub3A_487 = arith.subi %get3A_459, %sub3A_486 : vector<16xi32>
        %jit3A_488 = arith.constant 0 : i32
        %broadcast_in_dim3A_489 = vector.broadcast %jit3A_488 : i32 to vector<16xi32>
        %select_n3A_490 = arith.select %and3A_484, %sub3A_487, %broadcast_in_dim3A_489 : vector<16xi1>, vector<16xi32>
        tpu.vector_store_idx %arg6[%broadcast_in_dim3A_128, %select_n3A_490], %convert_element_type3A_476 masked %and3A_484 {add = true} : memref<8x15232xf32, #tpu.memory_space<vmem>>[vector<16xi32>, vector<16xi32>], vector<16xf32>, vector<16xi1>
        %get3A_491 = arith.index_cast %add3A_127 : i32 to index
        %get3A_492 = arith.constant 176 : index
        %get3A_493 = tpu.vector_load %arg5[%get3A_491, %get3A_492] {strides = array<i32>} : memref<8x256xi32, #tpu.memory_space<vmem>>, vector<16xi32>,
        %eq3A_494 = arith.constant 0 : i32
        %eq3A_495 = vector.broadcast %eq3A_494 : i32 to vector<16xi32>
        %eq3A_496 = arith.cmpi eq, %get3A_493, %eq3A_495 : vector<16xi32>
        %convert_element_type3A_497 = arith.extui %eq3A_496 : vector<16xi1> to vector<16xi32>
        %broadcast_in_dim3A_498 = arith.constant true
        %broadcast_in_dim3A_499 = vector.broadcast %broadcast_in_dim3A_498 : i1 to vector<16xi1>
        %masked_cumsum3A_500 = tpu.scan <sum>, %convert_element_type3A_497 masked %broadcast_in_dim3A_499 : vector<16xi32>, vector<16xi1> -> vector<16xi32>
        %add3A_501 = arith.addi %masked_cumsum3A_500, %add3A_472 : vector<16xi32>
        %eq3A_502 = arith.constant 0 : i32
        %eq3A_503 = vector.broadcast %eq3A_502 : i32 to vector<16xi32>
        %eq3A_504 = arith.cmpi eq, %add3A_501, %eq3A_503 : vector<16xi32>
        %all_reduce_population_count3A_505 = tpu.all_reduce %eq3A_496 {dim = 0 : i64, kind = #tpu.reduction_kind<sum>} : vector<16xi1> -> vector<16xi32>
        %add3A_506 = arith.addi %add3A_472, %all_reduce_population_count3A_505 : vector<16xi32>
        %unique3A_507, %unique3A_508 = tpu.scan_count mask(%eq3A_504 : vector<16xi1>) value(%get3A_493 : vector<16xi32>) : vector<16xi1>, vector<16xi32>
        %and3A_509 = arith.andi %unique3A_507, %eq3A_504 : vector<16xi1>
        %convert_element_type3A_510 = arith.sitofp %unique3A_508 : vector<16xi32> to vector<16xf32>
        %ge3A_511 = arith.constant 0 : i32
        %ge3A_512 = vector.broadcast %ge3A_511 : i32 to vector<16xi32>
        %ge3A_513 = arith.cmpi sge, %get3A_493, %ge3A_512 : vector<16xi32>
        %and3A_514 = arith.andi %and3A_509, %ge3A_513 : vector<16xi1>
        %lt3A_515 = arith.constant 15232 : i32
        %lt3A_516 = vector.broadcast %lt3A_515 : i32 to vector<16xi32>
        %lt3A_517 = arith.cmpi slt, %get3A_493, %lt3A_516 : vector<16xi32>
        %and3A_518 = arith.andi %and3A_514, %lt3A_517 : vector<16xi1>
        %sub3A_519 = arith.constant 0 : i32
        %sub3A_520 = vector.broadcast %sub3A_519 : i32 to vector<16xi32>
        %sub3A_521 = arith.subi %get3A_493, %sub3A_520 : vector<16xi32>
        %jit3A_522 = arith.constant 0 : i32
        %broadcast_in_dim3A_523 = vector.broadcast %jit3A_522 : i32 to vector<16xi32>
        %select_n3A_524 = arith.select %and3A_518, %sub3A_521, %broadcast_in_dim3A_523 : vector<16xi1>, vector<16xi32>
        tpu.vector_store_idx %arg6[%broadcast_in_dim3A_128, %select_n3A_524], %convert_element_type3A_510 masked %and3A_518 {add = true} : memref<8x15232xf32, #tpu.memory_space<vmem>>[vector<16xi32>, vector<16xi32>], vector<16xf32>, vector<16xi1>
        %get3A_525 = arith.index_cast %add3A_127 : i32 to index
        %get3A_526 = arith.constant 192 : index
        %get3A_527 = tpu.vector_load %arg5[%get3A_525, %get3A_526] {strides = array<i32>} : memref<8x256xi32, #tpu.memory_space<vmem>>, vector<16xi32>,
        %eq3A_528 = arith.constant 0 : i32
        %eq3A_529 = vector.broadcast %eq3A_528 : i32 to vector<16xi32>
        %eq3A_530 = arith.cmpi eq, %get3A_527, %eq3A_529 : vector<16xi32>
        %convert_element_type3A_531 = arith.extui %eq3A_530 : vector<16xi1> to vector<16xi32>
        %broadcast_in_dim3A_532 = arith.constant true
        %broadcast_in_dim3A_533 = vector.broadcast %broadcast_in_dim3A_532 : i1 to vector<16xi1>
        %masked_cumsum3A_534 = tpu.scan <sum>, %convert_element_type3A_531 masked %broadcast_in_dim3A_533 : vector<16xi32>, vector<16xi1> -> vector<16xi32>
        %add3A_535 = arith.addi %masked_cumsum3A_534, %add3A_506 : vector<16xi32>
        %eq3A_536 = arith.constant 0 : i32
        %eq3A_537 = vector.broadcast %eq3A_536 : i32 to vector<16xi32>
        %eq3A_538 = arith.cmpi eq, %add3A_535, %eq3A_537 : vector<16xi32>
        %all_reduce_population_count3A_539 = tpu.all_reduce %eq3A_530 {dim = 0 : i64, kind = #tpu.reduction_kind<sum>} : vector<16xi1> -> vector<16xi32>
        %add3A_540 = arith.addi %add3A_506, %all_reduce_population_count3A_539 : vector<16xi32>
        %unique3A_541, %unique3A_542 = tpu.scan_count mask(%eq3A_538 : vector<16xi1>) value(%get3A_527 : vector<16xi32>) : vector<16xi1>, vector<16xi32>
        %and3A_543 = arith.andi %unique3A_541, %eq3A_538 : vector<16xi1>
        %convert_element_type3A_544 = arith.sitofp %unique3A_542 : vector<16xi32> to vector<16xf32>
        %ge3A_545 = arith.constant 0 : i32
        %ge3A_546 = vector.broadcast %ge3A_545 : i32 to vector<16xi32>
        %ge3A_547 = arith.cmpi sge, %get3A_527, %ge3A_546 : vector<16xi32>
        %and3A_548 = arith.andi %and3A_543, %ge3A_547 : vector<16xi1>
        %lt3A_549 = arith.constant 15232 : i32
        %lt3A_550 = vector.broadcast %lt3A_549 : i32 to vector<16xi32>
        %lt3A_551 = arith.cmpi slt, %get3A_527, %lt3A_550 : vector<16xi32>
        %and3A_552 = arith.andi %and3A_548, %lt3A_551 : vector<16xi1>
        %sub3A_553 = arith.constant 0 : i32
        %sub3A_554 = vector.broadcast %sub3A_553 : i32 to vector<16xi32>
        %sub3A_555 = arith.subi %get3A_527, %sub3A_554 : vector<16xi32>
        %jit3A_556 = arith.constant 0 : i32
        %broadcast_in_dim3A_557 = vector.broadcast %jit3A_556 : i32 to vector<16xi32>
        %select_n3A_558 = arith.select %and3A_552, %sub3A_555, %broadcast_in_dim3A_557 : vector<16xi1>, vector<16xi32>
        tpu.vector_store_idx %arg6[%broadcast_in_dim3A_128, %select_n3A_558], %convert_element_type3A_544 masked %and3A_552 {add = true} : memref<8x15232xf32, #tpu.memory_space<vmem>>[vector<16xi32>, vector<16xi32>], vector<16xf32>, vector<16xi1>
        %get3A_559 = arith.index_cast %add3A_127 : i32 to index
        %get3A_560 = arith.constant 208 : index
        %get3A_561 = tpu.vector_load %arg5[%get3A_559, %get3A_560] {strides = array<i32>} : memref<8x256xi32, #tpu.memory_space<vmem>>, vector<16xi32>,
        %eq3A_562 = arith.constant 0 : i32
        %eq3A_563 = vector.broadcast %eq3A_562 : i32 to vector<16xi32>
        %eq3A_564 = arith.cmpi eq, %get3A_561, %eq3A_563 : vector<16xi32>
        %convert_element_type3A_565 = arith.extui %eq3A_564 : vector<16xi1> to vector<16xi32>
        %broadcast_in_dim3A_566 = arith.constant true
        %broadcast_in_dim3A_567 = vector.broadcast %broadcast_in_dim3A_566 : i1 to vector<16xi1>
        %masked_cumsum3A_568 = tpu.scan <sum>, %convert_element_type3A_565 masked %broadcast_in_dim3A_567 : vector<16xi32>, vector<16xi1> -> vector<16xi32>
        %add3A_569 = arith.addi %masked_cumsum3A_568, %add3A_540 : vector<16xi32>
        %eq3A_570 = arith.constant 0 : i32
        %eq3A_571 = vector.broadcast %eq3A_570 : i32 to vector<16xi32>
        %eq3A_572 = arith.cmpi eq, %add3A_569, %eq3A_571 : vector<16xi32>
        %all_reduce_population_count3A_573 = tpu.all_reduce %eq3A_564 {dim = 0 : i64, kind = #tpu.reduction_kind<sum>} : vector<16xi1> -> vector<16xi32>
        %add3A_574 = arith.addi %add3A_540, %all_reduce_population_count3A_573 : vector<16xi32>
        %unique3A_575, %unique3A_576 = tpu.scan_count mask(%eq3A_572 : vector<16xi1>) value(%get3A_561 : vector<16xi32>) : vector<16xi1>, vector<16xi32>
        %and3A_577 = arith.andi %unique3A_575, %eq3A_572 : vector<16xi1>
        %convert_element_type3A_578 = arith.sitofp %unique3A_576 : vector<16xi32> to vector<16xf32>
        %ge3A_579 = arith.constant 0 : i32
        %ge3A_580 = vector.broadcast %ge3A_579 : i32 to vector<16xi32>
        %ge3A_581 = arith.cmpi sge, %get3A_561, %ge3A_580 : vector<16xi32>
        %and3A_582 = arith.andi %and3A_577, %ge3A_581 : vector<16xi1>
        %lt3A_583 = arith.constant 15232 : i32
        %lt3A_584 = vector.broadcast %lt3A_583 : i32 to vector<16xi32>
        %lt3A_585 = arith.cmpi slt, %get3A_561, %lt3A_584 : vector<16xi32>
        %and3A_586 = arith.andi %and3A_582, %lt3A_585 : vector<16xi1>
        %sub3A_587 = arith.constant 0 : i32
        %sub3A_588 = vector.broadcast %sub3A_587 : i32 to vector<16xi32>
        %sub3A_589 = arith.subi %get3A_561, %sub3A_588 : vector<16xi32>
        %jit3A_590 = arith.constant 0 : i32
        %broadcast_in_dim3A_591 = vector.broadcast %jit3A_590 : i32 to vector<16xi32>
        %select_n3A_592 = arith.select %and3A_586, %sub3A_589, %broadcast_in_dim3A_591 : vector<16xi1>, vector<16xi32>
        tpu.vector_store_idx %arg6[%broadcast_in_dim3A_128, %select_n3A_592], %convert_element_type3A_578 masked %and3A_586 {add = true} : memref<8x15232xf32, #tpu.memory_space<vmem>>[vector<16xi32>, vector<16xi32>], vector<16xf32>, vector<16xi1>
        %get3A_593 = arith.index_cast %add3A_127 : i32 to index
        %get3A_594 = arith.constant 224 : index
        %get3A_595 = tpu.vector_load %arg5[%get3A_593, %get3A_594] {strides = array<i32>} : memref<8x256xi32, #tpu.memory_space<vmem>>, vector<16xi32>,
        %eq3A_596 = arith.constant 0 : i32
        %eq3A_597 = vector.broadcast %eq3A_596 : i32 to vector<16xi32>
        %eq3A_598 = arith.cmpi eq, %get3A_595, %eq3A_597 : vector<16xi32>
        %convert_element_type3A_599 = arith.extui %eq3A_598 : vector<16xi1> to vector<16xi32>
        %broadcast_in_dim3A_600 = arith.constant true
        %broadcast_in_dim3A_601 = vector.broadcast %broadcast_in_dim3A_600 : i1 to vector<16xi1>
        %masked_cumsum3A_602 = tpu.scan <sum>, %convert_element_type3A_599 masked %broadcast_in_dim3A_601 : vector<16xi32>, vector<16xi1> -> vector<16xi32>
        %add3A_603 = arith.addi %masked_cumsum3A_602, %add3A_574 : vector<16xi32>
        %eq3A_604 = arith.constant 0 : i32
        %eq3A_605 = vector.broadcast %eq3A_604 : i32 to vector<16xi32>
        %eq3A_606 = arith.cmpi eq, %add3A_603, %eq3A_605 : vector<16xi32>
        %all_reduce_population_count3A_607 = tpu.all_reduce %eq3A_598 {dim = 0 : i64, kind = #tpu.reduction_kind<sum>} : vector<16xi1> -> vector<16xi32>
        %add3A_608 = arith.addi %add3A_574, %all_reduce_population_count3A_607 : vector<16xi32>
        %unique3A_609, %unique3A_610 = tpu.scan_count mask(%eq3A_606 : vector<16xi1>) value(%get3A_595 : vector<16xi32>) : vector<16xi1>, vector<16xi32>
        %and3A_611 = arith.andi %unique3A_609, %eq3A_606 : vector<16xi1>
        %convert_element_type3A_612 = arith.sitofp %unique3A_610 : vector<16xi32> to vector<16xf32>
        %ge3A_613 = arith.constant 0 : i32
        %ge3A_614 = vector.broadcast %ge3A_613 : i32 to vector<16xi32>
        %ge3A_615 = arith.cmpi sge, %get3A_595, %ge3A_614 : vector<16xi32>
        %and3A_616 = arith.andi %and3A_611, %ge3A_615 : vector<16xi1>
        %lt3A_617 = arith.constant 15232 : i32
        %lt3A_618 = vector.broadcast %lt3A_617 : i32 to vector<16xi32>
        %lt3A_619 = arith.cmpi slt, %get3A_595, %lt3A_618 : vector<16xi32>
        %and3A_620 = arith.andi %and3A_616, %lt3A_619 : vector<16xi1>
        %sub3A_621 = arith.constant 0 : i32
        %sub3A_622 = vector.broadcast %sub3A_621 : i32 to vector<16xi32>
        %sub3A_623 = arith.subi %get3A_595, %sub3A_622 : vector<16xi32>
        %jit3A_624 = arith.constant 0 : i32
        %broadcast_in_dim3A_625 = vector.broadcast %jit3A_624 : i32 to vector<16xi32>
        %select_n3A_626 = arith.select %and3A_620, %sub3A_623, %broadcast_in_dim3A_625 : vector<16xi1>, vector<16xi32>
        tpu.vector_store_idx %arg6[%broadcast_in_dim3A_128, %select_n3A_626], %convert_element_type3A_612 masked %and3A_620 {add = true} : memref<8x15232xf32, #tpu.memory_space<vmem>>[vector<16xi32>, vector<16xi32>], vector<16xf32>, vector<16xi1>
        %get3A_627 = arith.index_cast %add3A_127 : i32 to index
        %get3A_628 = arith.constant 240 : index
        %get3A_629 = tpu.vector_load %arg5[%get3A_627, %get3A_628] {strides = array<i32>} : memref<8x256xi32, #tpu.memory_space<vmem>>, vector<16xi32>,
        %eq3A_630 = arith.constant 0 : i32
        %eq3A_631 = vector.broadcast %eq3A_630 : i32 to vector<16xi32>
        %eq3A_632 = arith.cmpi eq, %get3A_629, %eq3A_631 : vector<16xi32>
        %convert_element_type3A_633 = arith.extui %eq3A_632 : vector<16xi1> to vector<16xi32>
        %broadcast_in_dim3A_634 = arith.constant true
        %broadcast_in_dim3A_635 = vector.broadcast %broadcast_in_dim3A_634 : i1 to vector<16xi1>
        %masked_cumsum3A_636 = tpu.scan <sum>, %convert_element_type3A_633 masked %broadcast_in_dim3A_635 : vector<16xi32>, vector<16xi1> -> vector<16xi32>
        %add3A_637 = arith.addi %masked_cumsum3A_636, %add3A_608 : vector<16xi32>
        %eq3A_638 = arith.constant 0 : i32
        %eq3A_639 = vector.broadcast %eq3A_638 : i32 to vector<16xi32>
        %eq3A_640 = arith.cmpi eq, %add3A_637, %eq3A_639 : vector<16xi32>
        %all_reduce_population_count3A_641 = tpu.all_reduce %eq3A_632 {dim = 0 : i64, kind = #tpu.reduction_kind<sum>} : vector<16xi1> -> vector<16xi32>
        %add3A_642 = arith.addi %add3A_608, %all_reduce_population_count3A_641 : vector<16xi32>
        %unique3A_643, %unique3A_644 = tpu.scan_count mask(%eq3A_640 : vector<16xi1>) value(%get3A_629 : vector<16xi32>) : vector<16xi1>, vector<16xi32>
        %and3A_645 = arith.andi %unique3A_643, %eq3A_640 : vector<16xi1>
        %convert_element_type3A_646 = arith.sitofp %unique3A_644 : vector<16xi32> to vector<16xf32>
        %ge3A_647 = arith.constant 0 : i32
        %ge3A_648 = vector.broadcast %ge3A_647 : i32 to vector<16xi32>
        %ge3A_649 = arith.cmpi sge, %get3A_629, %ge3A_648 : vector<16xi32>
        %and3A_650 = arith.andi %and3A_645, %ge3A_649 : vector<16xi1>
        %lt3A_651 = arith.constant 15232 : i32
        %lt3A_652 = vector.broadcast %lt3A_651 : i32 to vector<16xi32>
        %lt3A_653 = arith.cmpi slt, %get3A_629, %lt3A_652 : vector<16xi32>
        %and3A_654 = arith.andi %and3A_650, %lt3A_653 : vector<16xi1>
        %sub3A_655 = arith.constant 0 : i32
        %sub3A_656 = vector.broadcast %sub3A_655 : i32 to vector<16xi32>
        %sub3A_657 = arith.subi %get3A_629, %sub3A_656 : vector<16xi32>
        %jit3A_658 = arith.constant 0 : i32
        %broadcast_in_dim3A_659 = vector.broadcast %jit3A_658 : i32 to vector<16xi32>
        %select_n3A_660 = arith.select %and3A_654, %sub3A_657, %broadcast_in_dim3A_659 : vector<16xi1>, vector<16xi32>
        tpu.vector_store_idx %arg6[%broadcast_in_dim3A_128, %select_n3A_660], %convert_element_type3A_646 masked %and3A_654 {add = true} : memref<8x15232xf32, #tpu.memory_space<vmem>>[vector<16xi32>, vector<16xi32>], vector<16xf32>, vector<16xi1>
      }
      %scan3A_102 = arith.constant 8 : i32
      "tpu.region"() ({
        %run_scoped3A = tpu.sem_alloc : memref<!tpu.dma_semaphore, #tpu.memory_space<semaphore_mem>>
        %dma_start3A = arith.constant 0 : i32
        %dma_start3A_123 = tpu.memref_slice %arg3[%add3A_97, %dma_start3A] : memref<1024x30522xf32, #tpu.memory_space<hbm>> -> memref<8x15232xf32, #tpu.memory_space<hbm>>
        %dma_start3A_124 = arith.constant 0 : i32
        %dma_start3A_125 = tpu.memref_slice %arg3[%add3A_97, %dma_start3A_124] : memref<1024x30522xf32, #tpu.memory_space<hbm>> -> memref<8x15232xf32, #tpu.memory_space<hbm>>
        tpu.enqueue_dma source(%arg6 : memref<8x15232xf32, #tpu.memory_space<vmem>>) target(%dma_start3A_125 : memref<8x15232xf32, #tpu.memory_space<hbm>>) target_semaphore(%run_scoped3A : memref<!tpu.dma_semaphore, #tpu.memory_space<semaphore_mem>>)
        %dma_wait3A = arith.constant 0 : i32
        %dma_wait3A_126 = tpu.memref_slice %arg3[%add3A_97, %dma_wait3A] : memref<1024x30522xf32, #tpu.memory_space<hbm>> -> memref<8x15232xf32, #tpu.memory_space<hbm>>
        %dma_wait3A_127 = arith.constant 0 : i32
        %dma_wait3A_128 = tpu.memref_slice %arg3[%add3A_97, %dma_wait3A_127] : memref<1024x30522xf32, #tpu.memory_space<hbm>> -> memref<8x15232xf32, #tpu.memory_space<hbm>>
        tpu.wait_dma2 semaphore(%run_scoped3A : memref<!tpu.dma_semaphore, #tpu.memory_space<semaphore_mem>>) src(%arg6 : memref<8x15232xf32, #tpu.memory_space<vmem>>) dst(%dma_wait3A_128 : memref<8x15232xf32, #tpu.memory_space<hbm>>)
        tpu.yield
      }) : () -> ()
      %scan3A_103 = arith.constant 0 : i32
      %scan3A_104 = arith.constant 8 : i32
      %scan3A_105 = arith.addi %scan3A_103, %scan3A_104 : i32
      %scan3A_106 = arith.constant 1 : i32
      scf.for %scan3A_123 = %scan3A_103 to %scan3A_105 step %scan3A_106  : i32 {
        %mul3A_124 = arith.constant 1 : i32
        %mul3A_125 = arith.muli %scan3A_123, %mul3A_124 : i32
        %add3A_126 = arith.constant 0 : i32
        %add3A_127 = arith.addi %add3A_126, %mul3A_125 : i32
        %broadcast_in_dim3A_128 = vector.broadcast %add3A_127 : i32 to vector<16xi32>
        %get3A = arith.index_cast %add3A_127 : i32 to index
        %get3A_129 = arith.constant 0 : index
        %get3A_130 = tpu.vector_load %arg5[%get3A, %get3A_129] {strides = array<i32>} : memref<8x256xi32, #tpu.memory_space<vmem>>, vector<16xi32>,
        %ge3A = arith.constant 0 : i32
        %ge3A_131 = vector.broadcast %ge3A : i32 to vector<16xi32>
        %ge3A_132 = arith.cmpi sge, %get3A_130, %ge3A_131 : vector<16xi32>
        %lt3A = arith.constant 15232 : i32
        %lt3A_133 = vector.broadcast %lt3A : i32 to vector<16xi32>
        %lt3A_134 = arith.cmpi slt, %get3A_130, %lt3A_133 : vector<16xi32>
        %and3A = arith.andi %ge3A_132, %lt3A_134 : vector<16xi1>
        %sub3A = arith.constant 0 : i32
        %sub3A_135 = vector.broadcast %sub3A : i32 to vector<16xi32>
        %sub3A_136 = arith.subi %get3A_130, %sub3A_135 : vector<16xi32>
        %jit3A = arith.constant 0 : i32
        %broadcast_in_dim3A_137 = vector.broadcast %jit3A : i32 to vector<16xi32>
        %select_n3A = arith.select %and3A, %sub3A_136, %broadcast_in_dim3A_137 : vector<16xi1>, vector<16xi32>
        tpu.vector_store_idx %arg6[%broadcast_in_dim3A_128, %select_n3A], %broadcast_in_dim3A_3 masked %and3A : memref<8x15232xf32, #tpu.memory_space<vmem>>[vector<16xi32>, vector<16xi32>], vector<16xf32>, vector<16xi1>
        %get3A_138 = arith.index_cast %add3A_127 : i32 to index
        %get3A_139 = arith.constant 16 : index
        %get3A_140 = tpu.vector_load %arg5[%get3A_138, %get3A_139] {strides = array<i32>} : memref<8x256xi32, #tpu.memory_space<vmem>>, vector<16xi32>,
        %ge3A_141 = arith.constant 0 : i32
        %ge3A_142 = vector.broadcast %ge3A_141 : i32 to vector<16xi32>
        %ge3A_143 = arith.cmpi sge, %get3A_140, %ge3A_142 : vector<16xi32>
        %lt3A_144 = arith.constant 15232 : i32
        %lt3A_145 = vector.broadcast %lt3A_144 : i32 to vector<16xi32>
        %lt3A_146 = arith.cmpi slt, %get3A_140, %lt3A_145 : vector<16xi32>
        %and3A_147 = arith.andi %ge3A_143, %lt3A_146 : vector<16xi1>
        %sub3A_148 = arith.constant 0 : i32
        %sub3A_149 = vector.broadcast %sub3A_148 : i32 to vector<16xi32>
        %sub3A_150 = arith.subi %get3A_140, %sub3A_149 : vector<16xi32>
        %jit3A_151 = arith.constant 0 : i32
        %broadcast_in_dim3A_152 = vector.broadcast %jit3A_151 : i32 to vector<16xi32>
        %select_n3A_153 = arith.select %and3A_147, %sub3A_150, %broadcast_in_dim3A_152 : vector<16xi1>, vector<16xi32>
        tpu.vector_store_idx %arg6[%broadcast_in_dim3A_128, %select_n3A_153], %broadcast_in_dim3A_3 masked %and3A_147 : memref<8x15232xf32, #tpu.memory_space<vmem>>[vector<16xi32>, vector<16xi32>], vector<16xf32>, vector<16xi1>
        %get3A_154 = arith.index_cast %add3A_127 : i32 to index
        %get3A_155 = arith.constant 32 : index
        %get3A_156 = tpu.vector_load %arg5[%get3A_154, %get3A_155] {strides = array<i32>} : memref<8x256xi32, #tpu.memory_space<vmem>>, vector<16xi32>,
        %ge3A_157 = arith.constant 0 : i32
        %ge3A_158 = vector.broadcast %ge3A_157 : i32 to vector<16xi32>
        %ge3A_159 = arith.cmpi sge, %get3A_156, %ge3A_158 : vector<16xi32>
        %lt3A_160 = arith.constant 15232 : i32
        %lt3A_161 = vector.broadcast %lt3A_160 : i32 to vector<16xi32>
        %lt3A_162 = arith.cmpi slt, %get3A_156, %lt3A_161 : vector<16xi32>
        %and3A_163 = arith.andi %ge3A_159, %lt3A_162 : vector<16xi1>
        %sub3A_164 = arith.constant 0 : i32
        %sub3A_165 = vector.broadcast %sub3A_164 : i32 to vector<16xi32>
        %sub3A_166 = arith.subi %get3A_156, %sub3A_165 : vector<16xi32>
        %jit3A_167 = arith.constant 0 : i32
        %broadcast_in_dim3A_168 = vector.broadcast %jit3A_167 : i32 to vector<16xi32>
        %select_n3A_169 = arith.select %and3A_163, %sub3A_166, %broadcast_in_dim3A_168 : vector<16xi1>, vector<16xi32>
        tpu.vector_store_idx %arg6[%broadcast_in_dim3A_128, %select_n3A_169], %broadcast_in_dim3A_3 masked %and3A_163 : memref<8x15232xf32, #tpu.memory_space<vmem>>[vector<16xi32>, vector<16xi32>], vector<16xf32>, vector<16xi1>
        %get3A_170 = arith.index_cast %add3A_127 : i32 to index
        %get3A_171 = arith.constant 48 : index
        %get3A_172 = tpu.vector_load %arg5[%get3A_170, %get3A_171] {strides = array<i32>} : memref<8x256xi32, #tpu.memory_space<vmem>>, vector<16xi32>,
        %ge3A_173 = arith.constant 0 : i32
        %ge3A_174 = vector.broadcast %ge3A_173 : i32 to vector<16xi32>
        %ge3A_175 = arith.cmpi sge, %get3A_172, %ge3A_174 : vector<16xi32>
        %lt3A_176 = arith.constant 15232 : i32
        %lt3A_177 = vector.broadcast %lt3A_176 : i32 to vector<16xi32>
        %lt3A_178 = arith.cmpi slt, %get3A_172, %lt3A_177 : vector<16xi32>
        %and3A_179 = arith.andi %ge3A_175, %lt3A_178 : vector<16xi1>
        %sub3A_180 = arith.constant 0 : i32
        %sub3A_181 = vector.broadcast %sub3A_180 : i32 to vector<16xi32>
        %sub3A_182 = arith.subi %get3A_172, %sub3A_181 : vector<16xi32>
        %jit3A_183 = arith.constant 0 : i32
        %broadcast_in_dim3A_184 = vector.broadcast %jit3A_183 : i32 to vector<16xi32>
        %select_n3A_185 = arith.select %and3A_179, %sub3A_182, %broadcast_in_dim3A_184 : vector<16xi1>, vector<16xi32>
        tpu.vector_store_idx %arg6[%broadcast_in_dim3A_128, %select_n3A_185], %broadcast_in_dim3A_3 masked %and3A_179 : memref<8x15232xf32, #tpu.memory_space<vmem>>[vector<16xi32>, vector<16xi32>], vector<16xf32>, vector<16xi1>
        %get3A_186 = arith.index_cast %add3A_127 : i32 to index
        %get3A_187 = arith.constant 64 : index
        %get3A_188 = tpu.vector_load %arg5[%get3A_186, %get3A_187] {strides = array<i32>} : memref<8x256xi32, #tpu.memory_space<vmem>>, vector<16xi32>,
        %ge3A_189 = arith.constant 0 : i32
        %ge3A_190 = vector.broadcast %ge3A_189 : i32 to vector<16xi32>
        %ge3A_191 = arith.cmpi sge, %get3A_188, %ge3A_190 : vector<16xi32>
        %lt3A_192 = arith.constant 15232 : i32
        %lt3A_193 = vector.broadcast %lt3A_192 : i32 to vector<16xi32>
        %lt3A_194 = arith.cmpi slt, %get3A_188, %lt3A_193 : vector<16xi32>
        %and3A_195 = arith.andi %ge3A_191, %lt3A_194 : vector<16xi1>
        %sub3A_196 = arith.constant 0 : i32
        %sub3A_197 = vector.broadcast %sub3A_196 : i32 to vector<16xi32>
        %sub3A_198 = arith.subi %get3A_188, %sub3A_197 : vector<16xi32>
        %jit3A_199 = arith.constant 0 : i32
        %broadcast_in_dim3A_200 = vector.broadcast %jit3A_199 : i32 to vector<16xi32>
        %select_n3A_201 = arith.select %and3A_195, %sub3A_198, %broadcast_in_dim3A_200 : vector<16xi1>, vector<16xi32>
        tpu.vector_store_idx %arg6[%broadcast_in_dim3A_128, %select_n3A_201], %broadcast_in_dim3A_3 masked %and3A_195 : memref<8x15232xf32, #tpu.memory_space<vmem>>[vector<16xi32>, vector<16xi32>], vector<16xf32>, vector<16xi1>
        %get3A_202 = arith.index_cast %add3A_127 : i32 to index
        %get3A_203 = arith.constant 80 : index
        %get3A_204 = tpu.vector_load %arg5[%get3A_202, %get3A_203] {strides = array<i32>} : memref<8x256xi32, #tpu.memory_space<vmem>>, vector<16xi32>,
        %ge3A_205 = arith.constant 0 : i32
        %ge3A_206 = vector.broadcast %ge3A_205 : i32 to vector<16xi32>
        %ge3A_207 = arith.cmpi sge, %get3A_204, %ge3A_206 : vector<16xi32>
        %lt3A_208 = arith.constant 15232 : i32
        %lt3A_209 = vector.broadcast %lt3A_208 : i32 to vector<16xi32>
        %lt3A_210 = arith.cmpi slt, %get3A_204, %lt3A_209 : vector<16xi32>
        %and3A_211 = arith.andi %ge3A_207, %lt3A_210 : vector<16xi1>
        %sub3A_212 = arith.constant 0 : i32
        %sub3A_213 = vector.broadcast %sub3A_212 : i32 to vector<16xi32>
        %sub3A_214 = arith.subi %get3A_204, %sub3A_213 : vector<16xi32>
        %jit3A_215 = arith.constant 0 : i32
        %broadcast_in_dim3A_216 = vector.broadcast %jit3A_215 : i32 to vector<16xi32>
        %select_n3A_217 = arith.select %and3A_211, %sub3A_214, %broadcast_in_dim3A_216 : vector<16xi1>, vector<16xi32>
        tpu.vector_store_idx %arg6[%broadcast_in_dim3A_128, %select_n3A_217], %broadcast_in_dim3A_3 masked %and3A_211 : memref<8x15232xf32, #tpu.memory_space<vmem>>[vector<16xi32>, vector<16xi32>], vector<16xf32>, vector<16xi1>
        %get3A_218 = arith.index_cast %add3A_127 : i32 to index
        %get3A_219 = arith.constant 96 : index
        %get3A_220 = tpu.vector_load %arg5[%get3A_218, %get3A_219] {strides = array<i32>} : memref<8x256xi32, #tpu.memory_space<vmem>>, vector<16xi32>,
        %ge3A_221 = arith.constant 0 : i32
        %ge3A_222 = vector.broadcast %ge3A_221 : i32 to vector<16xi32>
        %ge3A_223 = arith.cmpi sge, %get3A_220, %ge3A_222 : vector<16xi32>
        %lt3A_224 = arith.constant 15232 : i32
        %lt3A_225 = vector.broadcast %lt3A_224 : i32 to vector<16xi32>
        %lt3A_226 = arith.cmpi slt, %get3A_220, %lt3A_225 : vector<16xi32>
        %and3A_227 = arith.andi %ge3A_223, %lt3A_226 : vector<16xi1>
        %sub3A_228 = arith.constant 0 : i32
        %sub3A_229 = vector.broadcast %sub3A_228 : i32 to vector<16xi32>
        %sub3A_230 = arith.subi %get3A_220, %sub3A_229 : vector<16xi32>
        %jit3A_231 = arith.constant 0 : i32
        %broadcast_in_dim3A_232 = vector.broadcast %jit3A_231 : i32 to vector<16xi32>
        %select_n3A_233 = arith.select %and3A_227, %sub3A_230, %broadcast_in_dim3A_232 : vector<16xi1>, vector<16xi32>
        tpu.vector_store_idx %arg6[%broadcast_in_dim3A_128, %select_n3A_233], %broadcast_in_dim3A_3 masked %and3A_227 : memref<8x15232xf32, #tpu.memory_space<vmem>>[vector<16xi32>, vector<16xi32>], vector<16xf32>, vector<16xi1>
        %get3A_234 = arith.index_cast %add3A_127 : i32 to index
        %get3A_235 = arith.constant 112 : index
        %get3A_236 = tpu.vector_load %arg5[%get3A_234, %get3A_235] {strides = array<i32>} : memref<8x256xi32, #tpu.memory_space<vmem>>, vector<16xi32>,
        %ge3A_237 = arith.constant 0 : i32
        %ge3A_238 = vector.broadcast %ge3A_237 : i32 to vector<16xi32>
        %ge3A_239 = arith.cmpi sge, %get3A_236, %ge3A_238 : vector<16xi32>
        %lt3A_240 = arith.constant 15232 : i32
        %lt3A_241 = vector.broadcast %lt3A_240 : i32 to vector<16xi32>
        %lt3A_242 = arith.cmpi slt, %get3A_236, %lt3A_241 : vector<16xi32>
        %and3A_243 = arith.andi %ge3A_239, %lt3A_242 : vector<16xi1>
        %sub3A_244 = arith.constant 0 : i32
        %sub3A_245 = vector.broadcast %sub3A_244 : i32 to vector<16xi32>
        %sub3A_246 = arith.subi %get3A_236, %sub3A_245 : vector<16xi32>
        %jit3A_247 = arith.constant 0 : i32
        %broadcast_in_dim3A_248 = vector.broadcast %jit3A_247 : i32 to vector<16xi32>
        %select_n3A_249 = arith.select %and3A_243, %sub3A_246, %broadcast_in_dim3A_248 : vector<16xi1>, vector<16xi32>
        tpu.vector_store_idx %arg6[%broadcast_in_dim3A_128, %select_n3A_249], %broadcast_in_dim3A_3 masked %and3A_243 : memref<8x15232xf32, #tpu.memory_space<vmem>>[vector<16xi32>, vector<16xi32>], vector<16xf32>, vector<16xi1>
        %get3A_250 = arith.index_cast %add3A_127 : i32 to index
        %get3A_251 = arith.constant 128 : index
        %get3A_252 = tpu.vector_load %arg5[%get3A_250, %get3A_251] {strides = array<i32>} : memref<8x256xi32, #tpu.memory_space<vmem>>, vector<16xi32>,
        %ge3A_253 = arith.constant 0 : i32
        %ge3A_254 = vector.broadcast %ge3A_253 : i32 to vector<16xi32>
        %ge3A_255 = arith.cmpi sge, %get3A_252, %ge3A_254 : vector<16xi32>
        %lt3A_256 = arith.constant 15232 : i32
        %lt3A_257 = vector.broadcast %lt3A_256 : i32 to vector<16xi32>
        %lt3A_258 = arith.cmpi slt, %get3A_252, %lt3A_257 : vector<16xi32>
        %and3A_259 = arith.andi %ge3A_255, %lt3A_258 : vector<16xi1>
        %sub3A_260 = arith.constant 0 : i32
        %sub3A_261 = vector.broadcast %sub3A_260 : i32 to vector<16xi32>
        %sub3A_262 = arith.subi %get3A_252, %sub3A_261 : vector<16xi32>
        %jit3A_263 = arith.constant 0 : i32
        %broadcast_in_dim3A_264 = vector.broadcast %jit3A_263 : i32 to vector<16xi32>
        %select_n3A_265 = arith.select %and3A_259, %sub3A_262, %broadcast_in_dim3A_264 : vector<16xi1>, vector<16xi32>
        tpu.vector_store_idx %arg6[%broadcast_in_dim3A_128, %select_n3A_265], %broadcast_in_dim3A_3 masked %and3A_259 : memref<8x15232xf32, #tpu.memory_space<vmem>>[vector<16xi32>, vector<16xi32>], vector<16xf32>, vector<16xi1>
        %get3A_266 = arith.index_cast %add3A_127 : i32 to index
        %get3A_267 = arith.constant 144 : index
        %get3A_268 = tpu.vector_load %arg5[%get3A_266, %get3A_267] {strides = array<i32>} : memref<8x256xi32, #tpu.memory_space<vmem>>, vector<16xi32>,
        %ge3A_269 = arith.constant 0 : i32
        %ge3A_270 = vector.broadcast %ge3A_269 : i32 to vector<16xi32>
        %ge3A_271 = arith.cmpi sge, %get3A_268, %ge3A_270 : vector<16xi32>
        %lt3A_272 = arith.constant 15232 : i32
        %lt3A_273 = vector.broadcast %lt3A_272 : i32 to vector<16xi32>
        %lt3A_274 = arith.cmpi slt, %get3A_268, %lt3A_273 : vector<16xi32>
        %and3A_275 = arith.andi %ge3A_271, %lt3A_274 : vector<16xi1>
        %sub3A_276 = arith.constant 0 : i32
        %sub3A_277 = vector.broadcast %sub3A_276 : i32 to vector<16xi32>
        %sub3A_278 = arith.subi %get3A_268, %sub3A_277 : vector<16xi32>
        %jit3A_279 = arith.constant 0 : i32
        %broadcast_in_dim3A_280 = vector.broadcast %jit3A_279 : i32 to vector<16xi32>
        %select_n3A_281 = arith.select %and3A_275, %sub3A_278, %broadcast_in_dim3A_280 : vector<16xi1>, vector<16xi32>
        tpu.vector_store_idx %arg6[%broadcast_in_dim3A_128, %select_n3A_281], %broadcast_in_dim3A_3 masked %and3A_275 : memref<8x15232xf32, #tpu.memory_space<vmem>>[vector<16xi32>, vector<16xi32>], vector<16xf32>, vector<16xi1>
        %get3A_282 = arith.index_cast %add3A_127 : i32 to index
        %get3A_283 = arith.constant 160 : index
        %get3A_284 = tpu.vector_load %arg5[%get3A_282, %get3A_283] {strides = array<i32>} : memref<8x256xi32, #tpu.memory_space<vmem>>, vector<16xi32>,
        %ge3A_285 = arith.constant 0 : i32
        %ge3A_286 = vector.broadcast %ge3A_285 : i32 to vector<16xi32>
        %ge3A_287 = arith.cmpi sge, %get3A_284, %ge3A_286 : vector<16xi32>
        %lt3A_288 = arith.constant 15232 : i32
        %lt3A_289 = vector.broadcast %lt3A_288 : i32 to vector<16xi32>
        %lt3A_290 = arith.cmpi slt, %get3A_284, %lt3A_289 : vector<16xi32>
        %and3A_291 = arith.andi %ge3A_287, %lt3A_290 : vector<16xi1>
        %sub3A_292 = arith.constant 0 : i32
        %sub3A_293 = vector.broadcast %sub3A_292 : i32 to vector<16xi32>
        %sub3A_294 = arith.subi %get3A_284, %sub3A_293 : vector<16xi32>
        %jit3A_295 = arith.constant 0 : i32
        %broadcast_in_dim3A_296 = vector.broadcast %jit3A_295 : i32 to vector<16xi32>
        %select_n3A_297 = arith.select %and3A_291, %sub3A_294, %broadcast_in_dim3A_296 : vector<16xi1>, vector<16xi32>
        tpu.vector_store_idx %arg6[%broadcast_in_dim3A_128, %select_n3A_297], %broadcast_in_dim3A_3 masked %and3A_291 : memref<8x15232xf32, #tpu.memory_space<vmem>>[vector<16xi32>, vector<16xi32>], vector<16xf32>, vector<16xi1>
        %get3A_298 = arith.index_cast %add3A_127 : i32 to index
        %get3A_299 = arith.constant 176 : index
        %get3A_300 = tpu.vector_load %arg5[%get3A_298, %get3A_299] {strides = array<i32>} : memref<8x256xi32, #tpu.memory_space<vmem>>, vector<16xi32>,
        %ge3A_301 = arith.constant 0 : i32
        %ge3A_302 = vector.broadcast %ge3A_301 : i32 to vector<16xi32>
        %ge3A_303 = arith.cmpi sge, %get3A_300, %ge3A_302 : vector<16xi32>
        %lt3A_304 = arith.constant 15232 : i32
        %lt3A_305 = vector.broadcast %lt3A_304 : i32 to vector<16xi32>
        %lt3A_306 = arith.cmpi slt, %get3A_300, %lt3A_305 : vector<16xi32>
        %and3A_307 = arith.andi %ge3A_303, %lt3A_306 : vector<16xi1>
        %sub3A_308 = arith.constant 0 : i32
        %sub3A_309 = vector.broadcast %sub3A_308 : i32 to vector<16xi32>
        %sub3A_310 = arith.subi %get3A_300, %sub3A_309 : vector<16xi32>
        %jit3A_311 = arith.constant 0 : i32
        %broadcast_in_dim3A_312 = vector.broadcast %jit3A_311 : i32 to vector<16xi32>
        %select_n3A_313 = arith.select %and3A_307, %sub3A_310, %broadcast_in_dim3A_312 : vector<16xi1>, vector<16xi32>
        tpu.vector_store_idx %arg6[%broadcast_in_dim3A_128, %select_n3A_313], %broadcast_in_dim3A_3 masked %and3A_307 : memref<8x15232xf32, #tpu.memory_space<vmem>>[vector<16xi32>, vector<16xi32>], vector<16xf32>, vector<16xi1>
        %get3A_314 = arith.index_cast %add3A_127 : i32 to index
        %get3A_315 = arith.constant 192 : index
        %get3A_316 = tpu.vector_load %arg5[%get3A_314, %get3A_315] {strides = array<i32>} : memref<8x256xi32, #tpu.memory_space<vmem>>, vector<16xi32>,
        %ge3A_317 = arith.constant 0 : i32
        %ge3A_318 = vector.broadcast %ge3A_317 : i32 to vector<16xi32>
        %ge3A_319 = arith.cmpi sge, %get3A_316, %ge3A_318 : vector<16xi32>
        %lt3A_320 = arith.constant 15232 : i32
        %lt3A_321 = vector.broadcast %lt3A_320 : i32 to vector<16xi32>
        %lt3A_322 = arith.cmpi slt, %get3A_316, %lt3A_321 : vector<16xi32>
        %and3A_323 = arith.andi %ge3A_319, %lt3A_322 : vector<16xi1>
        %sub3A_324 = arith.constant 0 : i32
        %sub3A_325 = vector.broadcast %sub3A_324 : i32 to vector<16xi32>
        %sub3A_326 = arith.subi %get3A_316, %sub3A_325 : vector<16xi32>
        %jit3A_327 = arith.constant 0 : i32
        %broadcast_in_dim3A_328 = vector.broadcast %jit3A_327 : i32 to vector<16xi32>
        %select_n3A_329 = arith.select %and3A_323, %sub3A_326, %broadcast_in_dim3A_328 : vector<16xi1>, vector<16xi32>
        tpu.vector_store_idx %arg6[%broadcast_in_dim3A_128, %select_n3A_329], %broadcast_in_dim3A_3 masked %and3A_323 : memref<8x15232xf32, #tpu.memory_space<vmem>>[vector<16xi32>, vector<16xi32>], vector<16xf32>, vector<16xi1>
        %get3A_330 = arith.index_cast %add3A_127 : i32 to index
        %get3A_331 = arith.constant 208 : index
        %get3A_332 = tpu.vector_load %arg5[%get3A_330, %get3A_331] {strides = array<i32>} : memref<8x256xi32, #tpu.memory_space<vmem>>, vector<16xi32>,
        %ge3A_333 = arith.constant 0 : i32
        %ge3A_334 = vector.broadcast %ge3A_333 : i32 to vector<16xi32>
        %ge3A_335 = arith.cmpi sge, %get3A_332, %ge3A_334 : vector<16xi32>
        %lt3A_336 = arith.constant 15232 : i32
        %lt3A_337 = vector.broadcast %lt3A_336 : i32 to vector<16xi32>
        %lt3A_338 = arith.cmpi slt, %get3A_332, %lt3A_337 : vector<16xi32>
        %and3A_339 = arith.andi %ge3A_335, %lt3A_338 : vector<16xi1>
        %sub3A_340 = arith.constant 0 : i32
        %sub3A_341 = vector.broadcast %sub3A_340 : i32 to vector<16xi32>
        %sub3A_342 = arith.subi %get3A_332, %sub3A_341 : vector<16xi32>
        %jit3A_343 = arith.constant 0 : i32
        %broadcast_in_dim3A_344 = vector.broadcast %jit3A_343 : i32 to vector<16xi32>
        %select_n3A_345 = arith.select %and3A_339, %sub3A_342, %broadcast_in_dim3A_344 : vector<16xi1>, vector<16xi32>
        tpu.vector_store_idx %arg6[%broadcast_in_dim3A_128, %select_n3A_345], %broadcast_in_dim3A_3 masked %and3A_339 : memref<8x15232xf32, #tpu.memory_space<vmem>>[vector<16xi32>, vector<16xi32>], vector<16xf32>, vector<16xi1>
        %get3A_346 = arith.index_cast %add3A_127 : i32 to index
        %get3A_347 = arith.constant 224 : index
        %get3A_348 = tpu.vector_load %arg5[%get3A_346, %get3A_347] {strides = array<i32>} : memref<8x256xi32, #tpu.memory_space<vmem>>, vector<16xi32>,
        %ge3A_349 = arith.constant 0 : i32
        %ge3A_350 = vector.broadcast %ge3A_349 : i32 to vector<16xi32>
        %ge3A_351 = arith.cmpi sge, %get3A_348, %ge3A_350 : vector<16xi32>
        %lt3A_352 = arith.constant 15232 : i32
        %lt3A_353 = vector.broadcast %lt3A_352 : i32 to vector<16xi32>
        %lt3A_354 = arith.cmpi slt, %get3A_348, %lt3A_353 : vector<16xi32>
        %and3A_355 = arith.andi %ge3A_351, %lt3A_354 : vector<16xi1>
        %sub3A_356 = arith.constant 0 : i32
        %sub3A_357 = vector.broadcast %sub3A_356 : i32 to vector<16xi32>
        %sub3A_358 = arith.subi %get3A_348, %sub3A_357 : vector<16xi32>
        %jit3A_359 = arith.constant 0 : i32
        %broadcast_in_dim3A_360 = vector.broadcast %jit3A_359 : i32 to vector<16xi32>
        %select_n3A_361 = arith.select %and3A_355, %sub3A_358, %broadcast_in_dim3A_360 : vector<16xi1>, vector<16xi32>
        tpu.vector_store_idx %arg6[%broadcast_in_dim3A_128, %select_n3A_361], %broadcast_in_dim3A_3 masked %and3A_355 : memref<8x15232xf32, #tpu.memory_space<vmem>>[vector<16xi32>, vector<16xi32>], vector<16xf32>, vector<16xi1>
        %get3A_362 = arith.index_cast %add3A_127 : i32 to index
        %get3A_363 = arith.constant 240 : index
        %get3A_364 = tpu.vector_load %arg5[%get3A_362, %get3A_363] {strides = array<i32>} : memref<8x256xi32, #tpu.memory_space<vmem>>, vector<16xi32>,
        %ge3A_365 = arith.constant 0 : i32
        %ge3A_366 = vector.broadcast %ge3A_365 : i32 to vector<16xi32>
        %ge3A_367 = arith.cmpi sge, %get3A_364, %ge3A_366 : vector<16xi32>
        %lt3A_368 = arith.constant 15232 : i32
        %lt3A_369 = vector.broadcast %lt3A_368 : i32 to vector<16xi32>
        %lt3A_370 = arith.cmpi slt, %get3A_364, %lt3A_369 : vector<16xi32>
        %and3A_371 = arith.andi %ge3A_367, %lt3A_370 : vector<16xi1>
        %sub3A_372 = arith.constant 0 : i32
        %sub3A_373 = vector.broadcast %sub3A_372 : i32 to vector<16xi32>
        %sub3A_374 = arith.subi %get3A_364, %sub3A_373 : vector<16xi32>
        %jit3A_375 = arith.constant 0 : i32
        %broadcast_in_dim3A_376 = vector.broadcast %jit3A_375 : i32 to vector<16xi32>
        %select_n3A_377 = arith.select %and3A_371, %sub3A_374, %broadcast_in_dim3A_376 : vector<16xi1>, vector<16xi32>
        tpu.vector_store_idx %arg6[%broadcast_in_dim3A_128, %select_n3A_377], %broadcast_in_dim3A_3 masked %and3A_371 : memref<8x15232xf32, #tpu.memory_space<vmem>>[vector<16xi32>, vector<16xi32>], vector<16xf32>, vector<16xi1>
      }
      %scan3A_107 = arith.constant 8 : i32
      %scan3A_108 = arith.constant 0 : i32
      %scan3A_109 = arith.constant 8 : i32
      %scan3A_110 = arith.addi %scan3A_108, %scan3A_109 : i32
      %scan3A_111 = arith.constant 1 : i32
      scf.for %scan3A_123 = %scan3A_108 to %scan3A_110 step %scan3A_111  : i32 {
        %mul3A_124 = arith.constant 1 : i32
        %mul3A_125 = arith.muli %scan3A_123, %mul3A_124 : i32
        %add3A_126 = arith.constant 0 : i32
        %add3A_127 = arith.addi %add3A_126, %mul3A_125 : i32
        %broadcast_in_dim3A_128 = vector.broadcast %add3A_127 : i32 to vector<16xi32>
        %get3A = arith.index_cast %add3A_127 : i32 to index
        %get3A_129 = arith.constant 0 : index
        %get3A_130 = tpu.vector_load %arg5[%get3A, %get3A_129] {strides = array<i32>} : memref<8x256xi32, #tpu.memory_space<vmem>>, vector<16xi32>,
        %eq3A = arith.constant 0 : i32
        %eq3A_131 = vector.broadcast %eq3A : i32 to vector<16xi32>
        %eq3A_132 = arith.cmpi eq, %get3A_130, %eq3A_131 : vector<16xi32>
        %convert_element_type3A = arith.extui %eq3A_132 : vector<16xi1> to vector<16xi32>
        %broadcast_in_dim3A_133 = arith.constant true
        %broadcast_in_dim3A_134 = vector.broadcast %broadcast_in_dim3A_133 : i1 to vector<16xi1>
        %masked_cumsum3A = tpu.scan <sum>, %convert_element_type3A masked %broadcast_in_dim3A_134 : vector<16xi32>, vector<16xi1> -> vector<16xi32>
        %add3A_135 = arith.addi %masked_cumsum3A, %broadcast_in_dim3A_5 : vector<16xi32>
        %eq3A_136 = arith.constant 0 : i32
        %eq3A_137 = vector.broadcast %eq3A_136 : i32 to vector<16xi32>
        %eq3A_138 = arith.cmpi eq, %add3A_135, %eq3A_137 : vector<16xi32>
        %all_reduce_population_count3A = tpu.all_reduce %eq3A_132 {dim = 0 : i64, kind = #tpu.reduction_kind<sum>} : vector<16xi1> -> vector<16xi32>
        %add3A_139 = arith.addi %broadcast_in_dim3A_5, %all_reduce_population_count3A : vector<16xi32>
        %unique3A, %unique3A_140 = tpu.scan_count mask(%eq3A_138 : vector<16xi1>) value(%get3A_130 : vector<16xi32>) : vector<16xi1>, vector<16xi32>
        %and3A = arith.andi %unique3A, %eq3A_138 : vector<16xi1>
        %convert_element_type3A_141 = arith.sitofp %unique3A_140 : vector<16xi32> to vector<16xf32>
        %ge3A = arith.constant 15232 : i32
        %ge3A_142 = vector.broadcast %ge3A : i32 to vector<16xi32>
        %ge3A_143 = arith.cmpi sge, %get3A_130, %ge3A_142 : vector<16xi32>
        %and3A_144 = arith.andi %and3A, %ge3A_143 : vector<16xi1>
        %lt3A = arith.constant 30464 : i32
        %lt3A_145 = vector.broadcast %lt3A : i32 to vector<16xi32>
        %lt3A_146 = arith.cmpi slt, %get3A_130, %lt3A_145 : vector<16xi32>
        %and3A_147 = arith.andi %and3A_144, %lt3A_146 : vector<16xi1>
        %sub3A = arith.constant 15232 : i32
        %sub3A_148 = vector.broadcast %sub3A : i32 to vector<16xi32>
        %sub3A_149 = arith.subi %get3A_130, %sub3A_148 : vector<16xi32>
        %jit3A = arith.constant 0 : i32
        %broadcast_in_dim3A_150 = vector.broadcast %jit3A : i32 to vector<16xi32>
        %select_n3A = arith.select %and3A_147, %sub3A_149, %broadcast_in_dim3A_150 : vector<16xi1>, vector<16xi32>
        tpu.vector_store_idx %arg6[%broadcast_in_dim3A_128, %select_n3A], %convert_element_type3A_141 masked %and3A_147 {add = true} : memref<8x15232xf32, #tpu.memory_space<vmem>>[vector<16xi32>, vector<16xi32>], vector<16xf32>, vector<16xi1>
        %ge3A_151 = arith.constant 30464 : i32
        %ge3A_152 = vector.broadcast %ge3A_151 : i32 to vector<16xi32>
        %ge3A_153 = arith.cmpi sge, %get3A_130, %ge3A_152 : vector<16xi32>
        %and3A_154 = arith.andi %and3A, %ge3A_153 : vector<16xi1>
        %sub3A_155 = arith.constant 30464 : i32
        %sub3A_156 = vector.broadcast %sub3A_155 : i32 to vector<16xi32>
        %sub3A_157 = arith.subi %get3A_130, %sub3A_156 : vector<16xi32>
        %jit3A_158 = arith.constant 0 : i32
        %broadcast_in_dim3A_159 = vector.broadcast %jit3A_158 : i32 to vector<16xi32>
        %select_n3A_160 = arith.select %and3A_154, %sub3A_157, %broadcast_in_dim3A_159 : vector<16xi1>, vector<16xi32>
        tpu.vector_store_idx %arg7[%broadcast_in_dim3A_128, %select_n3A_160], %convert_element_type3A_141 masked %and3A_154 {add = true} : memref<8x128xf32, #tpu.memory_space<vmem>>[vector<16xi32>, vector<16xi32>], vector<16xf32>, vector<16xi1>
        %get3A_161 = arith.index_cast %add3A_127 : i32 to index
        %get3A_162 = arith.constant 16 : index
        %get3A_163 = tpu.vector_load %arg5[%get3A_161, %get3A_162] {strides = array<i32>} : memref<8x256xi32, #tpu.memory_space<vmem>>, vector<16xi32>,
        %eq3A_164 = arith.constant 0 : i32
        %eq3A_165 = vector.broadcast %eq3A_164 : i32 to vector<16xi32>
        %eq3A_166 = arith.cmpi eq, %get3A_163, %eq3A_165 : vector<16xi32>
        %convert_element_type3A_167 = arith.extui %eq3A_166 : vector<16xi1> to vector<16xi32>
        %broadcast_in_dim3A_168 = arith.constant true
        %broadcast_in_dim3A_169 = vector.broadcast %broadcast_in_dim3A_168 : i1 to vector<16xi1>
        %masked_cumsum3A_170 = tpu.scan <sum>, %convert_element_type3A_167 masked %broadcast_in_dim3A_169 : vector<16xi32>, vector<16xi1> -> vector<16xi32>
        %add3A_171 = arith.addi %masked_cumsum3A_170, %add3A_139 : vector<16xi32>
        %eq3A_172 = arith.constant 0 : i32
        %eq3A_173 = vector.broadcast %eq3A_172 : i32 to vector<16xi32>
        %eq3A_174 = arith.cmpi eq, %add3A_171, %eq3A_173 : vector<16xi32>
        %all_reduce_population_count3A_175 = tpu.all_reduce %eq3A_166 {dim = 0 : i64, kind = #tpu.reduction_kind<sum>} : vector<16xi1> -> vector<16xi32>
        %add3A_176 = arith.addi %add3A_139, %all_reduce_population_count3A_175 : vector<16xi32>
        %unique3A_177, %unique3A_178 = tpu.scan_count mask(%eq3A_174 : vector<16xi1>) value(%get3A_163 : vector<16xi32>) : vector<16xi1>, vector<16xi32>
        %and3A_179 = arith.andi %unique3A_177, %eq3A_174 : vector<16xi1>
        %convert_element_type3A_180 = arith.sitofp %unique3A_178 : vector<16xi32> to vector<16xf32>
        %ge3A_181 = arith.constant 15232 : i32
        %ge3A_182 = vector.broadcast %ge3A_181 : i32 to vector<16xi32>
        %ge3A_183 = arith.cmpi sge, %get3A_163, %ge3A_182 : vector<16xi32>
        %and3A_184 = arith.andi %and3A_179, %ge3A_183 : vector<16xi1>
        %lt3A_185 = arith.constant 30464 : i32
        %lt3A_186 = vector.broadcast %lt3A_185 : i32 to vector<16xi32>
        %lt3A_187 = arith.cmpi slt, %get3A_163, %lt3A_186 : vector<16xi32>
        %and3A_188 = arith.andi %and3A_184, %lt3A_187 : vector<16xi1>
        %sub3A_189 = arith.constant 15232 : i32
        %sub3A_190 = vector.broadcast %sub3A_189 : i32 to vector<16xi32>
        %sub3A_191 = arith.subi %get3A_163, %sub3A_190 : vector<16xi32>
        %jit3A_192 = arith.constant 0 : i32
        %broadcast_in_dim3A_193 = vector.broadcast %jit3A_192 : i32 to vector<16xi32>
        %select_n3A_194 = arith.select %and3A_188, %sub3A_191, %broadcast_in_dim3A_193 : vector<16xi1>, vector<16xi32>
        tpu.vector_store_idx %arg6[%broadcast_in_dim3A_128, %select_n3A_194], %convert_element_type3A_180 masked %and3A_188 {add = true} : memref<8x15232xf32, #tpu.memory_space<vmem>>[vector<16xi32>, vector<16xi32>], vector<16xf32>, vector<16xi1>
        %ge3A_195 = arith.constant 30464 : i32
        %ge3A_196 = vector.broadcast %ge3A_195 : i32 to vector<16xi32>
        %ge3A_197 = arith.cmpi sge, %get3A_163, %ge3A_196 : vector<16xi32>
        %and3A_198 = arith.andi %and3A_179, %ge3A_197 : vector<16xi1>
        %sub3A_199 = arith.constant 30464 : i32
        %sub3A_200 = vector.broadcast %sub3A_199 : i32 to vector<16xi32>
        %sub3A_201 = arith.subi %get3A_163, %sub3A_200 : vector<16xi32>
        %jit3A_202 = arith.constant 0 : i32
        %broadcast_in_dim3A_203 = vector.broadcast %jit3A_202 : i32 to vector<16xi32>
        %select_n3A_204 = arith.select %and3A_198, %sub3A_201, %broadcast_in_dim3A_203 : vector<16xi1>, vector<16xi32>
        tpu.vector_store_idx %arg7[%broadcast_in_dim3A_128, %select_n3A_204], %convert_element_type3A_180 masked %and3A_198 {add = true} : memref<8x128xf32, #tpu.memory_space<vmem>>[vector<16xi32>, vector<16xi32>], vector<16xf32>, vector<16xi1>
        %get3A_205 = arith.index_cast %add3A_127 : i32 to index
        %get3A_206 = arith.constant 32 : index
        %get3A_207 = tpu.vector_load %arg5[%get3A_205, %get3A_206] {strides = array<i32>} : memref<8x256xi32, #tpu.memory_space<vmem>>, vector<16xi32>,
        %eq3A_208 = arith.constant 0 : i32
        %eq3A_209 = vector.broadcast %eq3A_208 : i32 to vector<16xi32>
        %eq3A_210 = arith.cmpi eq, %get3A_207, %eq3A_209 : vector<16xi32>
        %convert_element_type3A_211 = arith.extui %eq3A_210 : vector<16xi1> to vector<16xi32>
        %broadcast_in_dim3A_212 = arith.constant true
        %broadcast_in_dim3A_213 = vector.broadcast %broadcast_in_dim3A_212 : i1 to vector<16xi1>
        %masked_cumsum3A_214 = tpu.scan <sum>, %convert_element_type3A_211 masked %broadcast_in_dim3A_213 : vector<16xi32>, vector<16xi1> -> vector<16xi32>
        %add3A_215 = arith.addi %masked_cumsum3A_214, %add3A_176 : vector<16xi32>
        %eq3A_216 = arith.constant 0 : i32
        %eq3A_217 = vector.broadcast %eq3A_216 : i32 to vector<16xi32>
        %eq3A_218 = arith.cmpi eq, %add3A_215, %eq3A_217 : vector<16xi32>
        %all_reduce_population_count3A_219 = tpu.all_reduce %eq3A_210 {dim = 0 : i64, kind = #tpu.reduction_kind<sum>} : vector<16xi1> -> vector<16xi32>
        %add3A_220 = arith.addi %add3A_176, %all_reduce_population_count3A_219 : vector<16xi32>
        %unique3A_221, %unique3A_222 = tpu.scan_count mask(%eq3A_218 : vector<16xi1>) value(%get3A_207 : vector<16xi32>) : vector<16xi1>, vector<16xi32>
        %and3A_223 = arith.andi %unique3A_221, %eq3A_218 : vector<16xi1>
        %convert_element_type3A_224 = arith.sitofp %unique3A_222 : vector<16xi32> to vector<16xf32>
        %ge3A_225 = arith.constant 15232 : i32
        %ge3A_226 = vector.broadcast %ge3A_225 : i32 to vector<16xi32>
        %ge3A_227 = arith.cmpi sge, %get3A_207, %ge3A_226 : vector<16xi32>
        %and3A_228 = arith.andi %and3A_223, %ge3A_227 : vector<16xi1>
        %lt3A_229 = arith.constant 30464 : i32
        %lt3A_230 = vector.broadcast %lt3A_229 : i32 to vector<16xi32>
        %lt3A_231 = arith.cmpi slt, %get3A_207, %lt3A_230 : vector<16xi32>
        %and3A_232 = arith.andi %and3A_228, %lt3A_231 : vector<16xi1>
        %sub3A_233 = arith.constant 15232 : i32
        %sub3A_234 = vector.broadcast %sub3A_233 : i32 to vector<16xi32>
        %sub3A_235 = arith.subi %get3A_207, %sub3A_234 : vector<16xi32>
        %jit3A_236 = arith.constant 0 : i32
        %broadcast_in_dim3A_237 = vector.broadcast %jit3A_236 : i32 to vector<16xi32>
        %select_n3A_238 = arith.select %and3A_232, %sub3A_235, %broadcast_in_dim3A_237 : vector<16xi1>, vector<16xi32>
        tpu.vector_store_idx %arg6[%broadcast_in_dim3A_128, %select_n3A_238], %convert_element_type3A_224 masked %and3A_232 {add = true} : memref<8x15232xf32, #tpu.memory_space<vmem>>[vector<16xi32>, vector<16xi32>], vector<16xf32>, vector<16xi1>
        %ge3A_239 = arith.constant 30464 : i32
        %ge3A_240 = vector.broadcast %ge3A_239 : i32 to vector<16xi32>
        %ge3A_241 = arith.cmpi sge, %get3A_207, %ge3A_240 : vector<16xi32>
        %and3A_242 = arith.andi %and3A_223, %ge3A_241 : vector<16xi1>
        %sub3A_243 = arith.constant 30464 : i32
        %sub3A_244 = vector.broadcast %sub3A_243 : i32 to vector<16xi32>
        %sub3A_245 = arith.subi %get3A_207, %sub3A_244 : vector<16xi32>
        %jit3A_246 = arith.constant 0 : i32
        %broadcast_in_dim3A_247 = vector.broadcast %jit3A_246 : i32 to vector<16xi32>
        %select_n3A_248 = arith.select %and3A_242, %sub3A_245, %broadcast_in_dim3A_247 : vector<16xi1>, vector<16xi32>
        tpu.vector_store_idx %arg7[%broadcast_in_dim3A_128, %select_n3A_248], %convert_element_type3A_224 masked %and3A_242 {add = true} : memref<8x128xf32, #tpu.memory_space<vmem>>[vector<16xi32>, vector<16xi32>], vector<16xf32>, vector<16xi1>
        %get3A_249 = arith.index_cast %add3A_127 : i32 to index
        %get3A_250 = arith.constant 48 : index
        %get3A_251 = tpu.vector_load %arg5[%get3A_249, %get3A_250] {strides = array<i32>} : memref<8x256xi32, #tpu.memory_space<vmem>>, vector<16xi32>,
        %eq3A_252 = arith.constant 0 : i32
        %eq3A_253 = vector.broadcast %eq3A_252 : i32 to vector<16xi32>
        %eq3A_254 = arith.cmpi eq, %get3A_251, %eq3A_253 : vector<16xi32>
        %convert_element_type3A_255 = arith.extui %eq3A_254 : vector<16xi1> to vector<16xi32>
        %broadcast_in_dim3A_256 = arith.constant true
        %broadcast_in_dim3A_257 = vector.broadcast %broadcast_in_dim3A_256 : i1 to vector<16xi1>
        %masked_cumsum3A_258 = tpu.scan <sum>, %convert_element_type3A_255 masked %broadcast_in_dim3A_257 : vector<16xi32>, vector<16xi1> -> vector<16xi32>
        %add3A_259 = arith.addi %masked_cumsum3A_258, %add3A_220 : vector<16xi32>
        %eq3A_260 = arith.constant 0 : i32
        %eq3A_261 = vector.broadcast %eq3A_260 : i32 to vector<16xi32>
        %eq3A_262 = arith.cmpi eq, %add3A_259, %eq3A_261 : vector<16xi32>
        %all_reduce_population_count3A_263 = tpu.all_reduce %eq3A_254 {dim = 0 : i64, kind = #tpu.reduction_kind<sum>} : vector<16xi1> -> vector<16xi32>
        %add3A_264 = arith.addi %add3A_220, %all_reduce_population_count3A_263 : vector<16xi32>
        %unique3A_265, %unique3A_266 = tpu.scan_count mask(%eq3A_262 : vector<16xi1>) value(%get3A_251 : vector<16xi32>) : vector<16xi1>, vector<16xi32>
        %and3A_267 = arith.andi %unique3A_265, %eq3A_262 : vector<16xi1>
        %convert_element_type3A_268 = arith.sitofp %unique3A_266 : vector<16xi32> to vector<16xf32>
        %ge3A_269 = arith.constant 15232 : i32
        %ge3A_270 = vector.broadcast %ge3A_269 : i32 to vector<16xi32>
        %ge3A_271 = arith.cmpi sge, %get3A_251, %ge3A_270 : vector<16xi32>
        %and3A_272 = arith.andi %and3A_267, %ge3A_271 : vector<16xi1>
        %lt3A_273 = arith.constant 30464 : i32
        %lt3A_274 = vector.broadcast %lt3A_273 : i32 to vector<16xi32>
        %lt3A_275 = arith.cmpi slt, %get3A_251, %lt3A_274 : vector<16xi32>
        %and3A_276 = arith.andi %and3A_272, %lt3A_275 : vector<16xi1>
        %sub3A_277 = arith.constant 15232 : i32
        %sub3A_278 = vector.broadcast %sub3A_277 : i32 to vector<16xi32>
        %sub3A_279 = arith.subi %get3A_251, %sub3A_278 : vector<16xi32>
        %jit3A_280 = arith.constant 0 : i32
        %broadcast_in_dim3A_281 = vector.broadcast %jit3A_280 : i32 to vector<16xi32>
        %select_n3A_282 = arith.select %and3A_276, %sub3A_279, %broadcast_in_dim3A_281 : vector<16xi1>, vector<16xi32>
        tpu.vector_store_idx %arg6[%broadcast_in_dim3A_128, %select_n3A_282], %convert_element_type3A_268 masked %and3A_276 {add = true} : memref<8x15232xf32, #tpu.memory_space<vmem>>[vector<16xi32>, vector<16xi32>], vector<16xf32>, vector<16xi1>
        %ge3A_283 = arith.constant 30464 : i32
        %ge3A_284 = vector.broadcast %ge3A_283 : i32 to vector<16xi32>
        %ge3A_285 = arith.cmpi sge, %get3A_251, %ge3A_284 : vector<16xi32>
        %and3A_286 = arith.andi %and3A_267, %ge3A_285 : vector<16xi1>
        %sub3A_287 = arith.constant 30464 : i32
        %sub3A_288 = vector.broadcast %sub3A_287 : i32 to vector<16xi32>
        %sub3A_289 = arith.subi %get3A_251, %sub3A_288 : vector<16xi32>
        %jit3A_290 = arith.constant 0 : i32
        %broadcast_in_dim3A_291 = vector.broadcast %jit3A_290 : i32 to vector<16xi32>
        %select_n3A_292 = arith.select %and3A_286, %sub3A_289, %broadcast_in_dim3A_291 : vector<16xi1>, vector<16xi32>
        tpu.vector_store_idx %arg7[%broadcast_in_dim3A_128, %select_n3A_292], %convert_element_type3A_268 masked %and3A_286 {add = true} : memref<8x128xf32, #tpu.memory_space<vmem>>[vector<16xi32>, vector<16xi32>], vector<16xf32>, vector<16xi1>
        %get3A_293 = arith.index_cast %add3A_127 : i32 to index
        %get3A_294 = arith.constant 64 : index
        %get3A_295 = tpu.vector_load %arg5[%get3A_293, %get3A_294] {strides = array<i32>} : memref<8x256xi32, #tpu.memory_space<vmem>>, vector<16xi32>,
        %eq3A_296 = arith.constant 0 : i32
        %eq3A_297 = vector.broadcast %eq3A_296 : i32 to vector<16xi32>
        %eq3A_298 = arith.cmpi eq, %get3A_295, %eq3A_297 : vector<16xi32>
        %convert_element_type3A_299 = arith.extui %eq3A_298 : vector<16xi1> to vector<16xi32>
        %broadcast_in_dim3A_300 = arith.constant true
        %broadcast_in_dim3A_301 = vector.broadcast %broadcast_in_dim3A_300 : i1 to vector<16xi1>
        %masked_cumsum3A_302 = tpu.scan <sum>, %convert_element_type3A_299 masked %broadcast_in_dim3A_301 : vector<16xi32>, vector<16xi1> -> vector<16xi32>
        %add3A_303 = arith.addi %masked_cumsum3A_302, %add3A_264 : vector<16xi32>
        %eq3A_304 = arith.constant 0 : i32
        %eq3A_305 = vector.broadcast %eq3A_304 : i32 to vector<16xi32>
        %eq3A_306 = arith.cmpi eq, %add3A_303, %eq3A_305 : vector<16xi32>
        %all_reduce_population_count3A_307 = tpu.all_reduce %eq3A_298 {dim = 0 : i64, kind = #tpu.reduction_kind<sum>} : vector<16xi1> -> vector<16xi32>
        %add3A_308 = arith.addi %add3A_264, %all_reduce_population_count3A_307 : vector<16xi32>
        %unique3A_309, %unique3A_310 = tpu.scan_count mask(%eq3A_306 : vector<16xi1>) value(%get3A_295 : vector<16xi32>) : vector<16xi1>, vector<16xi32>
        %and3A_311 = arith.andi %unique3A_309, %eq3A_306 : vector<16xi1>
        %convert_element_type3A_312 = arith.sitofp %unique3A_310 : vector<16xi32> to vector<16xf32>
        %ge3A_313 = arith.constant 15232 : i32
        %ge3A_314 = vector.broadcast %ge3A_313 : i32 to vector<16xi32>
        %ge3A_315 = arith.cmpi sge, %get3A_295, %ge3A_314 : vector<16xi32>
        %and3A_316 = arith.andi %and3A_311, %ge3A_315 : vector<16xi1>
        %lt3A_317 = arith.constant 30464 : i32
        %lt3A_318 = vector.broadcast %lt3A_317 : i32 to vector<16xi32>
        %lt3A_319 = arith.cmpi slt, %get3A_295, %lt3A_318 : vector<16xi32>
        %and3A_320 = arith.andi %and3A_316, %lt3A_319 : vector<16xi1>
        %sub3A_321 = arith.constant 15232 : i32
        %sub3A_322 = vector.broadcast %sub3A_321 : i32 to vector<16xi32>
        %sub3A_323 = arith.subi %get3A_295, %sub3A_322 : vector<16xi32>
        %jit3A_324 = arith.constant 0 : i32
        %broadcast_in_dim3A_325 = vector.broadcast %jit3A_324 : i32 to vector<16xi32>
        %select_n3A_326 = arith.select %and3A_320, %sub3A_323, %broadcast_in_dim3A_325 : vector<16xi1>, vector<16xi32>
        tpu.vector_store_idx %arg6[%broadcast_in_dim3A_128, %select_n3A_326], %convert_element_type3A_312 masked %and3A_320 {add = true} : memref<8x15232xf32, #tpu.memory_space<vmem>>[vector<16xi32>, vector<16xi32>], vector<16xf32>, vector<16xi1>
        %ge3A_327 = arith.constant 30464 : i32
        %ge3A_328 = vector.broadcast %ge3A_327 : i32 to vector<16xi32>
        %ge3A_329 = arith.cmpi sge, %get3A_295, %ge3A_328 : vector<16xi32>
        %and3A_330 = arith.andi %and3A_311, %ge3A_329 : vector<16xi1>
        %sub3A_331 = arith.constant 30464 : i32
        %sub3A_332 = vector.broadcast %sub3A_331 : i32 to vector<16xi32>
        %sub3A_333 = arith.subi %get3A_295, %sub3A_332 : vector<16xi32>
        %jit3A_334 = arith.constant 0 : i32
        %broadcast_in_dim3A_335 = vector.broadcast %jit3A_334 : i32 to vector<16xi32>
        %select_n3A_336 = arith.select %and3A_330, %sub3A_333, %broadcast_in_dim3A_335 : vector<16xi1>, vector<16xi32>
        tpu.vector_store_idx %arg7[%broadcast_in_dim3A_128, %select_n3A_336], %convert_element_type3A_312 masked %and3A_330 {add = true} : memref<8x128xf32, #tpu.memory_space<vmem>>[vector<16xi32>, vector<16xi32>], vector<16xf32>, vector<16xi1>
        %get3A_337 = arith.index_cast %add3A_127 : i32 to index
        %get3A_338 = arith.constant 80 : index
        %get3A_339 = tpu.vector_load %arg5[%get3A_337, %get3A_338] {strides = array<i32>} : memref<8x256xi32, #tpu.memory_space<vmem>>, vector<16xi32>,
        %eq3A_340 = arith.constant 0 : i32
        %eq3A_341 = vector.broadcast %eq3A_340 : i32 to vector<16xi32>
        %eq3A_342 = arith.cmpi eq, %get3A_339, %eq3A_341 : vector<16xi32>
        %convert_element_type3A_343 = arith.extui %eq3A_342 : vector<16xi1> to vector<16xi32>
        %broadcast_in_dim3A_344 = arith.constant true
        %broadcast_in_dim3A_345 = vector.broadcast %broadcast_in_dim3A_344 : i1 to vector<16xi1>
        %masked_cumsum3A_346 = tpu.scan <sum>, %convert_element_type3A_343 masked %broadcast_in_dim3A_345 : vector<16xi32>, vector<16xi1> -> vector<16xi32>
        %add3A_347 = arith.addi %masked_cumsum3A_346, %add3A_308 : vector<16xi32>
        %eq3A_348 = arith.constant 0 : i32
        %eq3A_349 = vector.broadcast %eq3A_348 : i32 to vector<16xi32>
        %eq3A_350 = arith.cmpi eq, %add3A_347, %eq3A_349 : vector<16xi32>
        %all_reduce_population_count3A_351 = tpu.all_reduce %eq3A_342 {dim = 0 : i64, kind = #tpu.reduction_kind<sum>} : vector<16xi1> -> vector<16xi32>
        %add3A_352 = arith.addi %add3A_308, %all_reduce_population_count3A_351 : vector<16xi32>
        %unique3A_353, %unique3A_354 = tpu.scan_count mask(%eq3A_350 : vector<16xi1>) value(%get3A_339 : vector<16xi32>) : vector<16xi1>, vector<16xi32>
        %and3A_355 = arith.andi %unique3A_353, %eq3A_350 : vector<16xi1>
        %convert_element_type3A_356 = arith.sitofp %unique3A_354 : vector<16xi32> to vector<16xf32>
        %ge3A_357 = arith.constant 15232 : i32
        %ge3A_358 = vector.broadcast %ge3A_357 : i32 to vector<16xi32>
        %ge3A_359 = arith.cmpi sge, %get3A_339, %ge3A_358 : vector<16xi32>
        %and3A_360 = arith.andi %and3A_355, %ge3A_359 : vector<16xi1>
        %lt3A_361 = arith.constant 30464 : i32
        %lt3A_362 = vector.broadcast %lt3A_361 : i32 to vector<16xi32>
        %lt3A_363 = arith.cmpi slt, %get3A_339, %lt3A_362 : vector<16xi32>
        %and3A_364 = arith.andi %and3A_360, %lt3A_363 : vector<16xi1>
        %sub3A_365 = arith.constant 15232 : i32
        %sub3A_366 = vector.broadcast %sub3A_365 : i32 to vector<16xi32>
        %sub3A_367 = arith.subi %get3A_339, %sub3A_366 : vector<16xi32>
        %jit3A_368 = arith.constant 0 : i32
        %broadcast_in_dim3A_369 = vector.broadcast %jit3A_368 : i32 to vector<16xi32>
        %select_n3A_370 = arith.select %and3A_364, %sub3A_367, %broadcast_in_dim3A_369 : vector<16xi1>, vector<16xi32>
        tpu.vector_store_idx %arg6[%broadcast_in_dim3A_128, %select_n3A_370], %convert_element_type3A_356 masked %and3A_364 {add = true} : memref<8x15232xf32, #tpu.memory_space<vmem>>[vector<16xi32>, vector<16xi32>], vector<16xf32>, vector<16xi1>
        %ge3A_371 = arith.constant 30464 : i32
        %ge3A_372 = vector.broadcast %ge3A_371 : i32 to vector<16xi32>
        %ge3A_373 = arith.cmpi sge, %get3A_339, %ge3A_372 : vector<16xi32>
        %and3A_374 = arith.andi %and3A_355, %ge3A_373 : vector<16xi1>
        %sub3A_375 = arith.constant 30464 : i32
        %sub3A_376 = vector.broadcast %sub3A_375 : i32 to vector<16xi32>
        %sub3A_377 = arith.subi %get3A_339, %sub3A_376 : vector<16xi32>
        %jit3A_378 = arith.constant 0 : i32
        %broadcast_in_dim3A_379 = vector.broadcast %jit3A_378 : i32 to vector<16xi32>
        %select_n3A_380 = arith.select %and3A_374, %sub3A_377, %broadcast_in_dim3A_379 : vector<16xi1>, vector<16xi32>
        tpu.vector_store_idx %arg7[%broadcast_in_dim3A_128, %select_n3A_380], %convert_element_type3A_356 masked %and3A_374 {add = true} : memref<8x128xf32, #tpu.memory_space<vmem>>[vector<16xi32>, vector<16xi32>], vector<16xf32>, vector<16xi1>
        %get3A_381 = arith.index_cast %add3A_127 : i32 to index
        %get3A_382 = arith.constant 96 : index
        %get3A_383 = tpu.vector_load %arg5[%get3A_381, %get3A_382] {strides = array<i32>} : memref<8x256xi32, #tpu.memory_space<vmem>>, vector<16xi32>,
        %eq3A_384 = arith.constant 0 : i32
        %eq3A_385 = vector.broadcast %eq3A_384 : i32 to vector<16xi32>
        %eq3A_386 = arith.cmpi eq, %get3A_383, %eq3A_385 : vector<16xi32>
        %convert_element_type3A_387 = arith.extui %eq3A_386 : vector<16xi1> to vector<16xi32>
        %broadcast_in_dim3A_388 = arith.constant true
        %broadcast_in_dim3A_389 = vector.broadcast %broadcast_in_dim3A_388 : i1 to vector<16xi1>
        %masked_cumsum3A_390 = tpu.scan <sum>, %convert_element_type3A_387 masked %broadcast_in_dim3A_389 : vector<16xi32>, vector<16xi1> -> vector<16xi32>
        %add3A_391 = arith.addi %masked_cumsum3A_390, %add3A_352 : vector<16xi32>
        %eq3A_392 = arith.constant 0 : i32
        %eq3A_393 = vector.broadcast %eq3A_392 : i32 to vector<16xi32>
        %eq3A_394 = arith.cmpi eq, %add3A_391, %eq3A_393 : vector<16xi32>
        %all_reduce_population_count3A_395 = tpu.all_reduce %eq3A_386 {dim = 0 : i64, kind = #tpu.reduction_kind<sum>} : vector<16xi1> -> vector<16xi32>
        %add3A_396 = arith.addi %add3A_352, %all_reduce_population_count3A_395 : vector<16xi32>
        %unique3A_397, %unique3A_398 = tpu.scan_count mask(%eq3A_394 : vector<16xi1>) value(%get3A_383 : vector<16xi32>) : vector<16xi1>, vector<16xi32>
        %and3A_399 = arith.andi %unique3A_397, %eq3A_394 : vector<16xi1>
        %convert_element_type3A_400 = arith.sitofp %unique3A_398 : vector<16xi32> to vector<16xf32>
        %ge3A_401 = arith.constant 15232 : i32
        %ge3A_402 = vector.broadcast %ge3A_401 : i32 to vector<16xi32>
        %ge3A_403 = arith.cmpi sge, %get3A_383, %ge3A_402 : vector<16xi32>
        %and3A_404 = arith.andi %and3A_399, %ge3A_403 : vector<16xi1>
        %lt3A_405 = arith.constant 30464 : i32
        %lt3A_406 = vector.broadcast %lt3A_405 : i32 to vector<16xi32>
        %lt3A_407 = arith.cmpi slt, %get3A_383, %lt3A_406 : vector<16xi32>
        %and3A_408 = arith.andi %and3A_404, %lt3A_407 : vector<16xi1>
        %sub3A_409 = arith.constant 15232 : i32
        %sub3A_410 = vector.broadcast %sub3A_409 : i32 to vector<16xi32>
        %sub3A_411 = arith.subi %get3A_383, %sub3A_410 : vector<16xi32>
        %jit3A_412 = arith.constant 0 : i32
        %broadcast_in_dim3A_413 = vector.broadcast %jit3A_412 : i32 to vector<16xi32>
        %select_n3A_414 = arith.select %and3A_408, %sub3A_411, %broadcast_in_dim3A_413 : vector<16xi1>, vector<16xi32>
        tpu.vector_store_idx %arg6[%broadcast_in_dim3A_128, %select_n3A_414], %convert_element_type3A_400 masked %and3A_408 {add = true} : memref<8x15232xf32, #tpu.memory_space<vmem>>[vector<16xi32>, vector<16xi32>], vector<16xf32>, vector<16xi1>
        %ge3A_415 = arith.constant 30464 : i32
        %ge3A_416 = vector.broadcast %ge3A_415 : i32 to vector<16xi32>
        %ge3A_417 = arith.cmpi sge, %get3A_383, %ge3A_416 : vector<16xi32>
        %and3A_418 = arith.andi %and3A_399, %ge3A_417 : vector<16xi1>
        %sub3A_419 = arith.constant 30464 : i32
        %sub3A_420 = vector.broadcast %sub3A_419 : i32 to vector<16xi32>
        %sub3A_421 = arith.subi %get3A_383, %sub3A_420 : vector<16xi32>
        %jit3A_422 = arith.constant 0 : i32
        %broadcast_in_dim3A_423 = vector.broadcast %jit3A_422 : i32 to vector<16xi32>
        %select_n3A_424 = arith.select %and3A_418, %sub3A_421, %broadcast_in_dim3A_423 : vector<16xi1>, vector<16xi32>
        tpu.vector_store_idx %arg7[%broadcast_in_dim3A_128, %select_n3A_424], %convert_element_type3A_400 masked %and3A_418 {add = true} : memref<8x128xf32, #tpu.memory_space<vmem>>[vector<16xi32>, vector<16xi32>], vector<16xf32>, vector<16xi1>
        %get3A_425 = arith.index_cast %add3A_127 : i32 to index
        %get3A_426 = arith.constant 112 : index
        %get3A_427 = tpu.vector_load %arg5[%get3A_425, %get3A_426] {strides = array<i32>} : memref<8x256xi32, #tpu.memory_space<vmem>>, vector<16xi32>,
        %eq3A_428 = arith.constant 0 : i32
        %eq3A_429 = vector.broadcast %eq3A_428 : i32 to vector<16xi32>
        %eq3A_430 = arith.cmpi eq, %get3A_427, %eq3A_429 : vector<16xi32>
        %convert_element_type3A_431 = arith.extui %eq3A_430 : vector<16xi1> to vector<16xi32>
        %broadcast_in_dim3A_432 = arith.constant true
        %broadcast_in_dim3A_433 = vector.broadcast %broadcast_in_dim3A_432 : i1 to vector<16xi1>
        %masked_cumsum3A_434 = tpu.scan <sum>, %convert_element_type3A_431 masked %broadcast_in_dim3A_433 : vector<16xi32>, vector<16xi1> -> vector<16xi32>
        %add3A_435 = arith.addi %masked_cumsum3A_434, %add3A_396 : vector<16xi32>
        %eq3A_436 = arith.constant 0 : i32
        %eq3A_437 = vector.broadcast %eq3A_436 : i32 to vector<16xi32>
        %eq3A_438 = arith.cmpi eq, %add3A_435, %eq3A_437 : vector<16xi32>
        %all_reduce_population_count3A_439 = tpu.all_reduce %eq3A_430 {dim = 0 : i64, kind = #tpu.reduction_kind<sum>} : vector<16xi1> -> vector<16xi32>
        %add3A_440 = arith.addi %add3A_396, %all_reduce_population_count3A_439 : vector<16xi32>
        %unique3A_441, %unique3A_442 = tpu.scan_count mask(%eq3A_438 : vector<16xi1>) value(%get3A_427 : vector<16xi32>) : vector<16xi1>, vector<16xi32>
        %and3A_443 = arith.andi %unique3A_441, %eq3A_438 : vector<16xi1>
        %convert_element_type3A_444 = arith.sitofp %unique3A_442 : vector<16xi32> to vector<16xf32>
        %ge3A_445 = arith.constant 15232 : i32
        %ge3A_446 = vector.broadcast %ge3A_445 : i32 to vector<16xi32>
        %ge3A_447 = arith.cmpi sge, %get3A_427, %ge3A_446 : vector<16xi32>
        %and3A_448 = arith.andi %and3A_443, %ge3A_447 : vector<16xi1>
        %lt3A_449 = arith.constant 30464 : i32
        %lt3A_450 = vector.broadcast %lt3A_449 : i32 to vector<16xi32>
        %lt3A_451 = arith.cmpi slt, %get3A_427, %lt3A_450 : vector<16xi32>
        %and3A_452 = arith.andi %and3A_448, %lt3A_451 : vector<16xi1>
        %sub3A_453 = arith.constant 15232 : i32
        %sub3A_454 = vector.broadcast %sub3A_453 : i32 to vector<16xi32>
        %sub3A_455 = arith.subi %get3A_427, %sub3A_454 : vector<16xi32>
        %jit3A_456 = arith.constant 0 : i32
        %broadcast_in_dim3A_457 = vector.broadcast %jit3A_456 : i32 to vector<16xi32>
        %select_n3A_458 = arith.select %and3A_452, %sub3A_455, %broadcast_in_dim3A_457 : vector<16xi1>, vector<16xi32>
        tpu.vector_store_idx %arg6[%broadcast_in_dim3A_128, %select_n3A_458], %convert_element_type3A_444 masked %and3A_452 {add = true} : memref<8x15232xf32, #tpu.memory_space<vmem>>[vector<16xi32>, vector<16xi32>], vector<16xf32>, vector<16xi1>
        %ge3A_459 = arith.constant 30464 : i32
        %ge3A_460 = vector.broadcast %ge3A_459 : i32 to vector<16xi32>
        %ge3A_461 = arith.cmpi sge, %get3A_427, %ge3A_460 : vector<16xi32>
        %and3A_462 = arith.andi %and3A_443, %ge3A_461 : vector<16xi1>
        %sub3A_463 = arith.constant 30464 : i32
        %sub3A_464 = vector.broadcast %sub3A_463 : i32 to vector<16xi32>
        %sub3A_465 = arith.subi %get3A_427, %sub3A_464 : vector<16xi32>
        %jit3A_466 = arith.constant 0 : i32
        %broadcast_in_dim3A_467 = vector.broadcast %jit3A_466 : i32 to vector<16xi32>
        %select_n3A_468 = arith.select %and3A_462, %sub3A_465, %broadcast_in_dim3A_467 : vector<16xi1>, vector<16xi32>
        tpu.vector_store_idx %arg7[%broadcast_in_dim3A_128, %select_n3A_468], %convert_element_type3A_444 masked %and3A_462 {add = true} : memref<8x128xf32, #tpu.memory_space<vmem>>[vector<16xi32>, vector<16xi32>], vector<16xf32>, vector<16xi1>
        %get3A_469 = arith.index_cast %add3A_127 : i32 to index
        %get3A_470 = arith.constant 128 : index
        %get3A_471 = tpu.vector_load %arg5[%get3A_469, %get3A_470] {strides = array<i32>} : memref<8x256xi32, #tpu.memory_space<vmem>>, vector<16xi32>,
        %eq3A_472 = arith.constant 0 : i32
        %eq3A_473 = vector.broadcast %eq3A_472 : i32 to vector<16xi32>
        %eq3A_474 = arith.cmpi eq, %get3A_471, %eq3A_473 : vector<16xi32>
        %convert_element_type3A_475 = arith.extui %eq3A_474 : vector<16xi1> to vector<16xi32>
        %broadcast_in_dim3A_476 = arith.constant true
        %broadcast_in_dim3A_477 = vector.broadcast %broadcast_in_dim3A_476 : i1 to vector<16xi1>
        %masked_cumsum3A_478 = tpu.scan <sum>, %convert_element_type3A_475 masked %broadcast_in_dim3A_477 : vector<16xi32>, vector<16xi1> -> vector<16xi32>
        %add3A_479 = arith.addi %masked_cumsum3A_478, %add3A_440 : vector<16xi32>
        %eq3A_480 = arith.constant 0 : i32
        %eq3A_481 = vector.broadcast %eq3A_480 : i32 to vector<16xi32>
        %eq3A_482 = arith.cmpi eq, %add3A_479, %eq3A_481 : vector<16xi32>
        %all_reduce_population_count3A_483 = tpu.all_reduce %eq3A_474 {dim = 0 : i64, kind = #tpu.reduction_kind<sum>} : vector<16xi1> -> vector<16xi32>
        %add3A_484 = arith.addi %add3A_440, %all_reduce_population_count3A_483 : vector<16xi32>
        %unique3A_485, %unique3A_486 = tpu.scan_count mask(%eq3A_482 : vector<16xi1>) value(%get3A_471 : vector<16xi32>) : vector<16xi1>, vector<16xi32>
        %and3A_487 = arith.andi %unique3A_485, %eq3A_482 : vector<16xi1>
        %convert_element_type3A_488 = arith.sitofp %unique3A_486 : vector<16xi32> to vector<16xf32>
        %ge3A_489 = arith.constant 15232 : i32
        %ge3A_490 = vector.broadcast %ge3A_489 : i32 to vector<16xi32>
        %ge3A_491 = arith.cmpi sge, %get3A_471, %ge3A_490 : vector<16xi32>
        %and3A_492 = arith.andi %and3A_487, %ge3A_491 : vector<16xi1>
        %lt3A_493 = arith.constant 30464 : i32
        %lt3A_494 = vector.broadcast %lt3A_493 : i32 to vector<16xi32>
        %lt3A_495 = arith.cmpi slt, %get3A_471, %lt3A_494 : vector<16xi32>
        %and3A_496 = arith.andi %and3A_492, %lt3A_495 : vector<16xi1>
        %sub3A_497 = arith.constant 15232 : i32
        %sub3A_498 = vector.broadcast %sub3A_497 : i32 to vector<16xi32>
        %sub3A_499 = arith.subi %get3A_471, %sub3A_498 : vector<16xi32>
        %jit3A_500 = arith.constant 0 : i32
        %broadcast_in_dim3A_501 = vector.broadcast %jit3A_500 : i32 to vector<16xi32>
        %select_n3A_502 = arith.select %and3A_496, %sub3A_499, %broadcast_in_dim3A_501 : vector<16xi1>, vector<16xi32>
        tpu.vector_store_idx %arg6[%broadcast_in_dim3A_128, %select_n3A_502], %convert_element_type3A_488 masked %and3A_496 {add = true} : memref<8x15232xf32, #tpu.memory_space<vmem>>[vector<16xi32>, vector<16xi32>], vector<16xf32>, vector<16xi1>
        %ge3A_503 = arith.constant 30464 : i32
        %ge3A_504 = vector.broadcast %ge3A_503 : i32 to vector<16xi32>
        %ge3A_505 = arith.cmpi sge, %get3A_471, %ge3A_504 : vector<16xi32>
        %and3A_506 = arith.andi %and3A_487, %ge3A_505 : vector<16xi1>
        %sub3A_507 = arith.constant 30464 : i32
        %sub3A_508 = vector.broadcast %sub3A_507 : i32 to vector<16xi32>
        %sub3A_509 = arith.subi %get3A_471, %sub3A_508 : vector<16xi32>
        %jit3A_510 = arith.constant 0 : i32
        %broadcast_in_dim3A_511 = vector.broadcast %jit3A_510 : i32 to vector<16xi32>
        %select_n3A_512 = arith.select %and3A_506, %sub3A_509, %broadcast_in_dim3A_511 : vector<16xi1>, vector<16xi32>
        tpu.vector_store_idx %arg7[%broadcast_in_dim3A_128, %select_n3A_512], %convert_element_type3A_488 masked %and3A_506 {add = true} : memref<8x128xf32, #tpu.memory_space<vmem>>[vector<16xi32>, vector<16xi32>], vector<16xf32>, vector<16xi1>
        %get3A_513 = arith.index_cast %add3A_127 : i32 to index
        %get3A_514 = arith.constant 144 : index
        %get3A_515 = tpu.vector_load %arg5[%get3A_513, %get3A_514] {strides = array<i32>} : memref<8x256xi32, #tpu.memory_space<vmem>>, vector<16xi32>,
        %eq3A_516 = arith.constant 0 : i32
        %eq3A_517 = vector.broadcast %eq3A_516 : i32 to vector<16xi32>
        %eq3A_518 = arith.cmpi eq, %get3A_515, %eq3A_517 : vector<16xi32>
        %convert_element_type3A_519 = arith.extui %eq3A_518 : vector<16xi1> to vector<16xi32>
        %broadcast_in_dim3A_520 = arith.constant true
        %broadcast_in_dim3A_521 = vector.broadcast %broadcast_in_dim3A_520 : i1 to vector<16xi1>
        %masked_cumsum3A_522 = tpu.scan <sum>, %convert_element_type3A_519 masked %broadcast_in_dim3A_521 : vector<16xi32>, vector<16xi1> -> vector<16xi32>
        %add3A_523 = arith.addi %masked_cumsum3A_522, %add3A_484 : vector<16xi32>
        %eq3A_524 = arith.constant 0 : i32
        %eq3A_525 = vector.broadcast %eq3A_524 : i32 to vector<16xi32>
        %eq3A_526 = arith.cmpi eq, %add3A_523, %eq3A_525 : vector<16xi32>
        %all_reduce_population_count3A_527 = tpu.all_reduce %eq3A_518 {dim = 0 : i64, kind = #tpu.reduction_kind<sum>} : vector<16xi1> -> vector<16xi32>
        %add3A_528 = arith.addi %add3A_484, %all_reduce_population_count3A_527 : vector<16xi32>
        %unique3A_529, %unique3A_530 = tpu.scan_count mask(%eq3A_526 : vector<16xi1>) value(%get3A_515 : vector<16xi32>) : vector<16xi1>, vector<16xi32>
        %and3A_531 = arith.andi %unique3A_529, %eq3A_526 : vector<16xi1>
        %convert_element_type3A_532 = arith.sitofp %unique3A_530 : vector<16xi32> to vector<16xf32>
        %ge3A_533 = arith.constant 15232 : i32
        %ge3A_534 = vector.broadcast %ge3A_533 : i32 to vector<16xi32>
        %ge3A_535 = arith.cmpi sge, %get3A_515, %ge3A_534 : vector<16xi32>
        %and3A_536 = arith.andi %and3A_531, %ge3A_535 : vector<16xi1>
        %lt3A_537 = arith.constant 30464 : i32
        %lt3A_538 = vector.broadcast %lt3A_537 : i32 to vector<16xi32>
        %lt3A_539 = arith.cmpi slt, %get3A_515, %lt3A_538 : vector<16xi32>
        %and3A_540 = arith.andi %and3A_536, %lt3A_539 : vector<16xi1>
        %sub3A_541 = arith.constant 15232 : i32
        %sub3A_542 = vector.broadcast %sub3A_541 : i32 to vector<16xi32>
        %sub3A_543 = arith.subi %get3A_515, %sub3A_542 : vector<16xi32>
        %jit3A_544 = arith.constant 0 : i32
        %broadcast_in_dim3A_545 = vector.broadcast %jit3A_544 : i32 to vector<16xi32>
        %select_n3A_546 = arith.select %and3A_540, %sub3A_543, %broadcast_in_dim3A_545 : vector<16xi1>, vector<16xi32>
        tpu.vector_store_idx %arg6[%broadcast_in_dim3A_128, %select_n3A_546], %convert_element_type3A_532 masked %and3A_540 {add = true} : memref<8x15232xf32, #tpu.memory_space<vmem>>[vector<16xi32>, vector<16xi32>], vector<16xf32>, vector<16xi1>
        %ge3A_547 = arith.constant 30464 : i32
        %ge3A_548 = vector.broadcast %ge3A_547 : i32 to vector<16xi32>
        %ge3A_549 = arith.cmpi sge, %get3A_515, %ge3A_548 : vector<16xi32>
        %and3A_550 = arith.andi %and3A_531, %ge3A_549 : vector<16xi1>
        %sub3A_551 = arith.constant 30464 : i32
        %sub3A_552 = vector.broadcast %sub3A_551 : i32 to vector<16xi32>
        %sub3A_553 = arith.subi %get3A_515, %sub3A_552 : vector<16xi32>
        %jit3A_554 = arith.constant 0 : i32
        %broadcast_in_dim3A_555 = vector.broadcast %jit3A_554 : i32 to vector<16xi32>
        %select_n3A_556 = arith.select %and3A_550, %sub3A_553, %broadcast_in_dim3A_555 : vector<16xi1>, vector<16xi32>
        tpu.vector_store_idx %arg7[%broadcast_in_dim3A_128, %select_n3A_556], %convert_element_type3A_532 masked %and3A_550 {add = true} : memref<8x128xf32, #tpu.memory_space<vmem>>[vector<16xi32>, vector<16xi32>], vector<16xf32>, vector<16xi1>
        %get3A_557 = arith.index_cast %add3A_127 : i32 to index
        %get3A_558 = arith.constant 160 : index
        %get3A_559 = tpu.vector_load %arg5[%get3A_557, %get3A_558] {strides = array<i32>} : memref<8x256xi32, #tpu.memory_space<vmem>>, vector<16xi32>,
        %eq3A_560 = arith.constant 0 : i32
        %eq3A_561 = vector.broadcast %eq3A_560 : i32 to vector<16xi32>
        %eq3A_562 = arith.cmpi eq, %get3A_559, %eq3A_561 : vector<16xi32>
        %convert_element_type3A_563 = arith.extui %eq3A_562 : vector<16xi1> to vector<16xi32>
        %broadcast_in_dim3A_564 = arith.constant true
        %broadcast_in_dim3A_565 = vector.broadcast %broadcast_in_dim3A_564 : i1 to vector<16xi1>
        %masked_cumsum3A_566 = tpu.scan <sum>, %convert_element_type3A_563 masked %broadcast_in_dim3A_565 : vector<16xi32>, vector<16xi1> -> vector<16xi32>
        %add3A_567 = arith.addi %masked_cumsum3A_566, %add3A_528 : vector<16xi32>
        %eq3A_568 = arith.constant 0 : i32
        %eq3A_569 = vector.broadcast %eq3A_568 : i32 to vector<16xi32>
        %eq3A_570 = arith.cmpi eq, %add3A_567, %eq3A_569 : vector<16xi32>
        %all_reduce_population_count3A_571 = tpu.all_reduce %eq3A_562 {dim = 0 : i64, kind = #tpu.reduction_kind<sum>} : vector<16xi1> -> vector<16xi32>
        %add3A_572 = arith.addi %add3A_528, %all_reduce_population_count3A_571 : vector<16xi32>
        %unique3A_573, %unique3A_574 = tpu.scan_count mask(%eq3A_570 : vector<16xi1>) value(%get3A_559 : vector<16xi32>) : vector<16xi1>, vector<16xi32>
        %and3A_575 = arith.andi %unique3A_573, %eq3A_570 : vector<16xi1>
        %convert_element_type3A_576 = arith.sitofp %unique3A_574 : vector<16xi32> to vector<16xf32>
        %ge3A_577 = arith.constant 15232 : i32
        %ge3A_578 = vector.broadcast %ge3A_577 : i32 to vector<16xi32>
        %ge3A_579 = arith.cmpi sge, %get3A_559, %ge3A_578 : vector<16xi32>
        %and3A_580 = arith.andi %and3A_575, %ge3A_579 : vector<16xi1>
        %lt3A_581 = arith.constant 30464 : i32
        %lt3A_582 = vector.broadcast %lt3A_581 : i32 to vector<16xi32>
        %lt3A_583 = arith.cmpi slt, %get3A_559, %lt3A_582 : vector<16xi32>
        %and3A_584 = arith.andi %and3A_580, %lt3A_583 : vector<16xi1>
        %sub3A_585 = arith.constant 15232 : i32
        %sub3A_586 = vector.broadcast %sub3A_585 : i32 to vector<16xi32>
        %sub3A_587 = arith.subi %get3A_559, %sub3A_586 : vector<16xi32>
        %jit3A_588 = arith.constant 0 : i32
        %broadcast_in_dim3A_589 = vector.broadcast %jit3A_588 : i32 to vector<16xi32>
        %select_n3A_590 = arith.select %and3A_584, %sub3A_587, %broadcast_in_dim3A_589 : vector<16xi1>, vector<16xi32>
        tpu.vector_store_idx %arg6[%broadcast_in_dim3A_128, %select_n3A_590], %convert_element_type3A_576 masked %and3A_584 {add = true} : memref<8x15232xf32, #tpu.memory_space<vmem>>[vector<16xi32>, vector<16xi32>], vector<16xf32>, vector<16xi1>
        %ge3A_591 = arith.constant 30464 : i32
        %ge3A_592 = vector.broadcast %ge3A_591 : i32 to vector<16xi32>
        %ge3A_593 = arith.cmpi sge, %get3A_559, %ge3A_592 : vector<16xi32>
        %and3A_594 = arith.andi %and3A_575, %ge3A_593 : vector<16xi1>
        %sub3A_595 = arith.constant 30464 : i32
        %sub3A_596 = vector.broadcast %sub3A_595 : i32 to vector<16xi32>
        %sub3A_597 = arith.subi %get3A_559, %sub3A_596 : vector<16xi32>
        %jit3A_598 = arith.constant 0 : i32
        %broadcast_in_dim3A_599 = vector.broadcast %jit3A_598 : i32 to vector<16xi32>
        %select_n3A_600 = arith.select %and3A_594, %sub3A_597, %broadcast_in_dim3A_599 : vector<16xi1>, vector<16xi32>
        tpu.vector_store_idx %arg7[%broadcast_in_dim3A_128, %select_n3A_600], %convert_element_type3A_576 masked %and3A_594 {add = true} : memref<8x128xf32, #tpu.memory_space<vmem>>[vector<16xi32>, vector<16xi32>], vector<16xf32>, vector<16xi1>
        %get3A_601 = arith.index_cast %add3A_127 : i32 to index
        %get3A_602 = arith.constant 176 : index
        %get3A_603 = tpu.vector_load %arg5[%get3A_601, %get3A_602] {strides = array<i32>} : memref<8x256xi32, #tpu.memory_space<vmem>>, vector<16xi32>,
        %eq3A_604 = arith.constant 0 : i32
        %eq3A_605 = vector.broadcast %eq3A_604 : i32 to vector<16xi32>
        %eq3A_606 = arith.cmpi eq, %get3A_603, %eq3A_605 : vector<16xi32>
        %convert_element_type3A_607 = arith.extui %eq3A_606 : vector<16xi1> to vector<16xi32>
        %broadcast_in_dim3A_608 = arith.constant true
        %broadcast_in_dim3A_609 = vector.broadcast %broadcast_in_dim3A_608 : i1 to vector<16xi1>
        %masked_cumsum3A_610 = tpu.scan <sum>, %convert_element_type3A_607 masked %broadcast_in_dim3A_609 : vector<16xi32>, vector<16xi1> -> vector<16xi32>
        %add3A_611 = arith.addi %masked_cumsum3A_610, %add3A_572 : vector<16xi32>
        %eq3A_612 = arith.constant 0 : i32
        %eq3A_613 = vector.broadcast %eq3A_612 : i32 to vector<16xi32>
        %eq3A_614 = arith.cmpi eq, %add3A_611, %eq3A_613 : vector<16xi32>
        %all_reduce_population_count3A_615 = tpu.all_reduce %eq3A_606 {dim = 0 : i64, kind = #tpu.reduction_kind<sum>} : vector<16xi1> -> vector<16xi32>
        %add3A_616 = arith.addi %add3A_572, %all_reduce_population_count3A_615 : vector<16xi32>
        %unique3A_617, %unique3A_618 = tpu.scan_count mask(%eq3A_614 : vector<16xi1>) value(%get3A_603 : vector<16xi32>) : vector<16xi1>, vector<16xi32>
        %and3A_619 = arith.andi %unique3A_617, %eq3A_614 : vector<16xi1>
        %convert_element_type3A_620 = arith.sitofp %unique3A_618 : vector<16xi32> to vector<16xf32>
        %ge3A_621 = arith.constant 15232 : i32
        %ge3A_622 = vector.broadcast %ge3A_621 : i32 to vector<16xi32>
        %ge3A_623 = arith.cmpi sge, %get3A_603, %ge3A_622 : vector<16xi32>
        %and3A_624 = arith.andi %and3A_619, %ge3A_623 : vector<16xi1>
        %lt3A_625 = arith.constant 30464 : i32
        %lt3A_626 = vector.broadcast %lt3A_625 : i32 to vector<16xi32>
        %lt3A_627 = arith.cmpi slt, %get3A_603, %lt3A_626 : vector<16xi32>
        %and3A_628 = arith.andi %and3A_624, %lt3A_627 : vector<16xi1>
        %sub3A_629 = arith.constant 15232 : i32
        %sub3A_630 = vector.broadcast %sub3A_629 : i32 to vector<16xi32>
        %sub3A_631 = arith.subi %get3A_603, %sub3A_630 : vector<16xi32>
        %jit3A_632 = arith.constant 0 : i32
        %broadcast_in_dim3A_633 = vector.broadcast %jit3A_632 : i32 to vector<16xi32>
        %select_n3A_634 = arith.select %and3A_628, %sub3A_631, %broadcast_in_dim3A_633 : vector<16xi1>, vector<16xi32>
        tpu.vector_store_idx %arg6[%broadcast_in_dim3A_128, %select_n3A_634], %convert_element_type3A_620 masked %and3A_628 {add = true} : memref<8x15232xf32, #tpu.memory_space<vmem>>[vector<16xi32>, vector<16xi32>], vector<16xf32>, vector<16xi1>
        %ge3A_635 = arith.constant 30464 : i32
        %ge3A_636 = vector.broadcast %ge3A_635 : i32 to vector<16xi32>
        %ge3A_637 = arith.cmpi sge, %get3A_603, %ge3A_636 : vector<16xi32>
        %and3A_638 = arith.andi %and3A_619, %ge3A_637 : vector<16xi1>
        %sub3A_639 = arith.constant 30464 : i32
        %sub3A_640 = vector.broadcast %sub3A_639 : i32 to vector<16xi32>
        %sub3A_641 = arith.subi %get3A_603, %sub3A_640 : vector<16xi32>
        %jit3A_642 = arith.constant 0 : i32
        %broadcast_in_dim3A_643 = vector.broadcast %jit3A_642 : i32 to vector<16xi32>
        %select_n3A_644 = arith.select %and3A_638, %sub3A_641, %broadcast_in_dim3A_643 : vector<16xi1>, vector<16xi32>
        tpu.vector_store_idx %arg7[%broadcast_in_dim3A_128, %select_n3A_644], %convert_element_type3A_620 masked %and3A_638 {add = true} : memref<8x128xf32, #tpu.memory_space<vmem>>[vector<16xi32>, vector<16xi32>], vector<16xf32>, vector<16xi1>
        %get3A_645 = arith.index_cast %add3A_127 : i32 to index
        %get3A_646 = arith.constant 192 : index
        %get3A_647 = tpu.vector_load %arg5[%get3A_645, %get3A_646] {strides = array<i32>} : memref<8x256xi32, #tpu.memory_space<vmem>>, vector<16xi32>,
        %eq3A_648 = arith.constant 0 : i32
        %eq3A_649 = vector.broadcast %eq3A_648 : i32 to vector<16xi32>
        %eq3A_650 = arith.cmpi eq, %get3A_647, %eq3A_649 : vector<16xi32>
        %convert_element_type3A_651 = arith.extui %eq3A_650 : vector<16xi1> to vector<16xi32>
        %broadcast_in_dim3A_652 = arith.constant true
        %broadcast_in_dim3A_653 = vector.broadcast %broadcast_in_dim3A_652 : i1 to vector<16xi1>
        %masked_cumsum3A_654 = tpu.scan <sum>, %convert_element_type3A_651 masked %broadcast_in_dim3A_653 : vector<16xi32>, vector<16xi1> -> vector<16xi32>
        %add3A_655 = arith.addi %masked_cumsum3A_654, %add3A_616 : vector<16xi32>
        %eq3A_656 = arith.constant 0 : i32
        %eq3A_657 = vector.broadcast %eq3A_656 : i32 to vector<16xi32>
        %eq3A_658 = arith.cmpi eq, %add3A_655, %eq3A_657 : vector<16xi32>
        %all_reduce_population_count3A_659 = tpu.all_reduce %eq3A_650 {dim = 0 : i64, kind = #tpu.reduction_kind<sum>} : vector<16xi1> -> vector<16xi32>
        %add3A_660 = arith.addi %add3A_616, %all_reduce_population_count3A_659 : vector<16xi32>
        %unique3A_661, %unique3A_662 = tpu.scan_count mask(%eq3A_658 : vector<16xi1>) value(%get3A_647 : vector<16xi32>) : vector<16xi1>, vector<16xi32>
        %and3A_663 = arith.andi %unique3A_661, %eq3A_658 : vector<16xi1>
        %convert_element_type3A_664 = arith.sitofp %unique3A_662 : vector<16xi32> to vector<16xf32>
        %ge3A_665 = arith.constant 15232 : i32
        %ge3A_666 = vector.broadcast %ge3A_665 : i32 to vector<16xi32>
        %ge3A_667 = arith.cmpi sge, %get3A_647, %ge3A_666 : vector<16xi32>
        %and3A_668 = arith.andi %and3A_663, %ge3A_667 : vector<16xi1>
        %lt3A_669 = arith.constant 30464 : i32
        %lt3A_670 = vector.broadcast %lt3A_669 : i32 to vector<16xi32>
        %lt3A_671 = arith.cmpi slt, %get3A_647, %lt3A_670 : vector<16xi32>
        %and3A_672 = arith.andi %and3A_668, %lt3A_671 : vector<16xi1>
        %sub3A_673 = arith.constant 15232 : i32
        %sub3A_674 = vector.broadcast %sub3A_673 : i32 to vector<16xi32>
        %sub3A_675 = arith.subi %get3A_647, %sub3A_674 : vector<16xi32>
        %jit3A_676 = arith.constant 0 : i32
        %broadcast_in_dim3A_677 = vector.broadcast %jit3A_676 : i32 to vector<16xi32>
        %select_n3A_678 = arith.select %and3A_672, %sub3A_675, %broadcast_in_dim3A_677 : vector<16xi1>, vector<16xi32>
        tpu.vector_store_idx %arg6[%broadcast_in_dim3A_128, %select_n3A_678], %convert_element_type3A_664 masked %and3A_672 {add = true} : memref<8x15232xf32, #tpu.memory_space<vmem>>[vector<16xi32>, vector<16xi32>], vector<16xf32>, vector<16xi1>
        %ge3A_679 = arith.constant 30464 : i32
        %ge3A_680 = vector.broadcast %ge3A_679 : i32 to vector<16xi32>
        %ge3A_681 = arith.cmpi sge, %get3A_647, %ge3A_680 : vector<16xi32>
        %and3A_682 = arith.andi %and3A_663, %ge3A_681 : vector<16xi1>
        %sub3A_683 = arith.constant 30464 : i32
        %sub3A_684 = vector.broadcast %sub3A_683 : i32 to vector<16xi32>
        %sub3A_685 = arith.subi %get3A_647, %sub3A_684 : vector<16xi32>
        %jit3A_686 = arith.constant 0 : i32
        %broadcast_in_dim3A_687 = vector.broadcast %jit3A_686 : i32 to vector<16xi32>
        %select_n3A_688 = arith.select %and3A_682, %sub3A_685, %broadcast_in_dim3A_687 : vector<16xi1>, vector<16xi32>
        tpu.vector_store_idx %arg7[%broadcast_in_dim3A_128, %select_n3A_688], %convert_element_type3A_664 masked %and3A_682 {add = true} : memref<8x128xf32, #tpu.memory_space<vmem>>[vector<16xi32>, vector<16xi32>], vector<16xf32>, vector<16xi1>
        %get3A_689 = arith.index_cast %add3A_127 : i32 to index
        %get3A_690 = arith.constant 208 : index
        %get3A_691 = tpu.vector_load %arg5[%get3A_689, %get3A_690] {strides = array<i32>} : memref<8x256xi32, #tpu.memory_space<vmem>>, vector<16xi32>,
        %eq3A_692 = arith.constant 0 : i32
        %eq3A_693 = vector.broadcast %eq3A_692 : i32 to vector<16xi32>
        %eq3A_694 = arith.cmpi eq, %get3A_691, %eq3A_693 : vector<16xi32>
        %convert_element_type3A_695 = arith.extui %eq3A_694 : vector<16xi1> to vector<16xi32>
        %broadcast_in_dim3A_696 = arith.constant true
        %broadcast_in_dim3A_697 = vector.broadcast %broadcast_in_dim3A_696 : i1 to vector<16xi1>
        %masked_cumsum3A_698 = tpu.scan <sum>, %convert_element_type3A_695 masked %broadcast_in_dim3A_697 : vector<16xi32>, vector<16xi1> -> vector<16xi32>
        %add3A_699 = arith.addi %masked_cumsum3A_698, %add3A_660 : vector<16xi32>
        %eq3A_700 = arith.constant 0 : i32
        %eq3A_701 = vector.broadcast %eq3A_700 : i32 to vector<16xi32>
        %eq3A_702 = arith.cmpi eq, %add3A_699, %eq3A_701 : vector<16xi32>
        %all_reduce_population_count3A_703 = tpu.all_reduce %eq3A_694 {dim = 0 : i64, kind = #tpu.reduction_kind<sum>} : vector<16xi1> -> vector<16xi32>
        %add3A_704 = arith.addi %add3A_660, %all_reduce_population_count3A_703 : vector<16xi32>
        %unique3A_705, %unique3A_706 = tpu.scan_count mask(%eq3A_702 : vector<16xi1>) value(%get3A_691 : vector<16xi32>) : vector<16xi1>, vector<16xi32>
        %and3A_707 = arith.andi %unique3A_705, %eq3A_702 : vector<16xi1>
        %convert_element_type3A_708 = arith.sitofp %unique3A_706 : vector<16xi32> to vector<16xf32>
        %ge3A_709 = arith.constant 15232 : i32
        %ge3A_710 = vector.broadcast %ge3A_709 : i32 to vector<16xi32>
        %ge3A_711 = arith.cmpi sge, %get3A_691, %ge3A_710 : vector<16xi32>
        %and3A_712 = arith.andi %and3A_707, %ge3A_711 : vector<16xi1>
        %lt3A_713 = arith.constant 30464 : i32
        %lt3A_714 = vector.broadcast %lt3A_713 : i32 to vector<16xi32>
        %lt3A_715 = arith.cmpi slt, %get3A_691, %lt3A_714 : vector<16xi32>
        %and3A_716 = arith.andi %and3A_712, %lt3A_715 : vector<16xi1>
        %sub3A_717 = arith.constant 15232 : i32
        %sub3A_718 = vector.broadcast %sub3A_717 : i32 to vector<16xi32>
        %sub3A_719 = arith.subi %get3A_691, %sub3A_718 : vector<16xi32>
        %jit3A_720 = arith.constant 0 : i32
        %broadcast_in_dim3A_721 = vector.broadcast %jit3A_720 : i32 to vector<16xi32>
        %select_n3A_722 = arith.select %and3A_716, %sub3A_719, %broadcast_in_dim3A_721 : vector<16xi1>, vector<16xi32>
        tpu.vector_store_idx %arg6[%broadcast_in_dim3A_128, %select_n3A_722], %convert_element_type3A_708 masked %and3A_716 {add = true} : memref<8x15232xf32, #tpu.memory_space<vmem>>[vector<16xi32>, vector<16xi32>], vector<16xf32>, vector<16xi1>
        %ge3A_723 = arith.constant 30464 : i32
        %ge3A_724 = vector.broadcast %ge3A_723 : i32 to vector<16xi32>
        %ge3A_725 = arith.cmpi sge, %get3A_691, %ge3A_724 : vector<16xi32>
        %and3A_726 = arith.andi %and3A_707, %ge3A_725 : vector<16xi1>
        %sub3A_727 = arith.constant 30464 : i32
        %sub3A_728 = vector.broadcast %sub3A_727 : i32 to vector<16xi32>
        %sub3A_729 = arith.subi %get3A_691, %sub3A_728 : vector<16xi32>
        %jit3A_730 = arith.constant 0 : i32
        %broadcast_in_dim3A_731 = vector.broadcast %jit3A_730 : i32 to vector<16xi32>
        %select_n3A_732 = arith.select %and3A_726, %sub3A_729, %broadcast_in_dim3A_731 : vector<16xi1>, vector<16xi32>
        tpu.vector_store_idx %arg7[%broadcast_in_dim3A_128, %select_n3A_732], %convert_element_type3A_708 masked %and3A_726 {add = true} : memref<8x128xf32, #tpu.memory_space<vmem>>[vector<16xi32>, vector<16xi32>], vector<16xf32>, vector<16xi1>
        %get3A_733 = arith.index_cast %add3A_127 : i32 to index
        %get3A_734 = arith.constant 224 : index
        %get3A_735 = tpu.vector_load %arg5[%get3A_733, %get3A_734] {strides = array<i32>} : memref<8x256xi32, #tpu.memory_space<vmem>>, vector<16xi32>,
        %eq3A_736 = arith.constant 0 : i32
        %eq3A_737 = vector.broadcast %eq3A_736 : i32 to vector<16xi32>
        %eq3A_738 = arith.cmpi eq, %get3A_735, %eq3A_737 : vector<16xi32>
        %convert_element_type3A_739 = arith.extui %eq3A_738 : vector<16xi1> to vector<16xi32>
        %broadcast_in_dim3A_740 = arith.constant true
        %broadcast_in_dim3A_741 = vector.broadcast %broadcast_in_dim3A_740 : i1 to vector<16xi1>
        %masked_cumsum3A_742 = tpu.scan <sum>, %convert_element_type3A_739 masked %broadcast_in_dim3A_741 : vector<16xi32>, vector<16xi1> -> vector<16xi32>
        %add3A_743 = arith.addi %masked_cumsum3A_742, %add3A_704 : vector<16xi32>
        %eq3A_744 = arith.constant 0 : i32
        %eq3A_745 = vector.broadcast %eq3A_744 : i32 to vector<16xi32>
        %eq3A_746 = arith.cmpi eq, %add3A_743, %eq3A_745 : vector<16xi32>
        %all_reduce_population_count3A_747 = tpu.all_reduce %eq3A_738 {dim = 0 : i64, kind = #tpu.reduction_kind<sum>} : vector<16xi1> -> vector<16xi32>
        %add3A_748 = arith.addi %add3A_704, %all_reduce_population_count3A_747 : vector<16xi32>
        %unique3A_749, %unique3A_750 = tpu.scan_count mask(%eq3A_746 : vector<16xi1>) value(%get3A_735 : vector<16xi32>) : vector<16xi1>, vector<16xi32>
        %and3A_751 = arith.andi %unique3A_749, %eq3A_746 : vector<16xi1>
        %convert_element_type3A_752 = arith.sitofp %unique3A_750 : vector<16xi32> to vector<16xf32>
        %ge3A_753 = arith.constant 15232 : i32
        %ge3A_754 = vector.broadcast %ge3A_753 : i32 to vector<16xi32>
        %ge3A_755 = arith.cmpi sge, %get3A_735, %ge3A_754 : vector<16xi32>
        %and3A_756 = arith.andi %and3A_751, %ge3A_755 : vector<16xi1>
        %lt3A_757 = arith.constant 30464 : i32
        %lt3A_758 = vector.broadcast %lt3A_757 : i32 to vector<16xi32>
        %lt3A_759 = arith.cmpi slt, %get3A_735, %lt3A_758 : vector<16xi32>
        %and3A_760 = arith.andi %and3A_756, %lt3A_759 : vector<16xi1>
        %sub3A_761 = arith.constant 15232 : i32
        %sub3A_762 = vector.broadcast %sub3A_761 : i32 to vector<16xi32>
        %sub3A_763 = arith.subi %get3A_735, %sub3A_762 : vector<16xi32>
        %jit3A_764 = arith.constant 0 : i32
        %broadcast_in_dim3A_765 = vector.broadcast %jit3A_764 : i32 to vector<16xi32>
        %select_n3A_766 = arith.select %and3A_760, %sub3A_763, %broadcast_in_dim3A_765 : vector<16xi1>, vector<16xi32>
        tpu.vector_store_idx %arg6[%broadcast_in_dim3A_128, %select_n3A_766], %convert_element_type3A_752 masked %and3A_760 {add = true} : memref<8x15232xf32, #tpu.memory_space<vmem>>[vector<16xi32>, vector<16xi32>], vector<16xf32>, vector<16xi1>
        %ge3A_767 = arith.constant 30464 : i32
        %ge3A_768 = vector.broadcast %ge3A_767 : i32 to vector<16xi32>
        %ge3A_769 = arith.cmpi sge, %get3A_735, %ge3A_768 : vector<16xi32>
        %and3A_770 = arith.andi %and3A_751, %ge3A_769 : vector<16xi1>
        %sub3A_771 = arith.constant 30464 : i32
        %sub3A_772 = vector.broadcast %sub3A_771 : i32 to vector<16xi32>
        %sub3A_773 = arith.subi %get3A_735, %sub3A_772 : vector<16xi32>
        %jit3A_774 = arith.constant 0 : i32
        %broadcast_in_dim3A_775 = vector.broadcast %jit3A_774 : i32 to vector<16xi32>
        %select_n3A_776 = arith.select %and3A_770, %sub3A_773, %broadcast_in_dim3A_775 : vector<16xi1>, vector<16xi32>
        tpu.vector_store_idx %arg7[%broadcast_in_dim3A_128, %select_n3A_776], %convert_element_type3A_752 masked %and3A_770 {add = true} : memref<8x128xf32, #tpu.memory_space<vmem>>[vector<16xi32>, vector<16xi32>], vector<16xf32>, vector<16xi1>
        %get3A_777 = arith.index_cast %add3A_127 : i32 to index
        %get3A_778 = arith.constant 240 : index
        %get3A_779 = tpu.vector_load %arg5[%get3A_777, %get3A_778] {strides = array<i32>} : memref<8x256xi32, #tpu.memory_space<vmem>>, vector<16xi32>,
        %eq3A_780 = arith.constant 0 : i32
        %eq3A_781 = vector.broadcast %eq3A_780 : i32 to vector<16xi32>
        %eq3A_782 = arith.cmpi eq, %get3A_779, %eq3A_781 : vector<16xi32>
        %convert_element_type3A_783 = arith.extui %eq3A_782 : vector<16xi1> to vector<16xi32>
        %broadcast_in_dim3A_784 = arith.constant true
        %broadcast_in_dim3A_785 = vector.broadcast %broadcast_in_dim3A_784 : i1 to vector<16xi1>
        %masked_cumsum3A_786 = tpu.scan <sum>, %convert_element_type3A_783 masked %broadcast_in_dim3A_785 : vector<16xi32>, vector<16xi1> -> vector<16xi32>
        %add3A_787 = arith.addi %masked_cumsum3A_786, %add3A_748 : vector<16xi32>
        %eq3A_788 = arith.constant 0 : i32
        %eq3A_789 = vector.broadcast %eq3A_788 : i32 to vector<16xi32>
        %eq3A_790 = arith.cmpi eq, %add3A_787, %eq3A_789 : vector<16xi32>
        %all_reduce_population_count3A_791 = tpu.all_reduce %eq3A_782 {dim = 0 : i64, kind = #tpu.reduction_kind<sum>} : vector<16xi1> -> vector<16xi32>
        %add3A_792 = arith.addi %add3A_748, %all_reduce_population_count3A_791 : vector<16xi32>
        %unique3A_793, %unique3A_794 = tpu.scan_count mask(%eq3A_790 : vector<16xi1>) value(%get3A_779 : vector<16xi32>) : vector<16xi1>, vector<16xi32>
        %and3A_795 = arith.andi %unique3A_793, %eq3A_790 : vector<16xi1>
        %convert_element_type3A_796 = arith.sitofp %unique3A_794 : vector<16xi32> to vector<16xf32>
        %ge3A_797 = arith.constant 15232 : i32
        %ge3A_798 = vector.broadcast %ge3A_797 : i32 to vector<16xi32>
        %ge3A_799 = arith.cmpi sge, %get3A_779, %ge3A_798 : vector<16xi32>
        %and3A_800 = arith.andi %and3A_795, %ge3A_799 : vector<16xi1>
        %lt3A_801 = arith.constant 30464 : i32
        %lt3A_802 = vector.broadcast %lt3A_801 : i32 to vector<16xi32>
        %lt3A_803 = arith.cmpi slt, %get3A_779, %lt3A_802 : vector<16xi32>
        %and3A_804 = arith.andi %and3A_800, %lt3A_803 : vector<16xi1>
        %sub3A_805 = arith.constant 15232 : i32
        %sub3A_806 = vector.broadcast %sub3A_805 : i32 to vector<16xi32>
        %sub3A_807 = arith.subi %get3A_779, %sub3A_806 : vector<16xi32>
        %jit3A_808 = arith.constant 0 : i32
        %broadcast_in_dim3A_809 = vector.broadcast %jit3A_808 : i32 to vector<16xi32>
        %select_n3A_810 = arith.select %and3A_804, %sub3A_807, %broadcast_in_dim3A_809 : vector<16xi1>, vector<16xi32>
        tpu.vector_store_idx %arg6[%broadcast_in_dim3A_128, %select_n3A_810], %convert_element_type3A_796 masked %and3A_804 {add = true} : memref<8x15232xf32, #tpu.memory_space<vmem>>[vector<16xi32>, vector<16xi32>], vector<16xf32>, vector<16xi1>
        %ge3A_811 = arith.constant 30464 : i32
        %ge3A_812 = vector.broadcast %ge3A_811 : i32 to vector<16xi32>
        %ge3A_813 = arith.cmpi sge, %get3A_779, %ge3A_812 : vector<16xi32>
        %and3A_814 = arith.andi %and3A_795, %ge3A_813 : vector<16xi1>
        %sub3A_815 = arith.constant 30464 : i32
        %sub3A_816 = vector.broadcast %sub3A_815 : i32 to vector<16xi32>
        %sub3A_817 = arith.subi %get3A_779, %sub3A_816 : vector<16xi32>
        %jit3A_818 = arith.constant 0 : i32
        %broadcast_in_dim3A_819 = vector.broadcast %jit3A_818 : i32 to vector<16xi32>
        %select_n3A_820 = arith.select %and3A_814, %sub3A_817, %broadcast_in_dim3A_819 : vector<16xi1>, vector<16xi32>
        tpu.vector_store_idx %arg7[%broadcast_in_dim3A_128, %select_n3A_820], %convert_element_type3A_796 masked %and3A_814 {add = true} : memref<8x128xf32, #tpu.memory_space<vmem>>[vector<16xi32>, vector<16xi32>], vector<16xf32>, vector<16xi1>
      }
      %scan3A_112 = arith.constant 8 : i32
      "tpu.region"() ({
        %run_scoped3A = tpu.sem_alloc : memref<!tpu.dma_semaphore, #tpu.memory_space<semaphore_mem>>
        %dma_start3A = arith.constant 15232 : i32
        %dma_start3A_123 = tpu.memref_slice %arg3[%add3A_97, %dma_start3A] : memref<1024x30522xf32, #tpu.memory_space<hbm>> -> memref<8x15232xf32, #tpu.memory_space<hbm>>
        %dma_start3A_124 = arith.constant 15232 : i32
        %dma_start3A_125 = tpu.memref_slice %arg3[%add3A_97, %dma_start3A_124] : memref<1024x30522xf32, #tpu.memory_space<hbm>> -> memref<8x15232xf32, #tpu.memory_space<hbm>>
        tpu.enqueue_dma source(%arg6 : memref<8x15232xf32, #tpu.memory_space<vmem>>) target(%dma_start3A_125 : memref<8x15232xf32, #tpu.memory_space<hbm>>) target_semaphore(%run_scoped3A : memref<!tpu.dma_semaphore, #tpu.memory_space<semaphore_mem>>)
        %dma_wait3A = arith.constant 15232 : i32
        %dma_wait3A_126 = tpu.memref_slice %arg3[%add3A_97, %dma_wait3A] : memref<1024x30522xf32, #tpu.memory_space<hbm>> -> memref<8x15232xf32, #tpu.memory_space<hbm>>
        %dma_wait3A_127 = arith.constant 15232 : i32
        %dma_wait3A_128 = tpu.memref_slice %arg3[%add3A_97, %dma_wait3A_127] : memref<1024x30522xf32, #tpu.memory_space<hbm>> -> memref<8x15232xf32, #tpu.memory_space<hbm>>
        tpu.wait_dma2 semaphore(%run_scoped3A : memref<!tpu.dma_semaphore, #tpu.memory_space<semaphore_mem>>) src(%arg6 : memref<8x15232xf32, #tpu.memory_space<vmem>>) dst(%dma_wait3A_128 : memref<8x15232xf32, #tpu.memory_space<hbm>>)
        tpu.yield
      }) : () -> ()
      %scan3A_113 = arith.constant 0 : i32
      %scan3A_114 = arith.constant 8 : i32
      %scan3A_115 = arith.addi %scan3A_113, %scan3A_114 : i32
      %scan3A_116 = arith.constant 1 : i32
      scf.for %scan3A_123 = %scan3A_113 to %scan3A_115 step %scan3A_116  : i32 {
        %mul3A_124 = arith.constant 1 : i32
        %mul3A_125 = arith.muli %scan3A_123, %mul3A_124 : i32
        %add3A_126 = arith.constant 0 : i32
        %add3A_127 = arith.addi %add3A_126, %mul3A_125 : i32
        %broadcast_in_dim3A_128 = vector.broadcast %add3A_127 : i32 to vector<16xi32>
        %get3A = arith.index_cast %add3A_127 : i32 to index
        %get3A_129 = arith.constant 0 : index
        %get3A_130 = tpu.vector_load %arg5[%get3A, %get3A_129] {strides = array<i32>} : memref<8x256xi32, #tpu.memory_space<vmem>>, vector<16xi32>,
        %ge3A = arith.constant 15232 : i32
        %ge3A_131 = vector.broadcast %ge3A : i32 to vector<16xi32>
        %ge3A_132 = arith.cmpi sge, %get3A_130, %ge3A_131 : vector<16xi32>
        %lt3A = arith.constant 30464 : i32
        %lt3A_133 = vector.broadcast %lt3A : i32 to vector<16xi32>
        %lt3A_134 = arith.cmpi slt, %get3A_130, %lt3A_133 : vector<16xi32>
        %and3A = arith.andi %ge3A_132, %lt3A_134 : vector<16xi1>
        %sub3A = arith.constant 15232 : i32
        %sub3A_135 = vector.broadcast %sub3A : i32 to vector<16xi32>
        %sub3A_136 = arith.subi %get3A_130, %sub3A_135 : vector<16xi32>
        %jit3A = arith.constant 0 : i32
        %broadcast_in_dim3A_137 = vector.broadcast %jit3A : i32 to vector<16xi32>
        %select_n3A = arith.select %and3A, %sub3A_136, %broadcast_in_dim3A_137 : vector<16xi1>, vector<16xi32>
        tpu.vector_store_idx %arg6[%broadcast_in_dim3A_128, %select_n3A], %broadcast_in_dim3A_3 masked %and3A : memref<8x15232xf32, #tpu.memory_space<vmem>>[vector<16xi32>, vector<16xi32>], vector<16xf32>, vector<16xi1>
        %get3A_138 = arith.index_cast %add3A_127 : i32 to index
        %get3A_139 = arith.constant 16 : index
        %get3A_140 = tpu.vector_load %arg5[%get3A_138, %get3A_139] {strides = array<i32>} : memref<8x256xi32, #tpu.memory_space<vmem>>, vector<16xi32>,
        %ge3A_141 = arith.constant 15232 : i32
        %ge3A_142 = vector.broadcast %ge3A_141 : i32 to vector<16xi32>
        %ge3A_143 = arith.cmpi sge, %get3A_140, %ge3A_142 : vector<16xi32>
        %lt3A_144 = arith.constant 30464 : i32
        %lt3A_145 = vector.broadcast %lt3A_144 : i32 to vector<16xi32>
        %lt3A_146 = arith.cmpi slt, %get3A_140, %lt3A_145 : vector<16xi32>
        %and3A_147 = arith.andi %ge3A_143, %lt3A_146 : vector<16xi1>
        %sub3A_148 = arith.constant 15232 : i32
        %sub3A_149 = vector.broadcast %sub3A_148 : i32 to vector<16xi32>
        %sub3A_150 = arith.subi %get3A_140, %sub3A_149 : vector<16xi32>
        %jit3A_151 = arith.constant 0 : i32
        %broadcast_in_dim3A_152 = vector.broadcast %jit3A_151 : i32 to vector<16xi32>
        %select_n3A_153 = arith.select %and3A_147, %sub3A_150, %broadcast_in_dim3A_152 : vector<16xi1>, vector<16xi32>
        tpu.vector_store_idx %arg6[%broadcast_in_dim3A_128, %select_n3A_153], %broadcast_in_dim3A_3 masked %and3A_147 : memref<8x15232xf32, #tpu.memory_space<vmem>>[vector<16xi32>, vector<16xi32>], vector<16xf32>, vector<16xi1>
        %get3A_154 = arith.index_cast %add3A_127 : i32 to index
        %get3A_155 = arith.constant 32 : index
        %get3A_156 = tpu.vector_load %arg5[%get3A_154, %get3A_155] {strides = array<i32>} : memref<8x256xi32, #tpu.memory_space<vmem>>, vector<16xi32>,
        %ge3A_157 = arith.constant 15232 : i32
        %ge3A_158 = vector.broadcast %ge3A_157 : i32 to vector<16xi32>
        %ge3A_159 = arith.cmpi sge, %get3A_156, %ge3A_158 : vector<16xi32>
        %lt3A_160 = arith.constant 30464 : i32
        %lt3A_161 = vector.broadcast %lt3A_160 : i32 to vector<16xi32>
        %lt3A_162 = arith.cmpi slt, %get3A_156, %lt3A_161 : vector<16xi32>
        %and3A_163 = arith.andi %ge3A_159, %lt3A_162 : vector<16xi1>
        %sub3A_164 = arith.constant 15232 : i32
        %sub3A_165 = vector.broadcast %sub3A_164 : i32 to vector<16xi32>
        %sub3A_166 = arith.subi %get3A_156, %sub3A_165 : vector<16xi32>
        %jit3A_167 = arith.constant 0 : i32
        %broadcast_in_dim3A_168 = vector.broadcast %jit3A_167 : i32 to vector<16xi32>
        %select_n3A_169 = arith.select %and3A_163, %sub3A_166, %broadcast_in_dim3A_168 : vector<16xi1>, vector<16xi32>
        tpu.vector_store_idx %arg6[%broadcast_in_dim3A_128, %select_n3A_169], %broadcast_in_dim3A_3 masked %and3A_163 : memref<8x15232xf32, #tpu.memory_space<vmem>>[vector<16xi32>, vector<16xi32>], vector<16xf32>, vector<16xi1>
        %get3A_170 = arith.index_cast %add3A_127 : i32 to index
        %get3A_171 = arith.constant 48 : index
        %get3A_172 = tpu.vector_load %arg5[%get3A_170, %get3A_171] {strides = array<i32>} : memref<8x256xi32, #tpu.memory_space<vmem>>, vector<16xi32>,
        %ge3A_173 = arith.constant 15232 : i32
        %ge3A_174 = vector.broadcast %ge3A_173 : i32 to vector<16xi32>
        %ge3A_175 = arith.cmpi sge, %get3A_172, %ge3A_174 : vector<16xi32>
        %lt3A_176 = arith.constant 30464 : i32
        %lt3A_177 = vector.broadcast %lt3A_176 : i32 to vector<16xi32>
        %lt3A_178 = arith.cmpi slt, %get3A_172, %lt3A_177 : vector<16xi32>
        %and3A_179 = arith.andi %ge3A_175, %lt3A_178 : vector<16xi1>
        %sub3A_180 = arith.constant 15232 : i32
        %sub3A_181 = vector.broadcast %sub3A_180 : i32 to vector<16xi32>
        %sub3A_182 = arith.subi %get3A_172, %sub3A_181 : vector<16xi32>
        %jit3A_183 = arith.constant 0 : i32
        %broadcast_in_dim3A_184 = vector.broadcast %jit3A_183 : i32 to vector<16xi32>
        %select_n3A_185 = arith.select %and3A_179, %sub3A_182, %broadcast_in_dim3A_184 : vector<16xi1>, vector<16xi32>
        tpu.vector_store_idx %arg6[%broadcast_in_dim3A_128, %select_n3A_185], %broadcast_in_dim3A_3 masked %and3A_179 : memref<8x15232xf32, #tpu.memory_space<vmem>>[vector<16xi32>, vector<16xi32>], vector<16xf32>, vector<16xi1>
        %get3A_186 = arith.index_cast %add3A_127 : i32 to index
        %get3A_187 = arith.constant 64 : index
        %get3A_188 = tpu.vector_load %arg5[%get3A_186, %get3A_187] {strides = array<i32>} : memref<8x256xi32, #tpu.memory_space<vmem>>, vector<16xi32>,
        %ge3A_189 = arith.constant 15232 : i32
        %ge3A_190 = vector.broadcast %ge3A_189 : i32 to vector<16xi32>
        %ge3A_191 = arith.cmpi sge, %get3A_188, %ge3A_190 : vector<16xi32>
        %lt3A_192 = arith.constant 30464 : i32
        %lt3A_193 = vector.broadcast %lt3A_192 : i32 to vector<16xi32>
        %lt3A_194 = arith.cmpi slt, %get3A_188, %lt3A_193 : vector<16xi32>
        %and3A_195 = arith.andi %ge3A_191, %lt3A_194 : vector<16xi1>
        %sub3A_196 = arith.constant 15232 : i32
        %sub3A_197 = vector.broadcast %sub3A_196 : i32 to vector<16xi32>
        %sub3A_198 = arith.subi %get3A_188, %sub3A_197 : vector<16xi32>
        %jit3A_199 = arith.constant 0 : i32
        %broadcast_in_dim3A_200 = vector.broadcast %jit3A_199 : i32 to vector<16xi32>
        %select_n3A_201 = arith.select %and3A_195, %sub3A_198, %broadcast_in_dim3A_200 : vector<16xi1>, vector<16xi32>
        tpu.vector_store_idx %arg6[%broadcast_in_dim3A_128, %select_n3A_201], %broadcast_in_dim3A_3 masked %and3A_195 : memref<8x15232xf32, #tpu.memory_space<vmem>>[vector<16xi32>, vector<16xi32>], vector<16xf32>, vector<16xi1>
        %get3A_202 = arith.index_cast %add3A_127 : i32 to index
        %get3A_203 = arith.constant 80 : index
        %get3A_204 = tpu.vector_load %arg5[%get3A_202, %get3A_203] {strides = array<i32>} : memref<8x256xi32, #tpu.memory_space<vmem>>, vector<16xi32>,
        %ge3A_205 = arith.constant 15232 : i32
        %ge3A_206 = vector.broadcast %ge3A_205 : i32 to vector<16xi32>
        %ge3A_207 = arith.cmpi sge, %get3A_204, %ge3A_206 : vector<16xi32>
        %lt3A_208 = arith.constant 30464 : i32
        %lt3A_209 = vector.broadcast %lt3A_208 : i32 to vector<16xi32>
        %lt3A_210 = arith.cmpi slt, %get3A_204, %lt3A_209 : vector<16xi32>
        %and3A_211 = arith.andi %ge3A_207, %lt3A_210 : vector<16xi1>
        %sub3A_212 = arith.constant 15232 : i32
        %sub3A_213 = vector.broadcast %sub3A_212 : i32 to vector<16xi32>
        %sub3A_214 = arith.subi %get3A_204, %sub3A_213 : vector<16xi32>
        %jit3A_215 = arith.constant 0 : i32
        %broadcast_in_dim3A_216 = vector.broadcast %jit3A_215 : i32 to vector<16xi32>
        %select_n3A_217 = arith.select %and3A_211, %sub3A_214, %broadcast_in_dim3A_216 : vector<16xi1>, vector<16xi32>
        tpu.vector_store_idx %arg6[%broadcast_in_dim3A_128, %select_n3A_217], %broadcast_in_dim3A_3 masked %and3A_211 : memref<8x15232xf32, #tpu.memory_space<vmem>>[vector<16xi32>, vector<16xi32>], vector<16xf32>, vector<16xi1>
        %get3A_218 = arith.index_cast %add3A_127 : i32 to index
        %get3A_219 = arith.constant 96 : index
        %get3A_220 = tpu.vector_load %arg5[%get3A_218, %get3A_219] {strides = array<i32>} : memref<8x256xi32, #tpu.memory_space<vmem>>, vector<16xi32>,
        %ge3A_221 = arith.constant 15232 : i32
        %ge3A_222 = vector.broadcast %ge3A_221 : i32 to vector<16xi32>
        %ge3A_223 = arith.cmpi sge, %get3A_220, %ge3A_222 : vector<16xi32>
        %lt3A_224 = arith.constant 30464 : i32
        %lt3A_225 = vector.broadcast %lt3A_224 : i32 to vector<16xi32>
        %lt3A_226 = arith.cmpi slt, %get3A_220, %lt3A_225 : vector<16xi32>
        %and3A_227 = arith.andi %ge3A_223, %lt3A_226 : vector<16xi1>
        %sub3A_228 = arith.constant 15232 : i32
        %sub3A_229 = vector.broadcast %sub3A_228 : i32 to vector<16xi32>
        %sub3A_230 = arith.subi %get3A_220, %sub3A_229 : vector<16xi32>
        %jit3A_231 = arith.constant 0 : i32
        %broadcast_in_dim3A_232 = vector.broadcast %jit3A_231 : i32 to vector<16xi32>
        %select_n3A_233 = arith.select %and3A_227, %sub3A_230, %broadcast_in_dim3A_232 : vector<16xi1>, vector<16xi32>
        tpu.vector_store_idx %arg6[%broadcast_in_dim3A_128, %select_n3A_233], %broadcast_in_dim3A_3 masked %and3A_227 : memref<8x15232xf32, #tpu.memory_space<vmem>>[vector<16xi32>, vector<16xi32>], vector<16xf32>, vector<16xi1>
        %get3A_234 = arith.index_cast %add3A_127 : i32 to index
        %get3A_235 = arith.constant 112 : index
        %get3A_236 = tpu.vector_load %arg5[%get3A_234, %get3A_235] {strides = array<i32>} : memref<8x256xi32, #tpu.memory_space<vmem>>, vector<16xi32>,
        %ge3A_237 = arith.constant 15232 : i32
        %ge3A_238 = vector.broadcast %ge3A_237 : i32 to vector<16xi32>
        %ge3A_239 = arith.cmpi sge, %get3A_236, %ge3A_238 : vector<16xi32>
        %lt3A_240 = arith.constant 30464 : i32
        %lt3A_241 = vector.broadcast %lt3A_240 : i32 to vector<16xi32>
        %lt3A_242 = arith.cmpi slt, %get3A_236, %lt3A_241 : vector<16xi32>
        %and3A_243 = arith.andi %ge3A_239, %lt3A_242 : vector<16xi1>
        %sub3A_244 = arith.constant 15232 : i32
        %sub3A_245 = vector.broadcast %sub3A_244 : i32 to vector<16xi32>
        %sub3A_246 = arith.subi %get3A_236, %sub3A_245 : vector<16xi32>
        %jit3A_247 = arith.constant 0 : i32
        %broadcast_in_dim3A_248 = vector.broadcast %jit3A_247 : i32 to vector<16xi32>
        %select_n3A_249 = arith.select %and3A_243, %sub3A_246, %broadcast_in_dim3A_248 : vector<16xi1>, vector<16xi32>
        tpu.vector_store_idx %arg6[%broadcast_in_dim3A_128, %select_n3A_249], %broadcast_in_dim3A_3 masked %and3A_243 : memref<8x15232xf32, #tpu.memory_space<vmem>>[vector<16xi32>, vector<16xi32>], vector<16xf32>, vector<16xi1>
        %get3A_250 = arith.index_cast %add3A_127 : i32 to index
        %get3A_251 = arith.constant 128 : index
        %get3A_252 = tpu.vector_load %arg5[%get3A_250, %get3A_251] {strides = array<i32>} : memref<8x256xi32, #tpu.memory_space<vmem>>, vector<16xi32>,
        %ge3A_253 = arith.constant 15232 : i32
        %ge3A_254 = vector.broadcast %ge3A_253 : i32 to vector<16xi32>
        %ge3A_255 = arith.cmpi sge, %get3A_252, %ge3A_254 : vector<16xi32>
        %lt3A_256 = arith.constant 30464 : i32
        %lt3A_257 = vector.broadcast %lt3A_256 : i32 to vector<16xi32>
        %lt3A_258 = arith.cmpi slt, %get3A_252, %lt3A_257 : vector<16xi32>
        %and3A_259 = arith.andi %ge3A_255, %lt3A_258 : vector<16xi1>
        %sub3A_260 = arith.constant 15232 : i32
        %sub3A_261 = vector.broadcast %sub3A_260 : i32 to vector<16xi32>
        %sub3A_262 = arith.subi %get3A_252, %sub3A_261 : vector<16xi32>
        %jit3A_263 = arith.constant 0 : i32
        %broadcast_in_dim3A_264 = vector.broadcast %jit3A_263 : i32 to vector<16xi32>
        %select_n3A_265 = arith.select %and3A_259, %sub3A_262, %broadcast_in_dim3A_264 : vector<16xi1>, vector<16xi32>
        tpu.vector_store_idx %arg6[%broadcast_in_dim3A_128, %select_n3A_265], %broadcast_in_dim3A_3 masked %and3A_259 : memref<8x15232xf32, #tpu.memory_space<vmem>>[vector<16xi32>, vector<16xi32>], vector<16xf32>, vector<16xi1>
        %get3A_266 = arith.index_cast %add3A_127 : i32 to index
        %get3A_267 = arith.constant 144 : index
        %get3A_268 = tpu.vector_load %arg5[%get3A_266, %get3A_267] {strides = array<i32>} : memref<8x256xi32, #tpu.memory_space<vmem>>, vector<16xi32>,
        %ge3A_269 = arith.constant 15232 : i32
        %ge3A_270 = vector.broadcast %ge3A_269 : i32 to vector<16xi32>
        %ge3A_271 = arith.cmpi sge, %get3A_268, %ge3A_270 : vector<16xi32>
        %lt3A_272 = arith.constant 30464 : i32
        %lt3A_273 = vector.broadcast %lt3A_272 : i32 to vector<16xi32>
        %lt3A_274 = arith.cmpi slt, %get3A_268, %lt3A_273 : vector<16xi32>
        %and3A_275 = arith.andi %ge3A_271, %lt3A_274 : vector<16xi1>
        %sub3A_276 = arith.constant 15232 : i32
        %sub3A_277 = vector.broadcast %sub3A_276 : i32 to vector<16xi32>
        %sub3A_278 = arith.subi %get3A_268, %sub3A_277 : vector<16xi32>
        %jit3A_279 = arith.constant 0 : i32
        %broadcast_in_dim3A_280 = vector.broadcast %jit3A_279 : i32 to vector<16xi32>
        %select_n3A_281 = arith.select %and3A_275, %sub3A_278, %broadcast_in_dim3A_280 : vector<16xi1>, vector<16xi32>
        tpu.vector_store_idx %arg6[%broadcast_in_dim3A_128, %select_n3A_281], %broadcast_in_dim3A_3 masked %and3A_275 : memref<8x15232xf32, #tpu.memory_space<vmem>>[vector<16xi32>, vector<16xi32>], vector<16xf32>, vector<16xi1>
        %get3A_282 = arith.index_cast %add3A_127 : i32 to index
        %get3A_283 = arith.constant 160 : index
        %get3A_284 = tpu.vector_load %arg5[%get3A_282, %get3A_283] {strides = array<i32>} : memref<8x256xi32, #tpu.memory_space<vmem>>, vector<16xi32>,
        %ge3A_285 = arith.constant 15232 : i32
        %ge3A_286 = vector.broadcast %ge3A_285 : i32 to vector<16xi32>
        %ge3A_287 = arith.cmpi sge, %get3A_284, %ge3A_286 : vector<16xi32>
        %lt3A_288 = arith.constant 30464 : i32
        %lt3A_289 = vector.broadcast %lt3A_288 : i32 to vector<16xi32>
        %lt3A_290 = arith.cmpi slt, %get3A_284, %lt3A_289 : vector<16xi32>
        %and3A_291 = arith.andi %ge3A_287, %lt3A_290 : vector<16xi1>
        %sub3A_292 = arith.constant 15232 : i32
        %sub3A_293 = vector.broadcast %sub3A_292 : i32 to vector<16xi32>
        %sub3A_294 = arith.subi %get3A_284, %sub3A_293 : vector<16xi32>
        %jit3A_295 = arith.constant 0 : i32
        %broadcast_in_dim3A_296 = vector.broadcast %jit3A_295 : i32 to vector<16xi32>
        %select_n3A_297 = arith.select %and3A_291, %sub3A_294, %broadcast_in_dim3A_296 : vector<16xi1>, vector<16xi32>
        tpu.vector_store_idx %arg6[%broadcast_in_dim3A_128, %select_n3A_297], %broadcast_in_dim3A_3 masked %and3A_291 : memref<8x15232xf32, #tpu.memory_space<vmem>>[vector<16xi32>, vector<16xi32>], vector<16xf32>, vector<16xi1>
        %get3A_298 = arith.index_cast %add3A_127 : i32 to index
        %get3A_299 = arith.constant 176 : index
        %get3A_300 = tpu.vector_load %arg5[%get3A_298, %get3A_299] {strides = array<i32>} : memref<8x256xi32, #tpu.memory_space<vmem>>, vector<16xi32>,
        %ge3A_301 = arith.constant 15232 : i32
        %ge3A_302 = vector.broadcast %ge3A_301 : i32 to vector<16xi32>
        %ge3A_303 = arith.cmpi sge, %get3A_300, %ge3A_302 : vector<16xi32>
        %lt3A_304 = arith.constant 30464 : i32
        %lt3A_305 = vector.broadcast %lt3A_304 : i32 to vector<16xi32>
        %lt3A_306 = arith.cmpi slt, %get3A_300, %lt3A_305 : vector<16xi32>
        %and3A_307 = arith.andi %ge3A_303, %lt3A_306 : vector<16xi1>
        %sub3A_308 = arith.constant 15232 : i32
        %sub3A_309 = vector.broadcast %sub3A_308 : i32 to vector<16xi32>
        %sub3A_310 = arith.subi %get3A_300, %sub3A_309 : vector<16xi32>
        %jit3A_311 = arith.constant 0 : i32
        %broadcast_in_dim3A_312 = vector.broadcast %jit3A_311 : i32 to vector<16xi32>
        %select_n3A_313 = arith.select %and3A_307, %sub3A_310, %broadcast_in_dim3A_312 : vector<16xi1>, vector<16xi32>
        tpu.vector_store_idx %arg6[%broadcast_in_dim3A_128, %select_n3A_313], %broadcast_in_dim3A_3 masked %and3A_307 : memref<8x15232xf32, #tpu.memory_space<vmem>>[vector<16xi32>, vector<16xi32>], vector<16xf32>, vector<16xi1>
        %get3A_314 = arith.index_cast %add3A_127 : i32 to index
        %get3A_315 = arith.constant 192 : index
        %get3A_316 = tpu.vector_load %arg5[%get3A_314, %get3A_315] {strides = array<i32>} : memref<8x256xi32, #tpu.memory_space<vmem>>, vector<16xi32>,
        %ge3A_317 = arith.constant 15232 : i32
        %ge3A_318 = vector.broadcast %ge3A_317 : i32 to vector<16xi32>
        %ge3A_319 = arith.cmpi sge, %get3A_316, %ge3A_318 : vector<16xi32>
        %lt3A_320 = arith.constant 30464 : i32
        %lt3A_321 = vector.broadcast %lt3A_320 : i32 to vector<16xi32>
        %lt3A_322 = arith.cmpi slt, %get3A_316, %lt3A_321 : vector<16xi32>
        %and3A_323 = arith.andi %ge3A_319, %lt3A_322 : vector<16xi1>
        %sub3A_324 = arith.constant 15232 : i32
        %sub3A_325 = vector.broadcast %sub3A_324 : i32 to vector<16xi32>
        %sub3A_326 = arith.subi %get3A_316, %sub3A_325 : vector<16xi32>
        %jit3A_327 = arith.constant 0 : i32
        %broadcast_in_dim3A_328 = vector.broadcast %jit3A_327 : i32 to vector<16xi32>
        %select_n3A_329 = arith.select %and3A_323, %sub3A_326, %broadcast_in_dim3A_328 : vector<16xi1>, vector<16xi32>
        tpu.vector_store_idx %arg6[%broadcast_in_dim3A_128, %select_n3A_329], %broadcast_in_dim3A_3 masked %and3A_323 : memref<8x15232xf32, #tpu.memory_space<vmem>>[vector<16xi32>, vector<16xi32>], vector<16xf32>, vector<16xi1>
        %get3A_330 = arith.index_cast %add3A_127 : i32 to index
        %get3A_331 = arith.constant 208 : index
        %get3A_332 = tpu.vector_load %arg5[%get3A_330, %get3A_331] {strides = array<i32>} : memref<8x256xi32, #tpu.memory_space<vmem>>, vector<16xi32>,
        %ge3A_333 = arith.constant 15232 : i32
        %ge3A_334 = vector.broadcast %ge3A_333 : i32 to vector<16xi32>
        %ge3A_335 = arith.cmpi sge, %get3A_332, %ge3A_334 : vector<16xi32>
        %lt3A_336 = arith.constant 30464 : i32
        %lt3A_337 = vector.broadcast %lt3A_336 : i32 to vector<16xi32>
        %lt3A_338 = arith.cmpi slt, %get3A_332, %lt3A_337 : vector<16xi32>
        %and3A_339 = arith.andi %ge3A_335, %lt3A_338 : vector<16xi1>
        %sub3A_340 = arith.constant 15232 : i32
        %sub3A_341 = vector.broadcast %sub3A_340 : i32 to vector<16xi32>
        %sub3A_342 = arith.subi %get3A_332, %sub3A_341 : vector<16xi32>
        %jit3A_343 = arith.constant 0 : i32
        %broadcast_in_dim3A_344 = vector.broadcast %jit3A_343 : i32 to vector<16xi32>
        %select_n3A_345 = arith.select %and3A_339, %sub3A_342, %broadcast_in_dim3A_344 : vector<16xi1>, vector<16xi32>
        tpu.vector_store_idx %arg6[%broadcast_in_dim3A_128, %select_n3A_345], %broadcast_in_dim3A_3 masked %and3A_339 : memref<8x15232xf32, #tpu.memory_space<vmem>>[vector<16xi32>, vector<16xi32>], vector<16xf32>, vector<16xi1>
        %get3A_346 = arith.index_cast %add3A_127 : i32 to index
        %get3A_347 = arith.constant 224 : index
        %get3A_348 = tpu.vector_load %arg5[%get3A_346, %get3A_347] {strides = array<i32>} : memref<8x256xi32, #tpu.memory_space<vmem>>, vector<16xi32>,
        %ge3A_349 = arith.constant 15232 : i32
        %ge3A_350 = vector.broadcast %ge3A_349 : i32 to vector<16xi32>
        %ge3A_351 = arith.cmpi sge, %get3A_348, %ge3A_350 : vector<16xi32>
        %lt3A_352 = arith.constant 30464 : i32
        %lt3A_353 = vector.broadcast %lt3A_352 : i32 to vector<16xi32>
        %lt3A_354 = arith.cmpi slt, %get3A_348, %lt3A_353 : vector<16xi32>
        %and3A_355 = arith.andi %ge3A_351, %lt3A_354 : vector<16xi1>
        %sub3A_356 = arith.constant 15232 : i32
        %sub3A_357 = vector.broadcast %sub3A_356 : i32 to vector<16xi32>
        %sub3A_358 = arith.subi %get3A_348, %sub3A_357 : vector<16xi32>
        %jit3A_359 = arith.constant 0 : i32
        %broadcast_in_dim3A_360 = vector.broadcast %jit3A_359 : i32 to vector<16xi32>
        %select_n3A_361 = arith.select %and3A_355, %sub3A_358, %broadcast_in_dim3A_360 : vector<16xi1>, vector<16xi32>
        tpu.vector_store_idx %arg6[%broadcast_in_dim3A_128, %select_n3A_361], %broadcast_in_dim3A_3 masked %and3A_355 : memref<8x15232xf32, #tpu.memory_space<vmem>>[vector<16xi32>, vector<16xi32>], vector<16xf32>, vector<16xi1>
        %get3A_362 = arith.index_cast %add3A_127 : i32 to index
        %get3A_363 = arith.constant 240 : index
        %get3A_364 = tpu.vector_load %arg5[%get3A_362, %get3A_363] {strides = array<i32>} : memref<8x256xi32, #tpu.memory_space<vmem>>, vector<16xi32>,
        %ge3A_365 = arith.constant 15232 : i32
        %ge3A_366 = vector.broadcast %ge3A_365 : i32 to vector<16xi32>
        %ge3A_367 = arith.cmpi sge, %get3A_364, %ge3A_366 : vector<16xi32>
        %lt3A_368 = arith.constant 30464 : i32
        %lt3A_369 = vector.broadcast %lt3A_368 : i32 to vector<16xi32>
        %lt3A_370 = arith.cmpi slt, %get3A_364, %lt3A_369 : vector<16xi32>
        %and3A_371 = arith.andi %ge3A_367, %lt3A_370 : vector<16xi1>
        %sub3A_372 = arith.constant 15232 : i32
        %sub3A_373 = vector.broadcast %sub3A_372 : i32 to vector<16xi32>
        %sub3A_374 = arith.subi %get3A_364, %sub3A_373 : vector<16xi32>
        %jit3A_375 = arith.constant 0 : i32
        %broadcast_in_dim3A_376 = vector.broadcast %jit3A_375 : i32 to vector<16xi32>
        %select_n3A_377 = arith.select %and3A_371, %sub3A_374, %broadcast_in_dim3A_376 : vector<16xi1>, vector<16xi32>
        tpu.vector_store_idx %arg6[%broadcast_in_dim3A_128, %select_n3A_377], %broadcast_in_dim3A_3 masked %and3A_371 : memref<8x15232xf32, #tpu.memory_space<vmem>>[vector<16xi32>, vector<16xi32>], vector<16xf32>, vector<16xi1>
      }
      %scan3A_117 = arith.constant 8 : i32
      "tpu.region"() ({
        %run_scoped3A = tpu.sem_alloc : memref<!tpu.dma_semaphore, #tpu.memory_space<semaphore_mem>>
        %dma_start3A = arith.constant 0 : i32
        %dma_start3A_123 = tpu.memref_slice %arg4[%add3A_97, %dma_start3A] : memref<1024x128xf32, #tpu.memory_space<hbm>> -> memref<8x128xf32, #tpu.memory_space<hbm>>
        %dma_start3A_124 = arith.constant 0 : i32
        %dma_start3A_125 = tpu.memref_slice %arg4[%add3A_97, %dma_start3A_124] : memref<1024x128xf32, #tpu.memory_space<hbm>> -> memref<8x128xf32, #tpu.memory_space<hbm>>
        tpu.enqueue_dma source(%arg7 : memref<8x128xf32, #tpu.memory_space<vmem>>) target(%dma_start3A_125 : memref<8x128xf32, #tpu.memory_space<hbm>>) target_semaphore(%run_scoped3A : memref<!tpu.dma_semaphore, #tpu.memory_space<semaphore_mem>>)
        %dma_wait3A = arith.constant 0 : i32
        %dma_wait3A_126 = tpu.memref_slice %arg4[%add3A_97, %dma_wait3A] : memref<1024x128xf32, #tpu.memory_space<hbm>> -> memref<8x128xf32, #tpu.memory_space<hbm>>
        %dma_wait3A_127 = arith.constant 0 : i32
        %dma_wait3A_128 = tpu.memref_slice %arg4[%add3A_97, %dma_wait3A_127] : memref<1024x128xf32, #tpu.memory_space<hbm>> -> memref<8x128xf32, #tpu.memory_space<hbm>>
        tpu.wait_dma2 semaphore(%run_scoped3A : memref<!tpu.dma_semaphore, #tpu.memory_space<semaphore_mem>>) src(%arg7 : memref<8x128xf32, #tpu.memory_space<vmem>>) dst(%dma_wait3A_128 : memref<8x128xf32, #tpu.memory_space<hbm>>)
        tpu.yield
      }) : () -> ()
      %scan3A_118 = arith.constant 0 : i32
      %scan3A_119 = arith.constant 8 : i32
      %scan3A_120 = arith.addi %scan3A_118, %scan3A_119 : i32
      %scan3A_121 = arith.constant 1 : i32
      scf.for %scan3A_123 = %scan3A_118 to %scan3A_120 step %scan3A_121  : i32 {
        %mul3A_124 = arith.constant 1 : i32
        %mul3A_125 = arith.muli %scan3A_123, %mul3A_124 : i32
        %add3A_126 = arith.constant 0 : i32
        %add3A_127 = arith.addi %add3A_126, %mul3A_125 : i32
        %broadcast_in_dim3A_128 = vector.broadcast %add3A_127 : i32 to vector<16xi32>
        %get3A = arith.index_cast %add3A_127 : i32 to index
        %get3A_129 = arith.constant 0 : index
        %get3A_130 = tpu.vector_load %arg5[%get3A, %get3A_129] {strides = array<i32>} : memref<8x256xi32, #tpu.memory_space<vmem>>, vector<16xi32>,
        %ge3A = arith.constant 30464 : i32
        %ge3A_131 = vector.broadcast %ge3A : i32 to vector<16xi32>
        %ge3A_132 = arith.cmpi sge, %get3A_130, %ge3A_131 : vector<16xi32>
        %sub3A = arith.constant 30464 : i32
        %sub3A_133 = vector.broadcast %sub3A : i32 to vector<16xi32>
        %sub3A_134 = arith.subi %get3A_130, %sub3A_133 : vector<16xi32>
        %jit3A = arith.constant 0 : i32
        %broadcast_in_dim3A_135 = vector.broadcast %jit3A : i32 to vector<16xi32>
        %select_n3A = arith.select %ge3A_132, %sub3A_134, %broadcast_in_dim3A_135 : vector<16xi1>, vector<16xi32>
        tpu.vector_store_idx %arg7[%broadcast_in_dim3A_128, %select_n3A], %broadcast_in_dim3A_3 masked %ge3A_132 : memref<8x128xf32, #tpu.memory_space<vmem>>[vector<16xi32>, vector<16xi32>], vector<16xf32>, vector<16xi1>
        %get3A_136 = arith.index_cast %add3A_127 : i32 to index
        %get3A_137 = arith.constant 16 : index
        %get3A_138 = tpu.vector_load %arg5[%get3A_136, %get3A_137] {strides = array<i32>} : memref<8x256xi32, #tpu.memory_space<vmem>>, vector<16xi32>,
        %ge3A_139 = arith.constant 30464 : i32
        %ge3A_140 = vector.broadcast %ge3A_139 : i32 to vector<16xi32>
        %ge3A_141 = arith.cmpi sge, %get3A_138, %ge3A_140 : vector<16xi32>
        %sub3A_142 = arith.constant 30464 : i32
        %sub3A_143 = vector.broadcast %sub3A_142 : i32 to vector<16xi32>
        %sub3A_144 = arith.subi %get3A_138, %sub3A_143 : vector<16xi32>
        %jit3A_145 = arith.constant 0 : i32
        %broadcast_in_dim3A_146 = vector.broadcast %jit3A_145 : i32 to vector<16xi32>
        %select_n3A_147 = arith.select %ge3A_141, %sub3A_144, %broadcast_in_dim3A_146 : vector<16xi1>, vector<16xi32>
        tpu.vector_store_idx %arg7[%broadcast_in_dim3A_128, %select_n3A_147], %broadcast_in_dim3A_3 masked %ge3A_141 : memref<8x128xf32, #tpu.memory_space<vmem>>[vector<16xi32>, vector<16xi32>], vector<16xf32>, vector<16xi1>
        %get3A_148 = arith.index_cast %add3A_127 : i32 to index
        %get3A_149 = arith.constant 32 : index
        %get3A_150 = tpu.vector_load %arg5[%get3A_148, %get3A_149] {strides = array<i32>} : memref<8x256xi32, #tpu.memory_space<vmem>>, vector<16xi32>,
        %ge3A_151 = arith.constant 30464 : i32
        %ge3A_152 = vector.broadcast %ge3A_151 : i32 to vector<16xi32>
        %ge3A_153 = arith.cmpi sge, %get3A_150, %ge3A_152 : vector<16xi32>
        %sub3A_154 = arith.constant 30464 : i32
        %sub3A_155 = vector.broadcast %sub3A_154 : i32 to vector<16xi32>
        %sub3A_156 = arith.subi %get3A_150, %sub3A_155 : vector<16xi32>
        %jit3A_157 = arith.constant 0 : i32
        %broadcast_in_dim3A_158 = vector.broadcast %jit3A_157 : i32 to vector<16xi32>
        %select_n3A_159 = arith.select %ge3A_153, %sub3A_156, %broadcast_in_dim3A_158 : vector<16xi1>, vector<16xi32>
        tpu.vector_store_idx %arg7[%broadcast_in_dim3A_128, %select_n3A_159], %broadcast_in_dim3A_3 masked %ge3A_153 : memref<8x128xf32, #tpu.memory_space<vmem>>[vector<16xi32>, vector<16xi32>], vector<16xf32>, vector<16xi1>
        %get3A_160 = arith.index_cast %add3A_127 : i32 to index
        %get3A_161 = arith.constant 48 : index
        %get3A_162 = tpu.vector_load %arg5[%get3A_160, %get3A_161] {strides = array<i32>} : memref<8x256xi32, #tpu.memory_space<vmem>>, vector<16xi32>,
        %ge3A_163 = arith.constant 30464 : i32
        %ge3A_164 = vector.broadcast %ge3A_163 : i32 to vector<16xi32>
        %ge3A_165 = arith.cmpi sge, %get3A_162, %ge3A_164 : vector<16xi32>
        %sub3A_166 = arith.constant 30464 : i32
        %sub3A_167 = vector.broadcast %sub3A_166 : i32 to vector<16xi32>
        %sub3A_168 = arith.subi %get3A_162, %sub3A_167 : vector<16xi32>
        %jit3A_169 = arith.constant 0 : i32
        %broadcast_in_dim3A_170 = vector.broadcast %jit3A_169 : i32 to vector<16xi32>
        %select_n3A_171 = arith.select %ge3A_165, %sub3A_168, %broadcast_in_dim3A_170 : vector<16xi1>, vector<16xi32>
        tpu.vector_store_idx %arg7[%broadcast_in_dim3A_128, %select_n3A_171], %broadcast_in_dim3A_3 masked %ge3A_165 : memref<8x128xf32, #tpu.memory_space<vmem>>[vector<16xi32>, vector<16xi32>], vector<16xf32>, vector<16xi1>
        %get3A_172 = arith.index_cast %add3A_127 : i32 to index
        %get3A_173 = arith.constant 64 : index
        %get3A_174 = tpu.vector_load %arg5[%get3A_172, %get3A_173] {strides = array<i32>} : memref<8x256xi32, #tpu.memory_space<vmem>>, vector<16xi32>,
        %ge3A_175 = arith.constant 30464 : i32
        %ge3A_176 = vector.broadcast %ge3A_175 : i32 to vector<16xi32>
        %ge3A_177 = arith.cmpi sge, %get3A_174, %ge3A_176 : vector<16xi32>
        %sub3A_178 = arith.constant 30464 : i32
        %sub3A_179 = vector.broadcast %sub3A_178 : i32 to vector<16xi32>
        %sub3A_180 = arith.subi %get3A_174, %sub3A_179 : vector<16xi32>
        %jit3A_181 = arith.constant 0 : i32
        %broadcast_in_dim3A_182 = vector.broadcast %jit3A_181 : i32 to vector<16xi32>
        %select_n3A_183 = arith.select %ge3A_177, %sub3A_180, %broadcast_in_dim3A_182 : vector<16xi1>, vector<16xi32>
        tpu.vector_store_idx %arg7[%broadcast_in_dim3A_128, %select_n3A_183], %broadcast_in_dim3A_3 masked %ge3A_177 : memref<8x128xf32, #tpu.memory_space<vmem>>[vector<16xi32>, vector<16xi32>], vector<16xf32>, vector<16xi1>
        %get3A_184 = arith.index_cast %add3A_127 : i32 to index
        %get3A_185 = arith.constant 80 : index
        %get3A_186 = tpu.vector_load %arg5[%get3A_184, %get3A_185] {strides = array<i32>} : memref<8x256xi32, #tpu.memory_space<vmem>>, vector<16xi32>,
        %ge3A_187 = arith.constant 30464 : i32
        %ge3A_188 = vector.broadcast %ge3A_187 : i32 to vector<16xi32>
        %ge3A_189 = arith.cmpi sge, %get3A_186, %ge3A_188 : vector<16xi32>
        %sub3A_190 = arith.constant 30464 : i32
        %sub3A_191 = vector.broadcast %sub3A_190 : i32 to vector<16xi32>
        %sub3A_192 = arith.subi %get3A_186, %sub3A_191 : vector<16xi32>
        %jit3A_193 = arith.constant 0 : i32
        %broadcast_in_dim3A_194 = vector.broadcast %jit3A_193 : i32 to vector<16xi32>
        %select_n3A_195 = arith.select %ge3A_189, %sub3A_192, %broadcast_in_dim3A_194 : vector<16xi1>, vector<16xi32>
        tpu.vector_store_idx %arg7[%broadcast_in_dim3A_128, %select_n3A_195], %broadcast_in_dim3A_3 masked %ge3A_189 : memref<8x128xf32, #tpu.memory_space<vmem>>[vector<16xi32>, vector<16xi32>], vector<16xf32>, vector<16xi1>
        %get3A_196 = arith.index_cast %add3A_127 : i32 to index
        %get3A_197 = arith.constant 96 : index
        %get3A_198 = tpu.vector_load %arg5[%get3A_196, %get3A_197] {strides = array<i32>} : memref<8x256xi32, #tpu.memory_space<vmem>>, vector<16xi32>,
        %ge3A_199 = arith.constant 30464 : i32
        %ge3A_200 = vector.broadcast %ge3A_199 : i32 to vector<16xi32>
        %ge3A_201 = arith.cmpi sge, %get3A_198, %ge3A_200 : vector<16xi32>
        %sub3A_202 = arith.constant 30464 : i32
        %sub3A_203 = vector.broadcast %sub3A_202 : i32 to vector<16xi32>
        %sub3A_204 = arith.subi %get3A_198, %sub3A_203 : vector<16xi32>
        %jit3A_205 = arith.constant 0 : i32
        %broadcast_in_dim3A_206 = vector.broadcast %jit3A_205 : i32 to vector<16xi32>
        %select_n3A_207 = arith.select %ge3A_201, %sub3A_204, %broadcast_in_dim3A_206 : vector<16xi1>, vector<16xi32>
        tpu.vector_store_idx %arg7[%broadcast_in_dim3A_128, %select_n3A_207], %broadcast_in_dim3A_3 masked %ge3A_201 : memref<8x128xf32, #tpu.memory_space<vmem>>[vector<16xi32>, vector<16xi32>], vector<16xf32>, vector<16xi1>
        %get3A_208 = arith.index_cast %add3A_127 : i32 to index
        %get3A_209 = arith.constant 112 : index
        %get3A_210 = tpu.vector_load %arg5[%get3A_208, %get3A_209] {strides = array<i32>} : memref<8x256xi32, #tpu.memory_space<vmem>>, vector<16xi32>,
        %ge3A_211 = arith.constant 30464 : i32
        %ge3A_212 = vector.broadcast %ge3A_211 : i32 to vector<16xi32>
        %ge3A_213 = arith.cmpi sge, %get3A_210, %ge3A_212 : vector<16xi32>
        %sub3A_214 = arith.constant 30464 : i32
        %sub3A_215 = vector.broadcast %sub3A_214 : i32 to vector<16xi32>
        %sub3A_216 = arith.subi %get3A_210, %sub3A_215 : vector<16xi32>
        %jit3A_217 = arith.constant 0 : i32
        %broadcast_in_dim3A_218 = vector.broadcast %jit3A_217 : i32 to vector<16xi32>
        %select_n3A_219 = arith.select %ge3A_213, %sub3A_216, %broadcast_in_dim3A_218 : vector<16xi1>, vector<16xi32>
        tpu.vector_store_idx %arg7[%broadcast_in_dim3A_128, %select_n3A_219], %broadcast_in_dim3A_3 masked %ge3A_213 : memref<8x128xf32, #tpu.memory_space<vmem>>[vector<16xi32>, vector<16xi32>], vector<16xf32>, vector<16xi1>
        %get3A_220 = arith.index_cast %add3A_127 : i32 to index
        %get3A_221 = arith.constant 128 : index
        %get3A_222 = tpu.vector_load %arg5[%get3A_220, %get3A_221] {strides = array<i32>} : memref<8x256xi32, #tpu.memory_space<vmem>>, vector<16xi32>,
        %ge3A_223 = arith.constant 30464 : i32
        %ge3A_224 = vector.broadcast %ge3A_223 : i32 to vector<16xi32>
        %ge3A_225 = arith.cmpi sge, %get3A_222, %ge3A_224 : vector<16xi32>
        %sub3A_226 = arith.constant 30464 : i32
        %sub3A_227 = vector.broadcast %sub3A_226 : i32 to vector<16xi32>
        %sub3A_228 = arith.subi %get3A_222, %sub3A_227 : vector<16xi32>
        %jit3A_229 = arith.constant 0 : i32
        %broadcast_in_dim3A_230 = vector.broadcast %jit3A_229 : i32 to vector<16xi32>
        %select_n3A_231 = arith.select %ge3A_225, %sub3A_228, %broadcast_in_dim3A_230 : vector<16xi1>, vector<16xi32>
        tpu.vector_store_idx %arg7[%broadcast_in_dim3A_128, %select_n3A_231], %broadcast_in_dim3A_3 masked %ge3A_225 : memref<8x128xf32, #tpu.memory_space<vmem>>[vector<16xi32>, vector<16xi32>], vector<16xf32>, vector<16xi1>
        %get3A_232 = arith.index_cast %add3A_127 : i32 to index
        %get3A_233 = arith.constant 144 : index
        %get3A_234 = tpu.vector_load %arg5[%get3A_232, %get3A_233] {strides = array<i32>} : memref<8x256xi32, #tpu.memory_space<vmem>>, vector<16xi32>,
        %ge3A_235 = arith.constant 30464 : i32
        %ge3A_236 = vector.broadcast %ge3A_235 : i32 to vector<16xi32>
        %ge3A_237 = arith.cmpi sge, %get3A_234, %ge3A_236 : vector<16xi32>
        %sub3A_238 = arith.constant 30464 : i32
        %sub3A_239 = vector.broadcast %sub3A_238 : i32 to vector<16xi32>
        %sub3A_240 = arith.subi %get3A_234, %sub3A_239 : vector<16xi32>
        %jit3A_241 = arith.constant 0 : i32
        %broadcast_in_dim3A_242 = vector.broadcast %jit3A_241 : i32 to vector<16xi32>
        %select_n3A_243 = arith.select %ge3A_237, %sub3A_240, %broadcast_in_dim3A_242 : vector<16xi1>, vector<16xi32>
        tpu.vector_store_idx %arg7[%broadcast_in_dim3A_128, %select_n3A_243], %broadcast_in_dim3A_3 masked %ge3A_237 : memref<8x128xf32, #tpu.memory_space<vmem>>[vector<16xi32>, vector<16xi32>], vector<16xf32>, vector<16xi1>
        %get3A_244 = arith.index_cast %add3A_127 : i32 to index
        %get3A_245 = arith.constant 160 : index
        %get3A_246 = tpu.vector_load %arg5[%get3A_244, %get3A_245] {strides = array<i32>} : memref<8x256xi32, #tpu.memory_space<vmem>>, vector<16xi32>,
        %ge3A_247 = arith.constant 30464 : i32
        %ge3A_248 = vector.broadcast %ge3A_247 : i32 to vector<16xi32>
        %ge3A_249 = arith.cmpi sge, %get3A_246, %ge3A_248 : vector<16xi32>
        %sub3A_250 = arith.constant 30464 : i32
        %sub3A_251 = vector.broadcast %sub3A_250 : i32 to vector<16xi32>
        %sub3A_252 = arith.subi %get3A_246, %sub3A_251 : vector<16xi32>
        %jit3A_253 = arith.constant 0 : i32
        %broadcast_in_dim3A_254 = vector.broadcast %jit3A_253 : i32 to vector<16xi32>
        %select_n3A_255 = arith.select %ge3A_249, %sub3A_252, %broadcast_in_dim3A_254 : vector<16xi1>, vector<16xi32>
        tpu.vector_store_idx %arg7[%broadcast_in_dim3A_128, %select_n3A_255], %broadcast_in_dim3A_3 masked %ge3A_249 : memref<8x128xf32, #tpu.memory_space<vmem>>[vector<16xi32>, vector<16xi32>], vector<16xf32>, vector<16xi1>
        %get3A_256 = arith.index_cast %add3A_127 : i32 to index
        %get3A_257 = arith.constant 176 : index
        %get3A_258 = tpu.vector_load %arg5[%get3A_256, %get3A_257] {strides = array<i32>} : memref<8x256xi32, #tpu.memory_space<vmem>>, vector<16xi32>,
        %ge3A_259 = arith.constant 30464 : i32
        %ge3A_260 = vector.broadcast %ge3A_259 : i32 to vector<16xi32>
        %ge3A_261 = arith.cmpi sge, %get3A_258, %ge3A_260 : vector<16xi32>
        %sub3A_262 = arith.constant 30464 : i32
        %sub3A_263 = vector.broadcast %sub3A_262 : i32 to vector<16xi32>
        %sub3A_264 = arith.subi %get3A_258, %sub3A_263 : vector<16xi32>
        %jit3A_265 = arith.constant 0 : i32
        %broadcast_in_dim3A_266 = vector.broadcast %jit3A_265 : i32 to vector<16xi32>
        %select_n3A_267 = arith.select %ge3A_261, %sub3A_264, %broadcast_in_dim3A_266 : vector<16xi1>, vector<16xi32>
        tpu.vector_store_idx %arg7[%broadcast_in_dim3A_128, %select_n3A_267], %broadcast_in_dim3A_3 masked %ge3A_261 : memref<8x128xf32, #tpu.memory_space<vmem>>[vector<16xi32>, vector<16xi32>], vector<16xf32>, vector<16xi1>
        %get3A_268 = arith.index_cast %add3A_127 : i32 to index
        %get3A_269 = arith.constant 192 : index
        %get3A_270 = tpu.vector_load %arg5[%get3A_268, %get3A_269] {strides = array<i32>} : memref<8x256xi32, #tpu.memory_space<vmem>>, vector<16xi32>,
        %ge3A_271 = arith.constant 30464 : i32
        %ge3A_272 = vector.broadcast %ge3A_271 : i32 to vector<16xi32>
        %ge3A_273 = arith.cmpi sge, %get3A_270, %ge3A_272 : vector<16xi32>
        %sub3A_274 = arith.constant 30464 : i32
        %sub3A_275 = vector.broadcast %sub3A_274 : i32 to vector<16xi32>
        %sub3A_276 = arith.subi %get3A_270, %sub3A_275 : vector<16xi32>
        %jit3A_277 = arith.constant 0 : i32
        %broadcast_in_dim3A_278 = vector.broadcast %jit3A_277 : i32 to vector<16xi32>
        %select_n3A_279 = arith.select %ge3A_273, %sub3A_276, %broadcast_in_dim3A_278 : vector<16xi1>, vector<16xi32>
        tpu.vector_store_idx %arg7[%broadcast_in_dim3A_128, %select_n3A_279], %broadcast_in_dim3A_3 masked %ge3A_273 : memref<8x128xf32, #tpu.memory_space<vmem>>[vector<16xi32>, vector<16xi32>], vector<16xf32>, vector<16xi1>
        %get3A_280 = arith.index_cast %add3A_127 : i32 to index
        %get3A_281 = arith.constant 208 : index
        %get3A_282 = tpu.vector_load %arg5[%get3A_280, %get3A_281] {strides = array<i32>} : memref<8x256xi32, #tpu.memory_space<vmem>>, vector<16xi32>,
        %ge3A_283 = arith.constant 30464 : i32
        %ge3A_284 = vector.broadcast %ge3A_283 : i32 to vector<16xi32>
        %ge3A_285 = arith.cmpi sge, %get3A_282, %ge3A_284 : vector<16xi32>
        %sub3A_286 = arith.constant 30464 : i32
        %sub3A_287 = vector.broadcast %sub3A_286 : i32 to vector<16xi32>
        %sub3A_288 = arith.subi %get3A_282, %sub3A_287 : vector<16xi32>
        %jit3A_289 = arith.constant 0 : i32
        %broadcast_in_dim3A_290 = vector.broadcast %jit3A_289 : i32 to vector<16xi32>
        %select_n3A_291 = arith.select %ge3A_285, %sub3A_288, %broadcast_in_dim3A_290 : vector<16xi1>, vector<16xi32>
        tpu.vector_store_idx %arg7[%broadcast_in_dim3A_128, %select_n3A_291], %broadcast_in_dim3A_3 masked %ge3A_285 : memref<8x128xf32, #tpu.memory_space<vmem>>[vector<16xi32>, vector<16xi32>], vector<16xf32>, vector<16xi1>
        %get3A_292 = arith.index_cast %add3A_127 : i32 to index
        %get3A_293 = arith.constant 224 : index
        %get3A_294 = tpu.vector_load %arg5[%get3A_292, %get3A_293] {strides = array<i32>} : memref<8x256xi32, #tpu.memory_space<vmem>>, vector<16xi32>,
        %ge3A_295 = arith.constant 30464 : i32
        %ge3A_296 = vector.broadcast %ge3A_295 : i32 to vector<16xi32>
        %ge3A_297 = arith.cmpi sge, %get3A_294, %ge3A_296 : vector<16xi32>
        %sub3A_298 = arith.constant 30464 : i32
        %sub3A_299 = vector.broadcast %sub3A_298 : i32 to vector<16xi32>
        %sub3A_300 = arith.subi %get3A_294, %sub3A_299 : vector<16xi32>
        %jit3A_301 = arith.constant 0 : i32
        %broadcast_in_dim3A_302 = vector.broadcast %jit3A_301 : i32 to vector<16xi32>
        %select_n3A_303 = arith.select %ge3A_297, %sub3A_300, %broadcast_in_dim3A_302 : vector<16xi1>, vector<16xi32>
        tpu.vector_store_idx %arg7[%broadcast_in_dim3A_128, %select_n3A_303], %broadcast_in_dim3A_3 masked %ge3A_297 : memref<8x128xf32, #tpu.memory_space<vmem>>[vector<16xi32>, vector<16xi32>], vector<16xf32>, vector<16xi1>
        %get3A_304 = arith.index_cast %add3A_127 : i32 to index
        %get3A_305 = arith.constant 240 : index
        %get3A_306 = tpu.vector_load %arg5[%get3A_304, %get3A_305] {strides = array<i32>} : memref<8x256xi32, #tpu.memory_space<vmem>>, vector<16xi32>,
        %ge3A_307 = arith.constant 30464 : i32
        %ge3A_308 = vector.broadcast %ge3A_307 : i32 to vector<16xi32>
        %ge3A_309 = arith.cmpi sge, %get3A_306, %ge3A_308 : vector<16xi32>
        %sub3A_310 = arith.constant 30464 : i32
        %sub3A_311 = vector.broadcast %sub3A_310 : i32 to vector<16xi32>
        %sub3A_312 = arith.subi %get3A_306, %sub3A_311 : vector<16xi32>
        %jit3A_313 = arith.constant 0 : i32
        %broadcast_in_dim3A_314 = vector.broadcast %jit3A_313 : i32 to vector<16xi32>
        %select_n3A_315 = arith.select %ge3A_309, %sub3A_312, %broadcast_in_dim3A_314 : vector<16xi1>, vector<16xi32>
        tpu.vector_store_idx %arg7[%broadcast_in_dim3A_128, %select_n3A_315], %broadcast_in_dim3A_3 masked %ge3A_309 : memref<8x128xf32, #tpu.memory_space<vmem>>[vector<16xi32>, vector<16xi32>], vector<16xf32>, vector<16xi1>
      }
      %scan3A_122 = arith.constant 8 : i32
    }
    %scan3A_89 = arith.constant 4 : i32
    return
  }
}

</mosaic_0001>

<sc_bundles>
// kernel: kernel.3.cloned.1.call-start
scs
__scs_entry_jumppad:
0x0: {  	(pc) =	sbr.rel $0x88, $3  }
0x1: {  	(tag) =	ssettag $0x0;
	lr =	simm.s32 $0x1  }
0x2: {  	[smem:$0x3FA0] =	sst lr;
	_ =	strace $0xD0000000  }
0x3: {  	_ = 	snop  }
0x4: {  	_ = 	snop  }
0x5: {  	_ = 	snop  }
0x6: {  	_ = 	snop  }
0x7: {  	_ = 	snop  }
__scs_overlays_trampoline_lowered:
0x8: {  	[smem:$0x3FAF] =	sst s0  }
0x9: {  	[smem:$0x3FB0] =	sst s1  }
0xa: {  	[smem:$0x3FB1] =	sst s2  }
0xb: {  	[smem:$0x3FB2] =	sst s3  }
0xc: {  	[smem:$0x3FB3] =	sst s4  }
0xd: {  	[smem:$0x3FB4] =	sst s5  }
0xe: {  	[smem:$0x3FB5] =	sst s6  }
0xf: {  	[smem:$0x3FB6] =	sst s7  }
0x10: {  	[smem:$0x3FB7] =	sst s8  }
0x11: {  	[smem:$0x3FB8] =	sst s9;
	s0 =	simm.s32 @!p0 $0x0  }
0x12: {  	s1 =	sld [smem:$0x3F9E];
	s0 =	simm.s32 @p0 $0x1  }
0x13: {  	[smem:$0x3FB9] =	sst s0;
	s0 =	simm.s32 @!p1 $0x0  }
0x14: {  	s2 =	sld [smem:$0x3F9D];
	s0 =	simm.s32 @p1 $0x1  }
0x15: {  	[smem:$0x3FBA] =	sst s0;
	s0 =	simm.s32 @!p2 $0x0  }
0x16: {  	s3 =	sld [smem:$0x3FDB];
	s0 =	simm.s32 @p2 $0x1  }
0x17: {  	s4 =	simm.s32 $0x1BF5;
	[smem:$0x3FBC] =	sst s0  }
0x18: {  	s0 =	sld [smem:$0x3F9F];
	_ =	swait.ge [sflag:s4], $0x0  }
0x19: {  	s7 =	sld [smem:$0x3FA0]  }
0x1a: {  	s8 =	sadd.s32 $0xFFFFE003, lr  }
0x1b: {  	s9 =	sadd.s32 $0xFFFFFEF7, lr;
	s5 =	simm.s32 $0xFFFFFFFF;
	p2 =	slt.u32 s8, $0xFFFFF086  }
0x1c: {  	p1 =	slt.u32 s9, $0xF7A;
	s5 =	simm.s32 @!p2 $0x0  }
0x1d: {  	s5 =	simm.s32 @p1 $0x1;
	p0 =	seq.s32 s7, s2  }
0x1e: {  	s7 =	smul.u32 @!p0 $0xF7A, s2;
	p2 =	seq.s32 @!p0 s5, $0x0  }
0x1f: {  	s9 =	smul.u32 $0xF7A, s1;
	s8 =	simm.s32 @!p0 $0x1BF5;
	p2 =	por !p2, p0  }
0x20: {  	[sflag:s8] =	ssyncset.s32 @!p0 $0xFFFFF086;
	s6 =	sadd.s32 @!p0 s3, s7;
	s7 =	simm.s32 @!p0 $0x108  }
0x21: {  	s3 =	sadd.s32 s3, s9;
	s6 =	sadd.s32 @!p0 $0x88, s6;
	s7 =	simm.s32 @p2 $0x1082  }
0x22: {  	[simem:s7], [sflag:s8] =	dma.local @!p0 [hbm:s6], $0xF7A  }
0x23: {  	s9 =	sor.u32 $0xD0000000, s2;
	s6 =	simm.s32 $0x108;
	_ =	swait.ge @!p0 [sflag:s8], $0x0  }
0x24: {  	s3 =	sadd.s32 $0x88, s3;
	s6 =	simm.s32 @!p1 $0x1082;
	[sflag:s4] =	ssyncset.s32 $0xFFFFF086  }
0x25: {  	[simem:s6], [sflag:s4] =	dma.local [hbm:s3], $0xF7A  }
0x26: {  	[smem:$0x3FA0] =	sst s1;
	(tag) =	ssettag s2;
	_ =	strace s9  }
0x27: {  	s1 =	sld [smem:$0x3FB0]  }
0x28: {  	s2 =	sld [smem:$0x3FB1]  }
0x29: {  	s4 =	sld [smem:$0x3FB3]  }
0x2a: {  	p0 =	seq.s32 s5, $0x0;
	s5 =	sld [smem:$0x3FB4]  }
0x2b: {  	s6 =	sld [smem:$0x3FB5]  }
0x2c: {  	s7 =	sld [smem:$0x3FB6]  }
0x2d: {  	s3 =	simm.s32 $0x108;
	s8 =	sld [smem:$0x3FB7]  }
0x2e: {  	s3 =	simm.s32 @!p0 $0x1082;
	s9 =	sld [smem:$0x3FB8]  }
0x2f: {  	lr =	sadd.s32 s0, s3;
	s0 =	sld [smem:$0x3FAF]  }
0x30: {  	s3 =	sld [smem:$0x3FB2]  }
0x31: {  	[smem:$0x3FBB] =	sst s10  }
0x32: {  	s10 =	sld [smem:$0x3FB9];
	_ =	sdelay $0x3  }
0x33: {  	p0 =	seq.s32 s10, $0x1;
	s10 =	sld [smem:$0x3FBB];
	_ =	sdelay $0x3  }
0x34: {  	[smem:$0x3FBB] =	sst s10  }
0x35: {  	s10 =	sld [smem:$0x3FBA];
	_ =	sdelay $0x3  }
0x36: {  	p1 =	seq.s32 s10, $0x1;
	s10 =	sld [smem:$0x3FBB];
	_ =	sdelay $0x3  }
0x37: {  	[smem:$0x3FBB] =	sst s10  }
0x38: {  	s10 =	sld [smem:$0x3FBC]  }
0x39: {  	_ = 	snop;
	(pc) =	sbr.ind lr, $3  }
0x3a: {  	_ = 	snop  }
0x3b: {  	_ = 	snop  }
0x3c: {  	p2 =	seq.s32 s10, $0x1;
	s10 =	sld [smem:$0x3FBB]  }
0x3d: {  	_ =	shalt  }
0x3e: {  	_ =	shalt  }
0x3f: {  	_ =	shalt  }
0x40: {  	_ =	shalt  }
0x41: {  	_ =	shalt  }
0x42: {  	_ =	shalt  }
0x43: {  	_ =	shalt  }
0x44: {  	_ =	shalt  }
0x45: {  	_ =	shalt  }
0x46: {  	_ =	shalt  }
0x47: {  	_ =	shalt  }
0x48: {  	_ =	shalt  }
0x49: {  	_ =	shalt  }
0x4a: {  	_ =	shalt  }
0x4b: {  	_ =	shalt  }
0x4c: {  	_ =	shalt  }
0x4d: {  	_ =	shalt  }
0x4e: {  	_ =	shalt  }
0x4f: {  	_ =	shalt  }
0x50: {  	_ =	shalt  }
0x51: {  	_ =	shalt  }
0x52: {  	_ =	shalt  }
0x53: {  	_ =	shalt  }
0x54: {  	_ =	shalt  }
0x55: {  	_ =	shalt  }
0x56: {  	_ =	shalt  }
0x57: {  	_ =	shalt  }
0x58: {  	_ =	shalt  }
0x59: {  	_ =	shalt  }
0x5a: {  	_ =	shalt  }
0x5b: {  	_ =	shalt  }
0x5c: {  	_ =	shalt  }
0x5d: {  	_ =	shalt  }
0x5e: {  	_ =	shalt  }
0x5f: {  	_ =	shalt  }
0x60: {  	_ =	shalt  }
0x61: {  	_ =	shalt  }
0x62: {  	_ =	shalt  }
0x63: {  	_ =	shalt  }
0x64: {  	_ =	shalt  }
0x65: {  	_ =	shalt  }
0x66: {  	_ =	shalt  }
0x67: {  	_ =	shalt  }
0x68: {  	_ =	shalt  }
0x69: {  	_ =	shalt  }
0x6a: {  	_ =	shalt  }
0x6b: {  	_ =	shalt  }
0x6c: {  	_ =	shalt  }
0x6d: {  	_ =	shalt  }
0x6e: {  	_ =	shalt  }
0x6f: {  	_ =	shalt  }
0x70: {  	_ =	shalt  }
0x71: {  	_ =	shalt  }
0x72: {  	_ =	shalt  }
0x73: {  	_ =	shalt  }
0x74: {  	_ =	shalt  }
0x75: {  	_ =	shalt  }
0x76: {  	_ =	shalt  }
0x77: {  	_ =	shalt  }
0x78: {  	_ =	shalt  }
0x79: {  	_ =	shalt  }
0x7a: {  	_ =	shalt  }
0x7b: {  	_ =	shalt  }
0x7c: {  	_ =	shalt  }
0x7d: {  	_ =	shalt  }
0x7e: {  	_ =	shalt  }
0x7f: {  	_ =	shalt  }
0x80: {  	_ =	shalt  }
0x81: {  	_ =	shalt  }
0x82: {  	_ =	shalt  }
0x83: {  	_ =	shalt  }
0x84: {  	_ =	shalt  }
0x85: {  	_ =	shalt  }
0x86: {  	_ =	shalt  }
0x87: {  	_ =	shalt  }
.Lfunc_end0:
.L_simem_size_0:
called_computation.1_lowered:
.L_overlay_start_0:
0x88: {  	s2 =	sld [smem:$0x3FD9]  }
0x89: {  	s3 =	sld [smem:$0x3FFE];
	_ =	sdelay $0x1  }
0x8a: {  	s1 =	srdreg.scid  }
0x8b: {  	s0 =	sand.u32 $0x1, s1  }
0x8c: {  	s17 =	sshll.u32 s0, $0xA;
	s2 =	sadd.s32 s3, s2  }
0x8d: {  	s2 =	sadd.s32 s2, s17  }
0x8e: {  	[smem:$0x3FC7] =	sst s2  }
0x8f: {  	_ = 	snop  }
0x90: {  	s2 =	sld [smem:$0x3FD0];
	(tm) =	ssettm $0x1  }
0x91: {  	s18 =	sld [smem:$0x3FFB];
	_ =	sdelay $0x3  }
0x92: {  	_ =	strace s18  }
0x93: {  	s3 =	sld [smem:$0x3FFC];
	_ =	sdelay $0x3  }
0x94: {  	_ =	strace s3  }
0x95: {  	s3 =	sld [smem:$0x3FFD];
	_ =	sdelay $0x3  }
0x96: {  	_ =	strace s3  }
0x97: {  	_ =	strace $0x8FFFFFFF  }
0x98: {  	s19 =	sld [smem:$0x3FDB];
	_ =	sdelay $0x1  }
0x99: {  	s4 =	simm.s32 $_scs_section_size  }
0x9a: {  	s5 =	simm.s32 $_size__tile_overlayer_lowered;
	s6 =	simm.s32 $_tile_overlayer_lowered  }
0x9b: {  	s22 =	simm.s32 $0x1BFF;
	s21 =	sshll.u32 s6, $0x1;
	s3 =	sadd.s32 s4, s19  }
0x9c: {  	s7 =	simm.s32 $0x0;
	s20 =	sshll.u32 s5, $0x1;
	s5 =	sadd.s32 s21, s3  }
0x9d: {  	[timem:s7], [sflag:s22] =	dma.local [hbm:s5], s20  }
0x9e: {  	_ =	swait.ge [sflag:s22], s20  }
0x9f: {  	s4 =	ssub.s32 $0x0, s20;
	[sflag:s22] =	ssyncset.done $0x0  }
0xa0: {  	[sflag:s22] =	ssyncadd.s32 s4;
	_ =	sdelay $0x1  }
0xa1: {  	s23 =	simm.s32 $0x1B8B  }
0xa2: {  	_ =	swait.ge [sflag:s23], $0x1  }
0xa3: {  	[sflag:s23] =	ssyncset.done $0x0  }
0xa4: {  	s25 =	simm.s32 $0x1B8E;
	s24 =	sld [smem:$0x3FFE];
	[sflag:s23] =	ssyncadd.s32 $0xFFFFFFFF  }
0xa5: {  	s26 =	simm.s32 $execute0_lowered;
	[smem:$0x3FD2] =	sst s25  }
0xa6: {  	s5 =	sshll.u32 s26, $0x1;
	_ =	strace $0x80000046;
	[dreg:$0x1] =	wrdreg $0xFFFFFFFF  }
0xa7: {  	s28 =	simm.s32 $_size_execute0_lowered;
	s3 =	sadd.s32 s3, s5;
	[dreg:$0x0] =	wrdreg $0x0  }
0xa8: {  	s5 =	sshll.u32 s28, $0x1;
	[dreg:$0x2] =	wrdreg s3  }
0xa9: {  	[dreg:$0x3] =	wrdreg s5  }
0xaa: {  	[dreg:$0x4] =	wrdreg $0xC0  }
0xab: {  	_ =	task [dreg:s7], $0x5FFFF  }
0xac: {  	[dreg:$0x1] =	wrdreg $0xFFFFFFFF  }
0xad: {  	[dreg:$0x0] =	wrdreg $0x60  }
0xae: {  	[dreg:$0x2] =	wrdreg s2  }
0xaf: {  	[dreg:$0x3] =	wrdreg s24  }
0xb0: {  	[dreg:$0x4] =	wrdreg $0x9  }
0xb1: {  	_ =	task.clear_ibuf [dreg:s7], $0x5FFFF;
	_ =	strace $0x90000046  }
0xb2: {  	s29 =	simm.s32 $0x9;
	_ =	strace $0x80000048  }
0xb3: {  	_ =	swait.ge [sflag:s29], $0x1  }
0xb4: {  	[sflag:s29] =	ssyncadd.s32 $0xFFFFFFFF  }
0xb5: {  	_ =	strace $0x90000048  }
0xb6: {  	_ =	sfence  }
0xb7: {  	s30 =	sld [smem:$0x0];
	_ =	sdelay $0x2  }
0xb8: {  	s31 =	sshll.u32 s1, $0xD;
	s1 =	sshrl.u32 s1, $0x2  }
0xb9: {  	s3 =	sand.u32 $0x4000, s31;
	s1 =	sadd.s32 s1, s30  }
0xba: {  	s0 =	sor.u32 s3, s0;
	s1 =	sshll.u32 s1, $0x11  }
0xbb: {  	s0 =	sor.u32 s1, s0  }
0xbc: {  	s0 =	sadd.s32 $0x8F2B, s0  }
0xbd: {  	[sflag:s0] =	ssyncadd.remote.s32 $0x1  }
0xbe: {  	_ =	sfence.sel $0xFFFF  }
0xbf: {  	[dreg:$0x0] =	wrdreg $0xFFFFFFFF;
	(pc) =	sbr.abs _section_cstart, $3  }
0xc0: {  	[dreg:$0x1] =	wrdreg $0xFFFFFFFF  }
0xc1: {  	_ =	task.clear_ibuf [dreg:s7], $0x2FFFF;
	_ =	strace $0x9FFFFFFF  }
0xc2: {  	(tm) =	ssettm $0x7FFFFFFF  }
0xc3: {  	_ =	shalt  }
tec
execute0_lowered:
.L_overlay_start_1:
0x0: {  	(tag) =	ssettag $0x1  }
0x1: {  	s1 =	rddreg [dreg:$0x0]  }
0x2: {  	s3 =	rddreg [dreg:$0x1]  }
0x3: {  	s0 =	rddreg [dreg:$0x2];
	s2 =	simm.s32 $0x0  }
0x4: {  	s4 =	srdreg.scid;
	s9 =	simm.s32 $0x800;
	s10 =	simm.s32 $0x1E400  }
0x5: {  	s11 =	simm.s32 $0x0;
	[smem:$0x7FF] =	sst s2;
	s6 =	sand.u32 $0x1, s4  }
0x6: {  	s4 =	sadd.s32 $0xC00, s3;
	s5 =	sadd.s32 $0x3BCC00, s3;
	s7 =	ssub.s32 $0x2, s6  }
0x7: {  	s3 =	stileid.u32;
	_ =	strace $0x80000047;
	s8 =	sshrl.u32 s7, $0x1  }
0x8: {  	s31 =	sshll.u32 s3, $0x3;
	s6 =	sshll.u32 s6, $0x2;
	s7 =	ssub.s32 s7, s8  }
0x9: {  	v0 =	vimm.f32 $0.0e+00;
	v1 =	vimm.s32 $0x0;
	s6 =	sor.u32 s6, s31;
	s8 =	simm.s32 $0x1;
	s7 =	smax.u32 s7, $0x1  }
.LBB2_1:
0xa: {  	s12 =	sand.u32 $0x70, s2;
	s13 =	sand.u32 $0x1FC00, s2  }
0xb: {  	s13 =	sor.u32 s12, s13  }
0xc: {  	s12 =	simm.s32 $0x10;
	[tilespmem:s13+$0x800] =	vst v0;
	s13 =	simm.s32 $0x0  }
.LBB2_2:
0xd: {  	p0 =	sne.s32 s12, $0x3B70  }
.Ltmp0:
0xe: {  	_ = 	snop;
	(pc) =	sbr.rel @p0 .LBB2_2-.Ltmp0, $4  }
0xf: {  	s13 =	sadd.s32 $0x80, s13  }
0x10: {  	s14 =	sand.u32 $0x70, s12;
	s15 =	sand.u32 $0x1FC00, s13  }
0x11: {  	s14 =	sor.u32 s14, s15  }
0x12: {  	s12 =	sadd.s32 $0x10, s12;
	[tilespmem:s14+$0x800] =	vst v0  }
0x13: {  	[tilespmem:$0x1E400] =	vst v0  }
0x14: {  	[tilespmem:$0x1E410] =	vst v0  }
0x15: {  	[tilespmem:$0x1E420] =	vst v0  }
0x16: {  	[tilespmem:$0x1E430] =	vst v0  }
0x17: {  	[tilespmem:$0x1E440] =	vst v0  }
0x18: {  	[tilespmem:$0x1E450] =	vst v0;
	s12 =	simm.s32 $0x0  }
0x19: {  	[tilespmem:$0x1E460] =	vst v0;
	s13 =	sand.u32 $0x70, s12;
	s14 =	sand.u32 $0x1FC00, s12  }
0x1a: {  	[tilespmem:$0x1E470] =	vst v0;
	s14 =	sor.u32 s13, s14  }
0x1b: {  	s13 =	simm.s32 $0x10;
	[tilespmem:s14+$0x880] =	vst v0  }
.LBB2_4:
0x1c: {  	p0 =	sne.s32 s13, $0x3B70  }
.Ltmp1:
0x1d: {  	_ = 	snop;
	(pc) =	sbr.rel @p0 .LBB2_4-.Ltmp1, $4  }
0x1e: {  	s12 =	sadd.s32 $0x80, s12  }
0x1f: {  	s14 =	sand.u32 $0x70, s13;
	s15 =	sand.u32 $0x1FC00, s12  }
0x20: {  	s14 =	sor.u32 s14, s15  }
0x21: {  	s13 =	sadd.s32 $0x10, s13;
	[tilespmem:s14+$0x880] =	vst v0  }
0x22: {  	[tilespmem:$0x1E480] =	vst v0  }
0x23: {  	[tilespmem:$0x1E490] =	vst v0  }
0x24: {  	[tilespmem:$0x1E4A0] =	vst v0  }
0x25: {  	[tilespmem:$0x1E4B0] =	vst v0  }
0x26: {  	[tilespmem:$0x1E4C0] =	vst v0  }
0x27: {  	[tilespmem:$0x1E4D0] =	vst v0;
	s12 =	simm.s32 $0x0  }
0x28: {  	[tilespmem:$0x1E4E0] =	vst v0;
	s13 =	sand.u32 $0x70, s12;
	s14 =	sand.u32 $0x1FC00, s12  }
0x29: {  	[tilespmem:$0x1E4F0] =	vst v0;
	s14 =	sor.u32 s13, s14  }
0x2a: {  	s13 =	simm.s32 $0x10;
	[tilespmem:s14+$0x900] =	vst v0  }
.LBB2_6:
0x2b: {  	p0 =	sne.s32 s13, $0x3B70  }
.Ltmp2:
0x2c: {  	_ = 	snop;
	(pc) =	sbr.rel @p0 .LBB2_6-.Ltmp2, $4  }
0x2d: {  	s12 =	sadd.s32 $0x80, s12  }
0x2e: {  	s14 =	sand.u32 $0x70, s13;
	s15 =	sand.u32 $0x1FC00, s12  }
0x2f: {  	s14 =	sor.u32 s14, s15  }
0x30: {  	s13 =	sadd.s32 $0x10, s13;
	[tilespmem:s14+$0x900] =	vst v0  }
0x31: {  	[tilespmem:$0x1E500] =	vst v0  }
0x32: {  	[tilespmem:$0x1E510] =	vst v0  }
0x33: {  	[tilespmem:$0x1E520] =	vst v0  }
0x34: {  	[tilespmem:$0x1E530] =	vst v0  }
0x35: {  	[tilespmem:$0x1E540] =	vst v0  }
0x36: {  	[tilespmem:$0x1E550] =	vst v0;
	s12 =	simm.s32 $0x0  }
0x37: {  	[tilespmem:$0x1E560] =	vst v0;
	s13 =	sand.u32 $0x70, s12;
	s14 =	sand.u32 $0x1FC00, s12  }
0x38: {  	[tilespmem:$0x1E570] =	vst v0;
	s14 =	sor.u32 s13, s14  }
0x39: {  	s13 =	simm.s32 $0x10;
	[tilespmem:s14+$0x980] =	vst v0  }
.LBB2_8:
0x3a: {  	p0 =	sne.s32 s13, $0x3B70  }
.Ltmp3:
0x3b: {  	_ = 	snop;
	(pc) =	sbr.rel @p0 .LBB2_8-.Ltmp3, $4  }
0x3c: {  	s12 =	sadd.s32 $0x80, s12  }
0x3d: {  	s14 =	sand.u32 $0x70, s13;
	s15 =	sand.u32 $0x1FC00, s12  }
0x3e: {  	s14 =	sor.u32 s14, s15  }
0x3f: {  	s13 =	sadd.s32 $0x10, s13;
	[tilespmem:s14+$0x980] =	vst v0  }
0x40: {  	[tilespmem:$0x1E580] =	vst v0  }
0x41: {  	[tilespmem:$0x1E590] =	vst v0  }
0x42: {  	[tilespmem:$0x1E5A0] =	vst v0  }
0x43: {  	[tilespmem:$0x1E5B0] =	vst v0  }
0x44: {  	[tilespmem:$0x1E5C0] =	vst v0  }
0x45: {  	[tilespmem:$0x1E5D0] =	vst v0;
	s12 =	simm.s32 $0x0  }
0x46: {  	[tilespmem:$0x1E5E0] =	vst v0;
	s13 =	sand.u32 $0x70, s12;
	s14 =	sand.u32 $0x1FC00, s12  }
0x47: {  	[tilespmem:$0x1E5F0] =	vst v0;
	s14 =	sor.u32 s13, s14  }
0x48: {  	s13 =	simm.s32 $0x10;
	[tilespmem:s14+$0xA00] =	vst v0  }
.LBB2_10:
0x49: {  	p0 =	sne.s32 s13, $0x3B70  }
.Ltmp4:
0x4a: {  	_ = 	snop;
	(pc) =	sbr.rel @p0 .LBB2_10-.Ltmp4, $4  }
0x4b: {  	s12 =	sadd.s32 $0x80, s12  }
0x4c: {  	s14 =	sand.u32 $0x70, s13;
	s15 =	sand.u32 $0x1FC00, s12  }
0x4d: {  	s14 =	sor.u32 s14, s15  }
0x4e: {  	s13 =	sadd.s32 $0x10, s13;
	[tilespmem:s14+$0xA00] =	vst v0  }
0x4f: {  	[tilespmem:$0x1E600] =	vst v0  }
0x50: {  	[tilespmem:$0x1E610] =	vst v0  }
0x51: {  	[tilespmem:$0x1E620] =	vst v0  }
0x52: {  	[tilespmem:$0x1E630] =	vst v0  }
0x53: {  	[tilespmem:$0x1E640] =	vst v0  }
0x54: {  	[tilespmem:$0x1E650] =	vst v0;
	s12 =	simm.s32 $0x0  }
0x55: {  	[tilespmem:$0x1E660] =	vst v0;
	s13 =	sand.u32 $0x70, s12;
	s14 =	sand.u32 $0x1FC00, s12  }
0x56: {  	[tilespmem:$0x1E670] =	vst v0;
	s14 =	sor.u32 s13, s14  }
0x57: {  	s13 =	simm.s32 $0x10;
	[tilespmem:s14+$0xA80] =	vst v0  }
.LBB2_12:
0x58: {  	p0 =	sne.s32 s13, $0x3B70  }
.Ltmp5:
0x59: {  	_ = 	snop;
	(pc) =	sbr.rel @p0 .LBB2_12-.Ltmp5, $4  }
0x5a: {  	s12 =	sadd.s32 $0x80, s12  }
0x5b: {  	s14 =	sand.u32 $0x70, s13;
	s15 =	sand.u32 $0x1FC00, s12  }
0x5c: {  	s14 =	sor.u32 s14, s15  }
0x5d: {  	s13 =	sadd.s32 $0x10, s13;
	[tilespmem:s14+$0xA80] =	vst v0  }
0x5e: {  	[tilespmem:$0x1E680] =	vst v0  }
0x5f: {  	[tilespmem:$0x1E690] =	vst v0  }
0x60: {  	[tilespmem:$0x1E6A0] =	vst v0  }
0x61: {  	[tilespmem:$0x1E6B0] =	vst v0  }
0x62: {  	[tilespmem:$0x1E6C0] =	vst v0  }
0x63: {  	[tilespmem:$0x1E6D0] =	vst v0;
	s12 =	simm.s32 $0x0  }
0x64: {  	[tilespmem:$0x1E6E0] =	vst v0;
	s13 =	sand.u32 $0x70, s12;
	s14 =	sand.u32 $0x1FC00, s12  }
0x65: {  	[tilespmem:$0x1E6F0] =	vst v0;
	s14 =	sor.u32 s13, s14  }
0x66: {  	s13 =	simm.s32 $0x10;
	[tilespmem:s14+$0xB00] =	vst v0  }
.LBB2_14:
0x67: {  	p0 =	sne.s32 s13, $0x3B70  }
.Ltmp6:
0x68: {  	_ = 	snop;
	(pc) =	sbr.rel @p0 .LBB2_14-.Ltmp6, $4  }
0x69: {  	s12 =	sadd.s32 $0x80, s12  }
0x6a: {  	s14 =	sand.u32 $0x70, s13;
	s15 =	sand.u32 $0x1FC00, s12  }
0x6b: {  	s14 =	sor.u32 s14, s15  }
0x6c: {  	s13 =	sadd.s32 $0x10, s13;
	[tilespmem:s14+$0xB00] =	vst v0  }
0x6d: {  	[tilespmem:$0x1E700] =	vst v0  }
0x6e: {  	[tilespmem:$0x1E710] =	vst v0  }
0x6f: {  	[tilespmem:$0x1E720] =	vst v0  }
0x70: {  	[tilespmem:$0x1E730] =	vst v0;
	s12 =	simm.s32 $0x0  }
0x71: {  	[tilespmem:$0x1E740] =	vst v0;
	s13 =	sand.u32 $0x7, s12  }
0x72: {  	[tilespmem:$0x1E750] =	vst v0;
	s13 =	sshll.u32 s13, $0x4  }
0x73: {  	[tilespmem:$0x1E760] =	vst v0;
	s13 =	sadd.s32 $0x0, s13  }
0x74: {  	[tilespmem:$0x1E770] =	vst v0;
	s14 =	sor.u32 $0x380, s13  }
0x75: {  	s13 =	simm.s32 $0x10;
	[tilespmem:s14+$0x800] =	vst v0;
	s14 =	simm.s32 $0x1  }
.LBB2_16:
0x76: {  	s15 =	sand.u32 $0x7, s14;
	p0 =	sne.s32 s13, $0x3B70;
	s13 =	sadd.s32 $0x10, s13  }
.Ltmp7:
0x77: {  	s12 =	sadd.s32 $0x80, s12;
	s15 =	sshll.u32 s15, $0x4;
	(pc) =	sbr.rel @p0 .LBB2_16-.Ltmp7, $4  }
0x78: {  	s15 =	sadd.s32 s15, s12  }
0x79: {  	s15 =	sor.u32 $0x380, s15  }
0x7a: {  	[tilespmem:s15+$0x800] =	vst v0  }
0x7b: {  	s14 =	sadd.s32 $0x1, s14  }
0x7c: {  	[tilespmem:$0x1E780] =	vst v0  }
0x7d: {  	[tilespmem:$0x1E790] =	vst v0  }
0x7e: {  	[tilespmem:$0x1E7A0] =	vst v0  }
0x7f: {  	[tilespmem:$0x1E7B0] =	vst v0  }
0x80: {  	[tilespmem:$0x1E7C0] =	vst v0  }
0x81: {  	[tilespmem:$0x1E7D0] =	vst v0  }
0x82: {  	[tilespmem:$0x1E7E0] =	vst v0  }
0x83: {  	[tilespmem:$0x1E7F0] =	vst v0;
	s12 =	simm.s32 $0x0;
	s13 =	simm.s32 $0x0  }
.LBB2_18:
0x84: {  	s14 =	sadd.s32 s6, s13  }
0x85: {  	s15 =	sshll.u32 s14, $0x8  }
0x86: {  	s15 =	sadd.s32 s1, s15  }
0x87: {  	[tilespmem:s12], [sflag:$0x1] =	stream.linear.gather [hbm4b:s15+s12], $0x800, $0x38;
	[tilespmem:$0x1E800] =	vst v63  }
0x88: {  	_ =	swait.ge [sflag:s8], $0x800  }
0x89: {  	[sflag:s8] =	ssyncset.done $0x0  }
0x8a: {  	s16 =	simm.s32 $0x0;
	s15 =	simm.s32 $0x400;
	[sflag:s8] =	ssyncadd.s32 $0xFFFFF800  }
.LBB2_19:
0x8b: {  	v2 =	vld [tilespmem:s15+$0xFFFFFC00];
	_ =	sdelay $0x4  }
0x8c: {  	vm0 =	veq.s32 v2, $0x0  }
0x8d: {  	v3 =	vsel vm0, $0x1, v1  }
0x8e: {  	(xrf0) =	vadd.scan.msk.s32 $0xffff, v3;
	_ =	sdelay $0x5  }
0x8f: {  	v3, _, _ =	vpop (xrf0)  }
0x90: {  	vm1 =	veq.s32 v3, $0x0  }
0x91: {  	(xrf1) =	vunique.msk.u32 vm1, v2;
	_ =	sdelay $0xd  }
0x92: {  	vm3 =	vlt.u32 v2, $0x3B80;
	_, v3, vm2 =	vpop (xrf1)  }
0x93: {  	vm2 =	vmand vm3, vm2  }
0x94: {  	v4 =	vmov s16;
	vm1 =	vmand vm1, vm2  }
0x95: {  	v4 =	vshll.u32 v4, $0x7;
	v2 =	vnsel vm1, $0x0, v2  }
0x96: {  	v4 =	vand.u32 $0x380, v4;
	v5 =	vshll.u32 v2, $0x3  }
0x97: {  	v6 =	vand.u32 $0x7F, v2;
	v2 =	vbroadcast v4, $0x0;
	v5 =	vand.u32 $0xFFFFFC00, v5  }
0x98: {  	v29 =	vor.u32 v5, v6  }
0x99: {  	v4 =	vor.u32 v2, v29;
	_ =	sdelay $0x2  }
0x9a: {  	v3 =	vcvt.s32.f32 v3;
	_ =	sdelay $0x1  }
0x9b: {  	[tilespmem:v4+s9+$0x0] =	vst.idx.add.f32.msk vm1, v3  }
0x9c: {  	v3 =	vld [tilespmem:s15+$0xFFFFFC10];
	_ =	sdelay $0x4  }
0x9d: {  	vm6 =	veq.s32 v3, $0x0  }
0x9e: {  	v30 =	vsel vm6, $0x1, v1  }
0x9f: {  	(xrf0) =	vadd.scan.msk.s32 $0xffff, v30;
	_ =	sdelay $0x3  }
0xa0: {  	v31 =	vmpcnt.ones.xlane vm0;
	_ =	sdelay $0x1  }
0xa1: {  	v33 =	vsub.s32 $0x0, v31;
	v32, _, _ =	vpop (xrf0)  }
0xa2: {  	vm7 =	veq.s32 v32, v33  }
0xa3: {  	(xrf1) =	vunique.msk.u32 vm7, v3;
	_ =	sdelay $0xd  }
0xa4: {  	vm9 =	vlt.u32 v3, $0x3B80;
	_, v34, vm8 =	vpop (xrf1)  }
0xa5: {  	vm2 =	vmand vm9, vm8  }
0xa6: {  	vm0 =	vmand vm7, vm2  }
0xa7: {  	v3 =	vnsel vm0, $0x0, v3  }
0xa8: {  	v35 =	vshll.u32 v3, $0x3  }
0xa9: {  	v3 =	vand.u32 $0x7F, v3;
	v6 =	vand.u32 $0xFFFFFC00, v35  }
0xaa: {  	v3 =	vor.u32 v6, v3  }
0xab: {  	v3 =	vor.u32 v2, v3;
	_ =	sdelay $0x2  }
0xac: {  	v5 =	vcvt.s32.f32 v34;
	_ =	sdelay $0x1  }
0xad: {  	[tilespmem:v3+s9+$0x0] =	vst.idx.add.f32.msk vm0, v5  }
0xae: {  	v3 =	vld [tilespmem:s15+$0xFFFFFC20];
	_ =	sdelay $0x4  }
0xaf: {  	vm10 =	veq.s32 v3, $0x0  }
0xb0: {  	v36 =	vsel vm10, $0x1, v1  }
0xb1: {  	(xrf0) =	vadd.scan.msk.s32 $0xffff, v36;
	_ =	sdelay $0x2  }
0xb2: {  	v37 =	vmpcnt.ones.xlane vm6;
	_ =	sdelay $0x1  }
0xb3: {  	v4 =	vadd.s32 v31, v37  }
0xb4: {  	v39 =	vsub.s32 $0x0, v4;
	v38, _, _ =	vpop (xrf0)  }
0xb5: {  	vm11 =	veq.s32 v38, v39  }
0xb6: {  	(xrf1) =	vunique.msk.u32 vm11, v3;
	_ =	sdelay $0xd  }
0xb7: {  	vm13 =	vlt.u32 v3, $0x3B80;
	_, v40, vm12 =	vpop (xrf1)  }
0xb8: {  	vm2 =	vmand vm13, vm12  }
0xb9: {  	vm1 =	vmand vm11, vm2  }
0xba: {  	v3 =	vnsel vm1, $0x0, v3  }
0xbb: {  	v41 =	vshll.u32 v3, $0x3  }
0xbc: {  	v3 =	vand.u32 $0x7F, v3;
	v6 =	vand.u32 $0xFFFFFC00, v41  }
0xbd: {  	v3 =	vor.u32 v6, v3  }
0xbe: {  	v3 =	vor.u32 v2, v3;
	_ =	sdelay $0x2  }
0xbf: {  	v5 =	vcvt.s32.f32 v40;
	_ =	sdelay $0x1  }
0xc0: {  	[tilespmem:v3+s9+$0x0] =	vst.idx.add.f32.msk vm1, v5  }
0xc1: {  	v3 =	vld [tilespmem:s15+$0xFFFFFC30];
	_ =	sdelay $0x4  }
0xc2: {  	vm14 =	veq.s32 v3, $0x0  }
0xc3: {  	v42 =	vsel vm14, $0x1, v1  }
0xc4: {  	(xrf0) =	vadd.scan.msk.s32 $0xffff, v42;
	_ =	sdelay $0x2  }
0xc5: {  	v43 =	vmpcnt.ones.xlane vm10;
	_ =	sdelay $0x1  }
0xc6: {  	v4 =	vadd.s32 v4, v43  }
0xc7: {  	v45 =	vsub.s32 $0x0, v4;
	v44, _, _ =	vpop (xrf0)  }
0xc8: {  	vm15 =	veq.s32 v44, v45  }
0xc9: {  	(xrf1) =	vunique.msk.u32 vm15, v3;
	_ =	sdelay $0xd  }
0xca: {  	vm7 =	vlt.u32 v3, $0x3B80;
	_, v46, vm6 =	vpop (xrf1)  }
0xcb: {  	vm2 =	vmand vm7, vm6  }
0xcc: {  	vm0 =	vmand vm15, vm2  }
0xcd: {  	v3 =	vnsel vm0, $0x0, v3  }
0xce: {  	v47 =	vshll.u32 v3, $0x3  }
0xcf: {  	v3 =	vand.u32 $0x7F, v3;
	v6 =	vand.u32 $0xFFFFFC00, v47  }
0xd0: {  	v3 =	vor.u32 v6, v3  }
0xd1: {  	v3 =	vor.u32 v2, v3;
	_ =	sdelay $0x2  }
0xd2: {  	v5 =	vcvt.s32.f32 v46;
	_ =	sdelay $0x1  }
0xd3: {  	[tilespmem:v3+s9+$0x0] =	vst.idx.add.f32.msk vm0, v5  }
0xd4: {  	v3 =	vld [tilespmem:s15+$0xFFFFFC40];
	_ =	sdelay $0x4  }
0xd5: {  	vm8 =	veq.s32 v3, $0x0  }
0xd6: {  	v48 =	vsel vm8, $0x1, v1  }
0xd7: {  	(xrf0) =	vadd.scan.msk.s32 $0xffff, v48;
	_ =	sdelay $0x2  }
0xd8: {  	v49 =	vmpcnt.ones.xlane vm14;
	_ =	sdelay $0x1  }
0xd9: {  	v4 =	vadd.s32 v4, v49  }
0xda: {  	v51 =	vsub.s32 $0x0, v4;
	v50, _, _ =	vpop (xrf0)  }
0xdb: {  	vm9 =	veq.s32 v50, v51  }
0xdc: {  	(xrf1) =	vunique.msk.u32 vm9, v3;
	_ =	sdelay $0xd  }
0xdd: {  	vm11 =	vlt.u32 v3, $0x3B80;
	_, v52, vm10 =	vpop (xrf1)  }
0xde: {  	vm2 =	vmand vm11, vm10  }
0xdf: {  	vm1 =	vmand vm9, vm2  }
0xe0: {  	v3 =	vnsel vm1, $0x0, v3  }
0xe1: {  	v53 =	vshll.u32 v3, $0x3  }
0xe2: {  	v3 =	vand.u32 $0x7F, v3;
	v6 =	vand.u32 $0xFFFFFC00, v53  }
0xe3: {  	v3 =	vor.u32 v6, v3  }
0xe4: {  	v3 =	vor.u32 v2, v3;
	_ =	sdelay $0x2  }
0xe5: {  	v5 =	vcvt.s32.f32 v52;
	_ =	sdelay $0x1  }
0xe6: {  	[tilespmem:v3+s9+$0x0] =	vst.idx.add.f32.msk vm1, v5  }
0xe7: {  	v3 =	vld [tilespmem:s15+$0xFFFFFC50];
	_ =	sdelay $0x4  }
0xe8: {  	vm12 =	veq.s32 v3, $0x0  }
0xe9: {  	v54 =	vsel vm12, $0x1, v1  }
0xea: {  	(xrf0) =	vadd.scan.msk.s32 $0xffff, v54;
	_ =	sdelay $0x2  }
0xeb: {  	v55 =	vmpcnt.ones.xlane vm8;
	_ =	sdelay $0x1  }
0xec: {  	v4 =	vadd.s32 v4, v55  }
0xed: {  	v57 =	vsub.s32 $0x0, v4;
	v56, _, _ =	vpop (xrf0)  }
0xee: {  	vm13 =	veq.s32 v56, v57  }
0xef: {  	(xrf1) =	vunique.msk.u32 vm13, v3;
	_ =	sdelay $0xd  }
0xf0: {  	vm15 =	vlt.u32 v3, $0x3B80;
	_, v58, vm14 =	vpop (xrf1)  }
0xf1: {  	vm2 =	vmand vm15, vm14  }
0xf2: {  	vm0 =	vmand vm13, vm2  }
0xf3: {  	v3 =	vnsel vm0, $0x0, v3  }
0xf4: {  	v59 =	vshll.u32 v3, $0x3  }
0xf5: {  	v3 =	vand.u32 $0x7F, v3;
	v6 =	vand.u32 $0xFFFFFC00, v59  }
0xf6: {  	v3 =	vor.u32 v6, v3  }
0xf7: {  	v3 =	vor.u32 v2, v3;
	_ =	sdelay $0x2  }
0xf8: {  	v5 =	vcvt.s32.f32 v58;
	_ =	sdelay $0x1  }
0xf9: {  	[tilespmem:v3+s9+$0x0] =	vst.idx.add.f32.msk vm0, v5  }
0xfa: {  	v3 =	vld [tilespmem:s15+$0xFFFFFC60];
	_ =	sdelay $0x4  }
0xfb: {  	vm6 =	veq.s32 v3, $0x0  }
0xfc: {  	v60 =	vsel vm6, $0x1, v1  }
0xfd: {  	(xrf0) =	vadd.scan.msk.s32 $0xffff, v60;
	_ =	sdelay $0x2  }
0xfe: {  	v61 =	vmpcnt.ones.xlane vm12;
	_ =	sdelay $0x1  }
0xff: {  	v4 =	vadd.s32 v4, v61  }
0x100: {  	v63 =	vsub.s32 $0x0, v4;
	v62, _, _ =	vpop (xrf0)  }
0x101: {  	vm7 =	veq.s32 v62, v63  }
0x102: {  	(xrf1) =	vunique.msk.u32 vm7, v3;
	_ =	sdelay $0xd  }
0x103: {  	vm9 =	vlt.u32 v3, $0x3B80;
	_, v9, vm8 =	vpop (xrf1)  }
0x104: {  	vm2 =	vmand vm9, vm8  }
0x105: {  	vm1 =	vmand vm7, vm2  }
0x106: {  	v3 =	vnsel vm1, $0x0, v3  }
0x107: {  	v10 =	vshll.u32 v3, $0x3  }
0x108: {  	v3 =	vand.u32 $0x7F, v3;
	v6 =	vand.u32 $0xFFFFFC00, v10  }
0x109: {  	v3 =	vor.u32 v6, v3  }
0x10a: {  	v3 =	vor.u32 v2, v3;
	_ =	sdelay $0x2  }
0x10b: {  	v5 =	vcvt.s32.f32 v9;
	_ =	sdelay $0x1  }
0x10c: {  	[tilespmem:v3+s9+$0x0] =	vst.idx.add.f32.msk vm1, v5  }
0x10d: {  	v3 =	vld [tilespmem:s15+$0xFFFFFC70];
	_ =	sdelay $0x4  }
0x10e: {  	vm10 =	veq.s32 v3, $0x0  }
0x10f: {  	v11 =	vsel vm10, $0x1, v1  }
0x110: {  	(xrf0) =	vadd.scan.msk.s32 $0xffff, v11;
	_ =	sdelay $0x2  }
0x111: {  	v12 =	vmpcnt.ones.xlane vm6;
	_ =	sdelay $0x1  }
0x112: {  	v4 =	vadd.s32 v4, v12  }
0x113: {  	v14 =	vsub.s32 $0x0, v4;
	v13, _, _ =	vpop (xrf0)  }
0x114: {  	vm11 =	veq.s32 v13, v14  }
0x115: {  	(xrf1) =	vunique.msk.u32 vm11, v3;
	_ =	sdelay $0xd  }
0x116: {  	vm13 =	vlt.u32 v3, $0x3B80;
	_, v15, vm12 =	vpop (xrf1)  }
0x117: {  	vm2 =	vmand vm13, vm12  }
0x118: {  	vm0 =	vmand vm11, vm2  }
0x119: {  	v3 =	vnsel vm0, $0x0, v3  }
0x11a: {  	v16 =	vshll.u32 v3, $0x3  }
0x11b: {  	v3 =	vand.u32 $0x7F, v3;
	v6 =	vand.u32 $0xFFFFFC00, v16  }
0x11c: {  	v3 =	vor.u32 v6, v3  }
0x11d: {  	v3 =	vor.u32 v2, v3;
	_ =	sdelay $0x2  }
0x11e: {  	v5 =	vcvt.s32.f32 v15;
	_ =	sdelay $0x1  }
0x11f: {  	[tilespmem:v3+s9+$0x0] =	vst.idx.add.f32.msk vm0, v5  }
0x120: {  	v3 =	vld [tilespmem:s15+$0x0];
	_ =	sdelay $0x4  }
0x121: {  	vm14 =	veq.s32 v3, $0x0  }
0x122: {  	v17 =	vsel vm14, $0x1, v1  }
0x123: {  	(xrf0) =	vadd.scan.msk.s32 $0xffff, v17;
	_ =	sdelay $0x2  }
0x124: {  	v18 =	vmpcnt.ones.xlane vm10;
	_ =	sdelay $0x1  }
0x125: {  	v4 =	vadd.s32 v4, v18  }
0x126: {  	v20 =	vsub.s32 $0x0, v4;
	v19, _, _ =	vpop (xrf0)  }
0x127: {  	vm15 =	veq.s32 v19, v20  }
0x128: {  	(xrf1) =	vunique.msk.u32 vm15, v3;
	_ =	sdelay $0xd  }
0x129: {  	vm7 =	vlt.u32 v3, $0x3B80;
	_, v21, vm6 =	vpop (xrf1)  }
0x12a: {  	vm2 =	vmand vm7, vm6  }
0x12b: {  	vm1 =	vmand vm15, vm2  }
0x12c: {  	v3 =	vnsel vm1, $0x0, v3  }
0x12d: {  	v22 =	vshll.u32 v3, $0x3  }
0x12e: {  	v3 =	vand.u32 $0x7F, v3;
	v6 =	vand.u32 $0xFFFFFC00, v22  }
0x12f: {  	v3 =	vor.u32 v6, v3  }
0x130: {  	v3 =	vor.u32 v2, v3;
	_ =	sdelay $0x2  }
0x131: {  	v5 =	vcvt.s32.f32 v21;
	_ =	sdelay $0x1  }
0x132: {  	[tilespmem:v3+s9+$0x0] =	vst.idx.add.f32.msk vm1, v5  }
0x133: {  	v3 =	vld [tilespmem:s15+$0x10];
	_ =	sdelay $0x4  }
0x134: {  	vm8 =	veq.s32 v3, $0x0  }
0x135: {  	v23 =	vsel vm8, $0x1, v1  }
0x136: {  	(xrf0) =	vadd.scan.msk.s32 $0xffff, v23;
	_ =	sdelay $0x2  }
0x137: {  	v24 =	vmpcnt.ones.xlane vm14;
	_ =	sdelay $0x1  }
0x138: {  	v4 =	vadd.s32 v4, v24  }
0x139: {  	v26 =	vsub.s32 $0x0, v4;
	v25, _, _ =	vpop (xrf0)  }
0x13a: {  	vm9 =	veq.s32 v25, v26  }
0x13b: {  	(xrf1) =	vunique.msk.u32 vm9, v3;
	_ =	sdelay $0xd  }
0x13c: {  	vm11 =	vlt.u32 v3, $0x3B80;
	_, v27, vm10 =	vpop (xrf1)  }
0x13d: {  	vm2 =	vmand vm11, vm10  }
0x13e: {  	vm0 =	vmand vm9, vm2  }
0x13f: {  	v3 =	vnsel vm0, $0x0, v3  }
0x140: {  	v28 =	vshll.u32 v3, $0x3  }
0x141: {  	v3 =	vand.u32 $0x7F, v3;
	v6 =	vand.u32 $0xFFFFFC00, v28  }
0x142: {  	v3 =	vor.u32 v6, v3  }
0x143: {  	v3 =	vor.u32 v2, v3;
	_ =	sdelay $0x2  }
0x144: {  	v5 =	vcvt.s32.f32 v27;
	_ =	sdelay $0x1  }
0x145: {  	[tilespmem:v3+s9+$0x0] =	vst.idx.add.f32.msk vm0, v5  }
0x146: {  	v3 =	vld [tilespmem:s15+$0x20];
	_ =	sdelay $0x4  }
0x147: {  	vm12 =	veq.s32 v3, $0x0  }
0x148: {  	v29 =	vsel vm12, $0x1, v1  }
0x149: {  	(xrf0) =	vadd.scan.msk.s32 $0xffff, v29;
	_ =	sdelay $0x2  }
0x14a: {  	v30 =	vmpcnt.ones.xlane vm8;
	_ =	sdelay $0x1  }
0x14b: {  	v4 =	vadd.s32 v4, v30  }
0x14c: {  	v32 =	vsub.s32 $0x0, v4;
	v31, _, _ =	vpop (xrf0)  }
0x14d: {  	vm13 =	veq.s32 v31, v32  }
0x14e: {  	(xrf1) =	vunique.msk.u32 vm13, v3;
	_ =	sdelay $0xd  }
0x14f: {  	vm15 =	vlt.u32 v3, $0x3B80;
	_, v33, vm14 =	vpop (xrf1)  }
0x150: {  	vm2 =	vmand vm15, vm14  }
0x151: {  	vm1 =	vmand vm13, vm2  }
0x152: {  	v3 =	vnsel vm1, $0x0, v3  }
0x153: {  	v34 =	vshll.u32 v3, $0x3  }
0x154: {  	v3 =	vand.u32 $0x7F, v3;
	v6 =	vand.u32 $0xFFFFFC00, v34  }
0x155: {  	v3 =	vor.u32 v6, v3  }
0x156: {  	v3 =	vor.u32 v2, v3;
	_ =	sdelay $0x2  }
0x157: {  	v5 =	vcvt.s32.f32 v33;
	_ =	sdelay $0x1  }
0x158: {  	[tilespmem:v3+s9+$0x0] =	vst.idx.add.f32.msk vm1, v5  }
0x159: {  	v3 =	vld [tilespmem:s15+$0x30];
	_ =	sdelay $0x4  }
0x15a: {  	vm6 =	veq.s32 v3, $0x0  }
0x15b: {  	v35 =	vsel vm6, $0x1, v1  }
0x15c: {  	(xrf0) =	vadd.scan.msk.s32 $0xffff, v35;
	_ =	sdelay $0x2  }
0x15d: {  	v36 =	vmpcnt.ones.xlane vm12;
	_ =	sdelay $0x1  }
0x15e: {  	v4 =	vadd.s32 v4, v36  }
0x15f: {  	v38 =	vsub.s32 $0x0, v4;
	v37, _, _ =	vpop (xrf0)  }
0x160: {  	vm7 =	veq.s32 v37, v38  }
0x161: {  	(xrf1) =	vunique.msk.u32 vm7, v3;
	_ =	sdelay $0xd  }
0x162: {  	vm9 =	vlt.u32 v3, $0x3B80;
	_, v39, vm8 =	vpop (xrf1)  }
0x163: {  	vm2 =	vmand vm9, vm8  }
0x164: {  	vm0 =	vmand vm7, vm2  }
0x165: {  	v3 =	vnsel vm0, $0x0, v3  }
0x166: {  	v40 =	vshll.u32 v3, $0x3  }
0x167: {  	v3 =	vand.u32 $0x7F, v3;
	v6 =	vand.u32 $0xFFFFFC00, v40  }
0x168: {  	v3 =	vor.u32 v6, v3  }
0x169: {  	v3 =	vor.u32 v2, v3;
	_ =	sdelay $0x2  }
0x16a: {  	v5 =	vcvt.s32.f32 v39;
	_ =	sdelay $0x1  }
0x16b: {  	[tilespmem:v3+s9+$0x0] =	vst.idx.add.f32.msk vm0, v5  }
0x16c: {  	v3 =	vld [tilespmem:s15+$0x40];
	_ =	sdelay $0x4  }
0x16d: {  	vm10 =	veq.s32 v3, $0x0  }
0x16e: {  	v41 =	vsel vm10, $0x1, v1  }
0x16f: {  	(xrf0) =	vadd.scan.msk.s32 $0xffff, v41;
	_ =	sdelay $0x2  }
0x170: {  	v42 =	vmpcnt.ones.xlane vm6;
	_ =	sdelay $0x1  }
0x171: {  	v4 =	vadd.s32 v4, v42  }
0x172: {  	v44 =	vsub.s32 $0x0, v4;
	v43, _, _ =	vpop (xrf0)  }
0x173: {  	vm11 =	veq.s32 v43, v44  }
0x174: {  	(xrf1) =	vunique.msk.u32 vm11, v3;
	_ =	sdelay $0xd  }
0x175: {  	vm13 =	vlt.u32 v3, $0x3B80;
	_, v45, vm12 =	vpop (xrf1)  }
0x176: {  	vm2 =	vmand vm13, vm12  }
0x177: {  	vm1 =	vmand vm11, vm2  }
0x178: {  	v3 =	vnsel vm1, $0x0, v3  }
0x179: {  	v46 =	vshll.u32 v3, $0x3  }
0x17a: {  	v3 =	vand.u32 $0x7F, v3;
	v6 =	vand.u32 $0xFFFFFC00, v46  }
0x17b: {  	v3 =	vor.u32 v6, v3  }
0x17c: {  	v3 =	vor.u32 v2, v3;
	_ =	sdelay $0x2  }
0x17d: {  	v5 =	vcvt.s32.f32 v45;
	_ =	sdelay $0x1  }
0x17e: {  	[tilespmem:v3+s9+$0x0] =	vst.idx.add.f32.msk vm1, v5  }
0x17f: {  	v3 =	vld [tilespmem:s15+$0x50];
	_ =	sdelay $0x4  }
0x180: {  	vm14 =	veq.s32 v3, $0x0  }
0x181: {  	v47 =	vsel vm14, $0x1, v1  }
0x182: {  	(xrf0) =	vadd.scan.msk.s32 $0xffff, v47;
	_ =	sdelay $0x2  }
0x183: {  	v48 =	vmpcnt.ones.xlane vm10;
	_ =	sdelay $0x1  }
0x184: {  	v4 =	vadd.s32 v4, v48  }
0x185: {  	v50 =	vsub.s32 $0x0, v4;
	v49, _, _ =	vpop (xrf0)  }
0x186: {  	vm15 =	veq.s32 v49, v50  }
0x187: {  	(xrf1) =	vunique.msk.u32 vm15, v3;
	_ =	sdelay $0xd  }
0x188: {  	vm7 =	vlt.u32 v3, $0x3B80;
	_, v51, vm6 =	vpop (xrf1)  }
0x189: {  	vm2 =	vmand vm7, vm6  }
0x18a: {  	vm0 =	vmand vm15, vm2  }
0x18b: {  	v3 =	vnsel vm0, $0x0, v3  }
0x18c: {  	v52 =	vshll.u32 v3, $0x3  }
0x18d: {  	v3 =	vand.u32 $0x7F, v3;
	v6 =	vand.u32 $0xFFFFFC00, v52  }
0x18e: {  	v3 =	vor.u32 v6, v3  }
0x18f: {  	v3 =	vor.u32 v2, v3;
	_ =	sdelay $0x2  }
0x190: {  	v5 =	vcvt.s32.f32 v51;
	_ =	sdelay $0x1  }
0x191: {  	[tilespmem:v3+s9+$0x0] =	vst.idx.add.f32.msk vm0, v5  }
0x192: {  	v3 =	vld [tilespmem:s15+$0x60];
	_ =	sdelay $0x4  }
0x193: {  	vm8 =	veq.s32 v3, $0x0  }
0x194: {  	v53 =	vsel vm8, $0x1, v1  }
0x195: {  	(xrf0) =	vadd.scan.msk.s32 $0xffff, v53;
	_ =	sdelay $0x2  }
0x196: {  	v54 =	vmpcnt.ones.xlane vm14;
	_ =	sdelay $0x1  }
0x197: {  	v4 =	vadd.s32 v4, v54  }
0x198: {  	v56 =	vsub.s32 $0x0, v4;
	v55, _, _ =	vpop (xrf0)  }
0x199: {  	vm9 =	veq.s32 v55, v56  }
0x19a: {  	(xrf1) =	vunique.msk.u32 vm9, v3;
	_ =	sdelay $0xd  }
0x19b: {  	vm11 =	vlt.u32 v3, $0x3B80;
	_, v57, vm10 =	vpop (xrf1)  }
0x19c: {  	vm2 =	vmand vm11, vm10  }
0x19d: {  	vm1 =	vmand vm9, vm2  }
0x19e: {  	v3 =	vnsel vm1, $0x0, v3  }
0x19f: {  	v58 =	vshll.u32 v3, $0x3  }
0x1a0: {  	v3 =	vand.u32 $0x7F, v3;
	v6 =	vand.u32 $0xFFFFFC00, v58  }
0x1a1: {  	v3 =	vor.u32 v6, v3  }
0x1a2: {  	v3 =	vor.u32 v2, v3;
	_ =	sdelay $0x2  }
0x1a3: {  	v5 =	vcvt.s32.f32 v57;
	_ =	sdelay $0x1  }
0x1a4: {  	[tilespmem:v3+s9+$0x0] =	vst.idx.add.f32.msk vm1, v5  }
0x1a5: {  	v3 =	vld [tilespmem:s15+$0x70];
	_ =	sdelay $0x4  }
0x1a6: {  	vm12 =	veq.s32 v3, $0x0  }
0x1a7: {  	v59 =	vsel vm12, $0x1, v1  }
0x1a8: {  	(xrf0) =	vadd.scan.msk.s32 $0xffff, v59;
	_ =	sdelay $0x2  }
0x1a9: {  	v60 =	vmpcnt.ones.xlane vm8;
	_ =	sdelay $0x1  }
0x1aa: {  	v4 =	vadd.s32 v60, v4  }
0x1ab: {  	v4 =	vsub.s32 $0x0, v4;
	v61, _, _ =	vpop (xrf0)  }
0x1ac: {  	vm13 =	veq.s32 v61, v4  }
0x1ad: {  	(xrf1) =	vunique.msk.u32 vm13, v3;
	_ =	sdelay $0xd  }
0x1ae: {  	vm15 =	vlt.u32 v3, $0x3B80;
	_, v62, vm14 =	vpop (xrf1)  }
0x1af: {  	vm1 =	vmand vm15, vm14  }
0x1b0: {  	vm0 =	vmand vm13, vm1  }
0x1b1: {  	v3 =	vnsel vm0, $0x0, v3  }
0x1b2: {  	v63 =	vshll.u32 v3, $0x3  }
0x1b3: {  	v3 =	vand.u32 $0x7F, v3;
	v5 =	vand.u32 $0xFFFFFC00, v63  }
0x1b4: {  	v3 =	vor.u32 v5, v3  }
0x1b5: {  	p0 =	sne.s32 s16, $0x7;
	v2 =	vor.u32 v2, v3  }
.Ltmp8:
0x1b6: {  	_ = 	snop;
	(pc) =	sbr.rel @p0 .LBB2_19-.Ltmp8, $3  }
0x1b7: {  	_ = 	snop  }
0x1b8: {  	v3 =	vcvt.s32.f32 v62;
	_ =	sdelay $0x1  }
0x1b9: {  	s16 =	sadd.s32 $0x1, s16;
	s15 =	sadd.s32 $0x80, s15;
	[tilespmem:v2+s9+$0x0] =	vst.idx.add.f32.msk vm0, v3  }
0x1ba: {  	s15 =	smul.u32 $0x3BC00, s14;
	_ =	sdelay $0x1  }
0x1bb: {  	s15 =	sshrl.u32 s15, $0x3  }
0x1bc: {  	s16 =	simm.s32 $0x0;
	s15 =	sadd.s32 s4, s15  }
0x1bd: {  	[hbm4b:s15+s16] =	stream.linear.scatter [tilespmem:s9], [sflag:$0x1], $0x1DC00, $0x38;
	[tilespmem:$0x1E800] =	vst v63  }
0x1be: {  	_ =	swait.ge [sflag:s8], $0x1DC00  }
0x1bf: {  	s17 =	simm.s32 $0x400;
	[sflag:s8] =	ssyncset.done $0x0  }
0x1c0: {  	s18 =	simm.s32 $0x400;
	s19 =	simm.s32 $0x0;
	[sflag:s8] =	ssyncadd.s32 $0xFFFE2400  }
.LBB2_21:
0x1c1: {  	v2 =	vld [tilespmem:s18+$0xFFFFFC00];
	_ =	sdelay $0x4  }
0x1c2: {  	v3 =	vmov s19;
	vm0 =	vlt.u32 v2, $0x3B80  }
0x1c3: {  	v3 =	vshll.u32 v3, $0x7;
	v2 =	vnsel vm0, $0x0, v2  }
0x1c4: {  	v3 =	vand.u32 $0x380, v3;
	v4 =	vshll.u32 v2, $0x3  }
0x1c5: {  	v5 =	vand.u32 $0x7F, v2;
	v2 =	vbroadcast v3, $0x0;
	v4 =	vand.u32 $0xFFFFFC00, v4  }
0x1c6: {  	v3 =	vor.u32 v4, v5  }
0x1c7: {  	v3 =	vor.u32 v2, v3;
	_ =	sdelay $0x4  }
0x1c8: {  	[tilespmem:v3+s9+$0x0] =	vst.idx.msk vm0, v0  }
0x1c9: {  	v3 =	vld [tilespmem:s18+$0xFFFFFC10];
	_ =	sdelay $0x4  }
0x1ca: {  	vm13 =	vlt.u32 v3, $0x3B80  }
0x1cb: {  	v3 =	vnsel vm13, $0x0, v3  }
0x1cc: {  	v49 =	vshll.u32 v3, $0x3  }
0x1cd: {  	v3 =	vand.u32 $0x7F, v3;
	v4 =	vand.u32 $0xFFFFFC00, v49  }
0x1ce: {  	v3 =	vor.u32 v4, v3  }
0x1cf: {  	v3 =	vor.u32 v2, v3;
	_ =	sdelay $0x4  }
0x1d0: {  	[tilespmem:v3+s9+$0x0] =	vst.idx.msk vm13, v0  }
0x1d1: {  	v3 =	vld [tilespmem:s18+$0xFFFFFC20];
	_ =	sdelay $0x4  }
0x1d2: {  	vm14 =	vlt.u32 v3, $0x3B80  }
0x1d3: {  	v3 =	vnsel vm14, $0x0, v3  }
0x1d4: {  	v50 =	vshll.u32 v3, $0x3  }
0x1d5: {  	v3 =	vand.u32 $0x7F, v3;
	v4 =	vand.u32 $0xFFFFFC00, v50  }
0x1d6: {  	v3 =	vor.u32 v4, v3  }
0x1d7: {  	v3 =	vor.u32 v2, v3;
	_ =	sdelay $0x4  }
0x1d8: {  	[tilespmem:v3+s9+$0x0] =	vst.idx.msk vm14, v0  }
0x1d9: {  	v3 =	vld [tilespmem:s18+$0xFFFFFC30];
	_ =	sdelay $0x4  }
0x1da: {  	vm15 =	vlt.u32 v3, $0x3B80  }
0x1db: {  	v3 =	vnsel vm15, $0x0, v3  }
0x1dc: {  	v51 =	vshll.u32 v3, $0x3  }
0x1dd: {  	v3 =	vand.u32 $0x7F, v3;
	v4 =	vand.u32 $0xFFFFFC00, v51  }
0x1de: {  	v3 =	vor.u32 v4, v3  }
0x1df: {  	v3 =	vor.u32 v2, v3;
	_ =	sdelay $0x4  }
0x1e0: {  	[tilespmem:v3+s9+$0x0] =	vst.idx.msk vm15, v0  }
0x1e1: {  	v3 =	vld [tilespmem:s18+$0xFFFFFC40];
	_ =	sdelay $0x4  }
0x1e2: {  	vm4 =	vlt.u32 v3, $0x3B80  }
0x1e3: {  	v3 =	vnsel vm4, $0x0, v3  }
0x1e4: {  	v52 =	vshll.u32 v3, $0x3  }
0x1e5: {  	v3 =	vand.u32 $0x7F, v3;
	v4 =	vand.u32 $0xFFFFFC00, v52  }
0x1e6: {  	v3 =	vor.u32 v4, v3  }
0x1e7: {  	v3 =	vor.u32 v2, v3;
	_ =	sdelay $0x4  }
0x1e8: {  	[tilespmem:v3+s9+$0x0] =	vst.idx.msk vm4, v0  }
0x1e9: {  	v3 =	vld [tilespmem:s18+$0xFFFFFC50];
	_ =	sdelay $0x4  }
0x1ea: {  	vm5 =	vlt.u32 v3, $0x3B80  }
0x1eb: {  	v3 =	vnsel vm5, $0x0, v3  }
0x1ec: {  	v53 =	vshll.u32 v3, $0x3  }
0x1ed: {  	v3 =	vand.u32 $0x7F, v3;
	v4 =	vand.u32 $0xFFFFFC00, v53  }
0x1ee: {  	v3 =	vor.u32 v4, v3  }
0x1ef: {  	v3 =	vor.u32 v2, v3;
	_ =	sdelay $0x4  }
0x1f0: {  	[tilespmem:v3+s9+$0x0] =	vst.idx.msk vm5, v0  }
0x1f1: {  	v3 =	vld [tilespmem:s18+$0xFFFFFC60];
	_ =	sdelay $0x4  }
0x1f2: {  	vm6 =	vlt.u32 v3, $0x3B80  }
0x1f3: {  	v3 =	vnsel vm6, $0x0, v3  }
0x1f4: {  	v54 =	vshll.u32 v3, $0x3  }
0x1f5: {  	v3 =	vand.u32 $0x7F, v3;
	v4 =	vand.u32 $0xFFFFFC00, v54  }
0x1f6: {  	v3 =	vor.u32 v4, v3  }
0x1f7: {  	v3 =	vor.u32 v2, v3;
	_ =	sdelay $0x4  }
0x1f8: {  	[tilespmem:v3+s9+$0x0] =	vst.idx.msk vm6, v0  }
0x1f9: {  	v3 =	vld [tilespmem:s18+$0xFFFFFC70];
	_ =	sdelay $0x4  }
0x1fa: {  	vm7 =	vlt.u32 v3, $0x3B80  }
0x1fb: {  	v3 =	vnsel vm7, $0x0, v3  }
0x1fc: {  	v55 =	vshll.u32 v3, $0x3  }
0x1fd: {  	v3 =	vand.u32 $0x7F, v3;
	v4 =	vand.u32 $0xFFFFFC00, v55  }
0x1fe: {  	v3 =	vor.u32 v4, v3  }
0x1ff: {  	v3 =	vor.u32 v2, v3;
	_ =	sdelay $0x4  }
0x200: {  	[tilespmem:v3+s9+$0x0] =	vst.idx.msk vm7, v0  }
0x201: {  	v3 =	vld [tilespmem:s18+$0x0];
	_ =	sdelay $0x4  }
0x202: {  	vm8 =	vlt.u32 v3, $0x3B80  }
0x203: {  	v3 =	vnsel vm8, $0x0, v3  }
0x204: {  	v56 =	vshll.u32 v3, $0x3  }
0x205: {  	v3 =	vand.u32 $0x7F, v3;
	v4 =	vand.u32 $0xFFFFFC00, v56  }
0x206: {  	v3 =	vor.u32 v4, v3  }
0x207: {  	v3 =	vor.u32 v2, v3;
	_ =	sdelay $0x4  }
0x208: {  	[tilespmem:v3+s9+$0x0] =	vst.idx.msk vm8, v0  }
0x209: {  	v3 =	vld [tilespmem:s18+$0x10];
	_ =	sdelay $0x4  }
0x20a: {  	vm9 =	vlt.u32 v3, $0x3B80  }
0x20b: {  	v3 =	vnsel vm9, $0x0, v3  }
0x20c: {  	v57 =	vshll.u32 v3, $0x3  }
0x20d: {  	v3 =	vand.u32 $0x7F, v3;
	v4 =	vand.u32 $0xFFFFFC00, v57  }
0x20e: {  	v3 =	vor.u32 v4, v3  }
0x20f: {  	v3 =	vor.u32 v2, v3;
	_ =	sdelay $0x4  }
0x210: {  	[tilespmem:v3+s9+$0x0] =	vst.idx.msk vm9, v0  }
0x211: {  	v3 =	vld [tilespmem:s18+$0x20];
	_ =	sdelay $0x4  }
0x212: {  	vm10 =	vlt.u32 v3, $0x3B80  }
0x213: {  	v3 =	vnsel vm10, $0x0, v3  }
0x214: {  	v58 =	vshll.u32 v3, $0x3  }
0x215: {  	v3 =	vand.u32 $0x7F, v3;
	v4 =	vand.u32 $0xFFFFFC00, v58  }
0x216: {  	v3 =	vor.u32 v4, v3  }
0x217: {  	v3 =	vor.u32 v2, v3;
	_ =	sdelay $0x4  }
0x218: {  	[tilespmem:v3+s9+$0x0] =	vst.idx.msk vm10, v0  }
0x219: {  	v3 =	vld [tilespmem:s18+$0x30];
	_ =	sdelay $0x4  }
0x21a: {  	vm11 =	vlt.u32 v3, $0x3B80  }
0x21b: {  	v3 =	vnsel vm11, $0x0, v3  }
0x21c: {  	v59 =	vshll.u32 v3, $0x3  }
0x21d: {  	v3 =	vand.u32 $0x7F, v3;
	v4 =	vand.u32 $0xFFFFFC00, v59  }
0x21e: {  	v3 =	vor.u32 v4, v3  }
0x21f: {  	v3 =	vor.u32 v2, v3;
	_ =	sdelay $0x4  }
0x220: {  	[tilespmem:v3+s9+$0x0] =	vst.idx.msk vm11, v0  }
0x221: {  	v3 =	vld [tilespmem:s18+$0x40];
	_ =	sdelay $0x4  }
0x222: {  	vm12 =	vlt.u32 v3, $0x3B80  }
0x223: {  	v3 =	vnsel vm12, $0x0, v3  }
0x224: {  	v60 =	vshll.u32 v3, $0x3  }
0x225: {  	v3 =	vand.u32 $0x7F, v3;
	v4 =	vand.u32 $0xFFFFFC00, v60  }
0x226: {  	v3 =	vor.u32 v4, v3  }
0x227: {  	v3 =	vor.u32 v2, v3;
	_ =	sdelay $0x4  }
0x228: {  	[tilespmem:v3+s9+$0x0] =	vst.idx.msk vm12, v0  }
0x229: {  	v3 =	vld [tilespmem:s18+$0x50];
	_ =	sdelay $0x4  }
0x22a: {  	vm13 =	vlt.u32 v3, $0x3B80  }
0x22b: {  	v3 =	vnsel vm13, $0x0, v3  }
0x22c: {  	v61 =	vshll.u32 v3, $0x3  }
0x22d: {  	v3 =	vand.u32 $0x7F, v3;
	v4 =	vand.u32 $0xFFFFFC00, v61  }
0x22e: {  	v3 =	vor.u32 v4, v3  }
0x22f: {  	v3 =	vor.u32 v2, v3;
	_ =	sdelay $0x4  }
0x230: {  	[tilespmem:v3+s9+$0x0] =	vst.idx.msk vm13, v0  }
0x231: {  	v3 =	vld [tilespmem:s18+$0x60];
	_ =	sdelay $0x4  }
0x232: {  	vm14 =	vlt.u32 v3, $0x3B80  }
0x233: {  	v3 =	vnsel vm14, $0x0, v3  }
0x234: {  	v62 =	vshll.u32 v3, $0x3  }
0x235: {  	v3 =	vand.u32 $0x7F, v3;
	v4 =	vand.u32 $0xFFFFFC00, v62  }
0x236: {  	v3 =	vor.u32 v4, v3  }
0x237: {  	v3 =	vor.u32 v2, v3;
	_ =	sdelay $0x4  }
0x238: {  	[tilespmem:v3+s9+$0x0] =	vst.idx.msk vm14, v0  }
0x239: {  	v3 =	vld [tilespmem:s18+$0x70];
	_ =	sdelay $0x4  }
0x23a: {  	vm15 =	vlt.u32 v3, $0x3B80  }
0x23b: {  	v3 =	vnsel vm15, $0x0, v3  }
0x23c: {  	v63 =	vshll.u32 v3, $0x3  }
0x23d: {  	v3 =	vand.u32 $0x7F, v3;
	v4 =	vand.u32 $0xFFFFFC00, v63  }
0x23e: {  	v3 =	vor.u32 v4, v3  }
0x23f: {  	p0 =	sne.s32 s19, $0x7;
	v2 =	vor.u32 v2, v3  }
.Ltmp9:
0x240: {  	_ = 	snop;
	(pc) =	sbr.rel @p0 .LBB2_21-.Ltmp9, $2  }
0x241: {  	_ =	sdelay $0x2  }
0x242: {  	s19 =	sadd.s32 $0x1, s19;
	s18 =	sadd.s32 $0x80, s18;
	[tilespmem:v2+s9+$0x0] =	vst.idx.msk vm15, v0  }
.LBB2_22:
0x243: {  	v2 =	vld [tilespmem:s17+$0xFFFFFC00];
	_ =	sdelay $0x4  }
0x244: {  	vm0 =	veq.s32 v2, $0x0  }
0x245: {  	v3 =	vsel vm0, $0x1, v1  }
0x246: {  	(xrf0) =	vadd.scan.msk.s32 $0xffff, v3;
	_ =	sdelay $0x5  }
0x247: {  	v3, _, _ =	vpop (xrf0)  }
0x248: {  	vm1 =	veq.s32 v3, $0x0  }
0x249: {  	(xrf1) =	vunique.msk.u32 vm1, v2;
	_ =	sdelay $0xd  }
0x24a: {  	v4 =	vadd.s32 $0xFFFFC480, v2;
	_, v3, vm2 =	vpop (xrf1)  }
0x24b: {  	v5 =	vmov s16;
	vm10 =	vlt.u32 v4, $0x3B80;
	vm1 =	vmand vm1, vm2  }
0x24c: {  	v5 =	vshll.u32 v5, $0x7;
	vm2 =	vmand vm10, vm1  }
0x24d: {  	vm3 =	vgt.s32 v2, $0x76FF;
	v7 =	vadd.s32 $0xFFFF8900, v2;
	v4 =	vnsel vm2, $0x0, v4  }
0x24e: {  	vm1 =	vmand vm3, vm1;
	v6 =	vand.u32 $0x7F, v4;
	v4 =	vshll.u32 v4, $0x3  }
0x24f: {  	v2 =	vbroadcast v5, $0x0;
	v54 =	vnsel vm1, $0x0, v7;
	v4 =	vand.u32 $0xFFFFFC00, v4  }
0x250: {  	v55 =	vand.u32 $0xFFFFFF80, v54;
	v4 =	vor.u32 v4, v6  }
0x251: {  	v5 =	vand.u32 $0x7F, v54;
	v6 =	vadd.s32 v2, v55;
	v4 =	vor.u32 v2, v4  }
0x252: {  	v5 =	vor.u32 v5, v6;
	_ =	sdelay $0x1  }
0x253: {  	v3 =	vcvt.s32.f32 v3;
	_ =	sdelay $0x1  }
0x254: {  	[tilespmem:v4+s9+$0x0] =	vst.idx.add.f32.msk vm2, v3  }
0x255: {  	[tilespmem:v5+s10+$0x0] =	vst.idx.add.f32.msk vm1, v3  }
0x256: {  	v3 =	vld [tilespmem:s17+$0xFFFFFC10];
	_ =	sdelay $0x4  }
0x257: {  	vm11 =	veq.s32 v3, $0x0  }
0x258: {  	v56 =	vsel vm11, $0x1, v1  }
0x259: {  	(xrf0) =	vadd.scan.msk.s32 $0xffff, v56;
	_ =	sdelay $0x3  }
0x25a: {  	v57 =	vmpcnt.ones.xlane vm0;
	_ =	sdelay $0x1  }
0x25b: {  	v59 =	vsub.s32 $0x0, v57;
	v58, _, _ =	vpop (xrf0)  }
0x25c: {  	vm12 =	veq.s32 v58, v59  }
0x25d: {  	(xrf1) =	vunique.msk.u32 vm12, v3;
	_ =	sdelay $0xd  }
0x25e: {  	v61 =	vadd.s32 $0xFFFFC480, v3;
	_, v60, vm13 =	vpop (xrf1)  }
0x25f: {  	vm14 =	vlt.u32 v61, $0x3B80;
	vm0 =	vmand vm12, vm13  }
0x260: {  	vm2 =	vmand vm14, vm0  }
0x261: {  	vm15 =	vgt.s32 v3, $0x76FF;
	v6 =	vnsel vm2, $0x0, v61  }
0x262: {  	v3 =	vadd.s32 $0xFFFF8900, v3;
	vm0 =	vmand vm15, vm0;
	v62 =	vshll.u32 v6, $0x3  }
0x263: {  	v3 =	vnsel vm0, $0x0, v3;
	v6 =	vand.u32 $0x7F, v6;
	v7 =	vand.u32 $0xFFFFFC00, v62  }
0x264: {  	v63 =	vand.u32 $0xFFFFFF80, v3;
	v6 =	vor.u32 v7, v6  }
0x265: {  	v3 =	vand.u32 $0x7F, v3;
	v7 =	vadd.s32 v2, v63;
	v6 =	vor.u32 v2, v6  }
0x266: {  	v3 =	vor.u32 v3, v7;
	_ =	sdelay $0x1  }
0x267: {  	v5 =	vcvt.s32.f32 v60;
	_ =	sdelay $0x1  }
0x268: {  	[tilespmem:v6+s9+$0x0] =	vst.idx.add.f32.msk vm2, v5  }
0x269: {  	[tilespmem:v3+s10+$0x0] =	vst.idx.add.f32.msk vm0, v5  }
0x26a: {  	v3 =	vld [tilespmem:s17+$0xFFFFFC20];
	_ =	sdelay $0x4  }
0x26b: {  	vm6 =	veq.s32 v3, $0x0  }
0x26c: {  	v8 =	vsel vm6, $0x1, v1  }
0x26d: {  	(xrf0) =	vadd.scan.msk.s32 $0xffff, v8;
	_ =	sdelay $0x2  }
0x26e: {  	v9 =	vmpcnt.ones.xlane vm11;
	_ =	sdelay $0x1  }
0x26f: {  	v4 =	vadd.s32 v57, v9  }
0x270: {  	v11 =	vsub.s32 $0x0, v4;
	v10, _, _ =	vpop (xrf0)  }
0x271: {  	vm7 =	veq.s32 v10, v11  }
0x272: {  	(xrf1) =	vunique.msk.u32 vm7, v3;
	_ =	sdelay $0xd  }
0x273: {  	v13 =	vadd.s32 $0xFFFFC480, v3;
	_, v12, vm8 =	vpop (xrf1)  }
0x274: {  	vm9 =	vlt.u32 v13, $0x3B80;
	vm1 =	vmand vm7, vm8  }
0x275: {  	vm2 =	vmand vm9, vm1  }
0x276: {  	vm10 =	vgt.s32 v3, $0x76FF;
	v6 =	vnsel vm2, $0x0, v13  }
0x277: {  	v3 =	vadd.s32 $0xFFFF8900, v3;
	vm1 =	vmand vm10, vm1;
	v14 =	vshll.u32 v6, $0x3  }
0x278: {  	v3 =	vnsel vm1, $0x0, v3;
	v6 =	vand.u32 $0x7F, v6;
	v7 =	vand.u32 $0xFFFFFC00, v14  }
0x279: {  	v15 =	vand.u32 $0xFFFFFF80, v3;
	v6 =	vor.u32 v7, v6  }
0x27a: {  	v3 =	vand.u32 $0x7F, v3;
	v7 =	vadd.s32 v2, v15;
	v6 =	vor.u32 v2, v6  }
0x27b: {  	v3 =	vor.u32 v3, v7;
	_ =	sdelay $0x1  }
0x27c: {  	v5 =	vcvt.s32.f32 v12;
	_ =	sdelay $0x1  }
0x27d: {  	[tilespmem:v6+s9+$0x0] =	vst.idx.add.f32.msk vm2, v5  }
0x27e: {  	[tilespmem:v3+s10+$0x0] =	vst.idx.add.f32.msk vm1, v5  }
0x27f: {  	v3 =	vld [tilespmem:s17+$0xFFFFFC30];
	_ =	sdelay $0x4  }
0x280: {  	vm11 =	veq.s32 v3, $0x0  }
0x281: {  	v16 =	vsel vm11, $0x1, v1  }
0x282: {  	(xrf0) =	vadd.scan.msk.s32 $0xffff, v16;
	_ =	sdelay $0x2  }
0x283: {  	v17 =	vmpcnt.ones.xlane vm6;
	_ =	sdelay $0x1  }
0x284: {  	v4 =	vadd.s32 v4, v17  }
0x285: {  	v19 =	vsub.s32 $0x0, v4;
	v18, _, _ =	vpop (xrf0)  }
0x286: {  	vm12 =	veq.s32 v18, v19  }
0x287: {  	(xrf1) =	vunique.msk.u32 vm12, v3;
	_ =	sdelay $0xd  }
0x288: {  	v21 =	vadd.s32 $0xFFFFC480, v3;
	_, v20, vm13 =	vpop (xrf1)  }
0x289: {  	vm14 =	vlt.u32 v21, $0x3B80;
	vm0 =	vmand vm12, vm13  }
0x28a: {  	vm2 =	vmand vm14, vm0  }
0x28b: {  	vm15 =	vgt.s32 v3, $0x76FF;
	v6 =	vnsel vm2, $0x0, v21  }
0x28c: {  	v3 =	vadd.s32 $0xFFFF8900, v3;
	vm0 =	vmand vm15, vm0;
	v22 =	vshll.u32 v6, $0x3  }
0x28d: {  	v3 =	vnsel vm0, $0x0, v3;
	v6 =	vand.u32 $0x7F, v6;
	v7 =	vand.u32 $0xFFFFFC00, v22  }
0x28e: {  	v23 =	vand.u32 $0xFFFFFF80, v3;
	v6 =	vor.u32 v7, v6  }
0x28f: {  	v3 =	vand.u32 $0x7F, v3;
	v7 =	vadd.s32 v2, v23;
	v6 =	vor.u32 v2, v6  }
0x290: {  	v3 =	vor.u32 v3, v7;
	_ =	sdelay $0x1  }
0x291: {  	v5 =	vcvt.s32.f32 v20;
	_ =	sdelay $0x1  }
0x292: {  	[tilespmem:v6+s9+$0x0] =	vst.idx.add.f32.msk vm2, v5  }
0x293: {  	[tilespmem:v3+s10+$0x0] =	vst.idx.add.f32.msk vm0, v5  }
0x294: {  	v3 =	vld [tilespmem:s17+$0xFFFFFC40];
	_ =	sdelay $0x4  }
0x295: {  	vm6 =	veq.s32 v3, $0x0  }
0x296: {  	v24 =	vsel vm6, $0x1, v1  }
0x297: {  	(xrf0) =	vadd.scan.msk.s32 $0xffff, v24;
	_ =	sdelay $0x2  }
0x298: {  	v25 =	vmpcnt.ones.xlane vm11;
	_ =	sdelay $0x1  }
0x299: {  	v4 =	vadd.s32 v4, v25  }
0x29a: {  	v27 =	vsub.s32 $0x0, v4;
	v26, _, _ =	vpop (xrf0)  }
0x29b: {  	vm7 =	veq.s32 v26, v27  }
0x29c: {  	(xrf1) =	vunique.msk.u32 vm7, v3;
	_ =	sdelay $0xd  }
0x29d: {  	v29 =	vadd.s32 $0xFFFFC480, v3;
	_, v28, vm8 =	vpop (xrf1)  }
0x29e: {  	vm9 =	vlt.u32 v29, $0x3B80;
	vm1 =	vmand vm7, vm8  }
0x29f: {  	vm2 =	vmand vm9, vm1  }
0x2a0: {  	vm10 =	vgt.s32 v3, $0x76FF;
	v6 =	vnsel vm2, $0x0, v29  }
0x2a1: {  	v3 =	vadd.s32 $0xFFFF8900, v3;
	vm1 =	vmand vm10, vm1;
	v30 =	vshll.u32 v6, $0x3  }
0x2a2: {  	v3 =	vnsel vm1, $0x0, v3;
	v6 =	vand.u32 $0x7F, v6;
	v7 =	vand.u32 $0xFFFFFC00, v30  }
0x2a3: {  	v31 =	vand.u32 $0xFFFFFF80, v3;
	v6 =	vor.u32 v7, v6  }
0x2a4: {  	v3 =	vand.u32 $0x7F, v3;
	v7 =	vadd.s32 v2, v31;
	v6 =	vor.u32 v2, v6  }
0x2a5: {  	v3 =	vor.u32 v3, v7;
	_ =	sdelay $0x1  }
0x2a6: {  	v5 =	vcvt.s32.f32 v28;
	_ =	sdelay $0x1  }
0x2a7: {  	[tilespmem:v6+s9+$0x0] =	vst.idx.add.f32.msk vm2, v5  }
0x2a8: {  	[tilespmem:v3+s10+$0x0] =	vst.idx.add.f32.msk vm1, v5  }
0x2a9: {  	v3 =	vld [tilespmem:s17+$0xFFFFFC50];
	_ =	sdelay $0x4  }
0x2aa: {  	vm11 =	veq.s32 v3, $0x0  }
0x2ab: {  	v32 =	vsel vm11, $0x1, v1  }
0x2ac: {  	(xrf0) =	vadd.scan.msk.s32 $0xffff, v32;
	_ =	sdelay $0x2  }
0x2ad: {  	v33 =	vmpcnt.ones.xlane vm6;
	_ =	sdelay $0x1  }
0x2ae: {  	v4 =	vadd.s32 v4, v33  }
0x2af: {  	v35 =	vsub.s32 $0x0, v4;
	v34, _, _ =	vpop (xrf0)  }
0x2b0: {  	vm12 =	veq.s32 v34, v35  }
0x2b1: {  	(xrf1) =	vunique.msk.u32 vm12, v3;
	_ =	sdelay $0xd  }
0x2b2: {  	v37 =	vadd.s32 $0xFFFFC480, v3;
	_, v36, vm13 =	vpop (xrf1)  }
0x2b3: {  	vm14 =	vlt.u32 v37, $0x3B80;
	vm0 =	vmand vm12, vm13  }
0x2b4: {  	vm2 =	vmand vm14, vm0  }
0x2b5: {  	vm15 =	vgt.s32 v3, $0x76FF;
	v6 =	vnsel vm2, $0x0, v37  }
0x2b6: {  	v3 =	vadd.s32 $0xFFFF8900, v3;
	vm0 =	vmand vm15, vm0;
	v38 =	vshll.u32 v6, $0x3  }
0x2b7: {  	v3 =	vnsel vm0, $0x0, v3;
	v6 =	vand.u32 $0x7F, v6;
	v7 =	vand.u32 $0xFFFFFC00, v38  }
0x2b8: {  	v39 =	vand.u32 $0xFFFFFF80, v3;
	v6 =	vor.u32 v7, v6  }
0x2b9: {  	v3 =	vand.u32 $0x7F, v3;
	v7 =	vadd.s32 v2, v39;
	v6 =	vor.u32 v2, v6  }
0x2ba: {  	v3 =	vor.u32 v3, v7;
	_ =	sdelay $0x1  }
0x2bb: {  	v5 =	vcvt.s32.f32 v36;
	_ =	sdelay $0x1  }
0x2bc: {  	[tilespmem:v6+s9+$0x0] =	vst.idx.add.f32.msk vm2, v5  }
0x2bd: {  	[tilespmem:v3+s10+$0x0] =	vst.idx.add.f32.msk vm0, v5  }
0x2be: {  	v3 =	vld [tilespmem:s17+$0xFFFFFC60];
	_ =	sdelay $0x4  }
0x2bf: {  	vm6 =	veq.s32 v3, $0x0  }
0x2c0: {  	v40 =	vsel vm6, $0x1, v1  }
0x2c1: {  	(xrf0) =	vadd.scan.msk.s32 $0xffff, v40;
	_ =	sdelay $0x2  }
0x2c2: {  	v41 =	vmpcnt.ones.xlane vm11;
	_ =	sdelay $0x1  }
0x2c3: {  	v4 =	vadd.s32 v4, v41  }
0x2c4: {  	v43 =	vsub.s32 $0x0, v4;
	v42, _, _ =	vpop (xrf0)  }
0x2c5: {  	vm7 =	veq.s32 v42, v43  }
0x2c6: {  	(xrf1) =	vunique.msk.u32 vm7, v3;
	_ =	sdelay $0xd  }
0x2c7: {  	v45 =	vadd.s32 $0xFFFFC480, v3;
	_, v44, vm8 =	vpop (xrf1)  }
0x2c8: {  	vm9 =	vlt.u32 v45, $0x3B80;
	vm1 =	vmand vm7, vm8  }
0x2c9: {  	vm2 =	vmand vm9, vm1  }
0x2ca: {  	vm10 =	vgt.s32 v3, $0x76FF;
	v6 =	vnsel vm2, $0x0, v45  }
0x2cb: {  	v3 =	vadd.s32 $0xFFFF8900, v3;
	vm1 =	vmand vm10, vm1;
	v46 =	vshll.u32 v6, $0x3  }
0x2cc: {  	v3 =	vnsel vm1, $0x0, v3;
	v6 =	vand.u32 $0x7F, v6;
	v7 =	vand.u32 $0xFFFFFC00, v46  }
0x2cd: {  	v47 =	vand.u32 $0xFFFFFF80, v3;
	v6 =	vor.u32 v7, v6  }
0x2ce: {  	v3 =	vand.u32 $0x7F, v3;
	v7 =	vadd.s32 v2, v47;
	v6 =	vor.u32 v2, v6  }
0x2cf: {  	v3 =	vor.u32 v3, v7;
	_ =	sdelay $0x1  }
0x2d0: {  	v5 =	vcvt.s32.f32 v44;
	_ =	sdelay $0x1  }
0x2d1: {  	[tilespmem:v6+s9+$0x0] =	vst.idx.add.f32.msk vm2, v5  }
0x2d2: {  	[tilespmem:v3+s10+$0x0] =	vst.idx.add.f32.msk vm1, v5  }
0x2d3: {  	v3 =	vld [tilespmem:s17+$0xFFFFFC70];
	_ =	sdelay $0x4  }
0x2d4: {  	vm11 =	veq.s32 v3, $0x0  }
0x2d5: {  	v48 =	vsel vm11, $0x1, v1  }
0x2d6: {  	(xrf0) =	vadd.scan.msk.s32 $0xffff, v48;
	_ =	sdelay $0x2  }
0x2d7: {  	v49 =	vmpcnt.ones.xlane vm6;
	_ =	sdelay $0x1  }
0x2d8: {  	v4 =	vadd.s32 v4, v49  }
0x2d9: {  	v51 =	vsub.s32 $0x0, v4;
	v50, _, _ =	vpop (xrf0)  }
0x2da: {  	vm12 =	veq.s32 v50, v51  }
0x2db: {  	(xrf1) =	vunique.msk.u32 vm12, v3;
	_ =	sdelay $0xd  }
0x2dc: {  	v53 =	vadd.s32 $0xFFFFC480, v3;
	_, v52, vm13 =	vpop (xrf1)  }
0x2dd: {  	vm14 =	vlt.u32 v53, $0x3B80;
	vm0 =	vmand vm12, vm13  }
0x2de: {  	vm2 =	vmand vm14, vm0  }
0x2df: {  	vm15 =	vgt.s32 v3, $0x76FF;
	v6 =	vnsel vm2, $0x0, v53  }
0x2e0: {  	v3 =	vadd.s32 $0xFFFF8900, v3;
	vm0 =	vmand vm15, vm0;
	v54 =	vshll.u32 v6, $0x3  }
0x2e1: {  	v3 =	vnsel vm0, $0x0, v3;
	v6 =	vand.u32 $0x7F, v6;
	v7 =	vand.u32 $0xFFFFFC00, v54  }
0x2e2: {  	v55 =	vand.u32 $0xFFFFFF80, v3;
	v6 =	vor.u32 v7, v6  }
0x2e3: {  	v3 =	vand.u32 $0x7F, v3;
	v7 =	vadd.s32 v2, v55;
	v6 =	vor.u32 v2, v6  }
0x2e4: {  	v3 =	vor.u32 v3, v7;
	_ =	sdelay $0x1  }
0x2e5: {  	v5 =	vcvt.s32.f32 v52;
	_ =	sdelay $0x1  }
0x2e6: {  	[tilespmem:v6+s9+$0x0] =	vst.idx.add.f32.msk vm2, v5  }
0x2e7: {  	[tilespmem:v3+s10+$0x0] =	vst.idx.add.f32.msk vm0, v5  }
0x2e8: {  	v3 =	vld [tilespmem:s17+$0x0];
	_ =	sdelay $0x4  }
0x2e9: {  	vm6 =	veq.s32 v3, $0x0  }
0x2ea: {  	v56 =	vsel vm6, $0x1, v1  }
0x2eb: {  	(xrf0) =	vadd.scan.msk.s32 $0xffff, v56;
	_ =	sdelay $0x2  }
0x2ec: {  	v57 =	vmpcnt.ones.xlane vm11;
	_ =	sdelay $0x1  }
0x2ed: {  	v4 =	vadd.s32 v4, v57  }
0x2ee: {  	v59 =	vsub.s32 $0x0, v4;
	v58, _, _ =	vpop (xrf0)  }
0x2ef: {  	vm7 =	veq.s32 v58, v59  }
0x2f0: {  	(xrf1) =	vunique.msk.u32 vm7, v3;
	_ =	sdelay $0xd  }
0x2f1: {  	v61 =	vadd.s32 $0xFFFFC480, v3;
	_, v60, vm8 =	vpop (xrf1)  }
0x2f2: {  	vm9 =	vlt.u32 v61, $0x3B80;
	vm1 =	vmand vm7, vm8  }
0x2f3: {  	vm2 =	vmand vm9, vm1  }
0x2f4: {  	vm10 =	vgt.s32 v3, $0x76FF;
	v6 =	vnsel vm2, $0x0, v61  }
0x2f5: {  	v3 =	vadd.s32 $0xFFFF8900, v3;
	vm1 =	vmand vm10, vm1;
	v62 =	vshll.u32 v6, $0x3  }
0x2f6: {  	v3 =	vnsel vm1, $0x0, v3;
	v6 =	vand.u32 $0x7F, v6;
	v7 =	vand.u32 $0xFFFFFC00, v62  }
0x2f7: {  	v63 =	vand.u32 $0xFFFFFF80, v3;
	v6 =	vor.u32 v7, v6  }
0x2f8: {  	v3 =	vand.u32 $0x7F, v3;
	v7 =	vadd.s32 v2, v63;
	v6 =	vor.u32 v2, v6  }
0x2f9: {  	v3 =	vor.u32 v3, v7;
	_ =	sdelay $0x1  }
0x2fa: {  	v5 =	vcvt.s32.f32 v60;
	_ =	sdelay $0x1  }
0x2fb: {  	[tilespmem:v6+s9+$0x0] =	vst.idx.add.f32.msk vm2, v5  }
0x2fc: {  	[tilespmem:v3+s10+$0x0] =	vst.idx.add.f32.msk vm1, v5  }
0x2fd: {  	v3 =	vld [tilespmem:s17+$0x10];
	_ =	sdelay $0x4  }
0x2fe: {  	vm11 =	veq.s32 v3, $0x0  }
0x2ff: {  	v9 =	vsel vm11, $0x1, v1  }
0x300: {  	(xrf0) =	vadd.scan.msk.s32 $0xffff, v9;
	_ =	sdelay $0x2  }
0x301: {  	v10 =	vmpcnt.ones.xlane vm6;
	_ =	sdelay $0x1  }
0x302: {  	v4 =	vadd.s32 v4, v10  }
0x303: {  	v12 =	vsub.s32 $0x0, v4;
	v11, _, _ =	vpop (xrf0)  }
0x304: {  	vm12 =	veq.s32 v11, v12  }
0x305: {  	(xrf1) =	vunique.msk.u32 vm12, v3;
	_ =	sdelay $0xd  }
0x306: {  	v14 =	vadd.s32 $0xFFFFC480, v3;
	_, v13, vm13 =	vpop (xrf1)  }
0x307: {  	vm14 =	vlt.u32 v14, $0x3B80;
	vm0 =	vmand vm12, vm13  }
0x308: {  	vm2 =	vmand vm14, vm0  }
0x309: {  	vm15 =	vgt.s32 v3, $0x76FF;
	v6 =	vnsel vm2, $0x0, v14  }
0x30a: {  	v3 =	vadd.s32 $0xFFFF8900, v3;
	vm0 =	vmand vm15, vm0;
	v15 =	vshll.u32 v6, $0x3  }
0x30b: {  	v3 =	vnsel vm0, $0x0, v3;
	v6 =	vand.u32 $0x7F, v6;
	v7 =	vand.u32 $0xFFFFFC00, v15  }
0x30c: {  	v16 =	vand.u32 $0xFFFFFF80, v3;
	v6 =	vor.u32 v7, v6  }
0x30d: {  	v3 =	vand.u32 $0x7F, v3;
	v7 =	vadd.s32 v2, v16;
	v6 =	vor.u32 v2, v6  }
0x30e: {  	v3 =	vor.u32 v3, v7;
	_ =	sdelay $0x1  }
0x30f: {  	v5 =	vcvt.s32.f32 v13;
	_ =	sdelay $0x1  }
0x310: {  	[tilespmem:v6+s9+$0x0] =	vst.idx.add.f32.msk vm2, v5  }
0x311: {  	[tilespmem:v3+s10+$0x0] =	vst.idx.add.f32.msk vm0, v5  }
0x312: {  	v3 =	vld [tilespmem:s17+$0x20];
	_ =	sdelay $0x4  }
0x313: {  	vm6 =	veq.s32 v3, $0x0  }
0x314: {  	v17 =	vsel vm6, $0x1, v1  }
0x315: {  	(xrf0) =	vadd.scan.msk.s32 $0xffff, v17;
	_ =	sdelay $0x2  }
0x316: {  	v18 =	vmpcnt.ones.xlane vm11;
	_ =	sdelay $0x1  }
0x317: {  	v4 =	vadd.s32 v4, v18  }
0x318: {  	v20 =	vsub.s32 $0x0, v4;
	v19, _, _ =	vpop (xrf0)  }
0x319: {  	vm7 =	veq.s32 v19, v20  }
0x31a: {  	(xrf1) =	vunique.msk.u32 vm7, v3;
	_ =	sdelay $0xd  }
0x31b: {  	v22 =	vadd.s32 $0xFFFFC480, v3;
	_, v21, vm8 =	vpop (xrf1)  }
0x31c: {  	vm9 =	vlt.u32 v22, $0x3B80;
	vm1 =	vmand vm7, vm8  }
0x31d: {  	vm2 =	vmand vm9, vm1  }
0x31e: {  	vm10 =	vgt.s32 v3, $0x76FF;
	v6 =	vnsel vm2, $0x0, v22  }
0x31f: {  	v3 =	vadd.s32 $0xFFFF8900, v3;
	vm1 =	vmand vm10, vm1;
	v23 =	vshll.u32 v6, $0x3  }
0x320: {  	v3 =	vnsel vm1, $0x0, v3;
	v6 =	vand.u32 $0x7F, v6;
	v7 =	vand.u32 $0xFFFFFC00, v23  }
0x321: {  	v24 =	vand.u32 $0xFFFFFF80, v3;
	v6 =	vor.u32 v7, v6  }
0x322: {  	v3 =	vand.u32 $0x7F, v3;
	v7 =	vadd.s32 v2, v24;
	v6 =	vor.u32 v2, v6  }
0x323: {  	v3 =	vor.u32 v3, v7;
	_ =	sdelay $0x1  }
0x324: {  	v5 =	vcvt.s32.f32 v21;
	_ =	sdelay $0x1  }
0x325: {  	[tilespmem:v6+s9+$0x0] =	vst.idx.add.f32.msk vm2, v5  }
0x326: {  	[tilespmem:v3+s10+$0x0] =	vst.idx.add.f32.msk vm1, v5  }
0x327: {  	v3 =	vld [tilespmem:s17+$0x30];
	_ =	sdelay $0x4  }
0x328: {  	vm11 =	veq.s32 v3, $0x0  }
0x329: {  	v25 =	vsel vm11, $0x1, v1  }
0x32a: {  	(xrf0) =	vadd.scan.msk.s32 $0xffff, v25;
	_ =	sdelay $0x2  }
0x32b: {  	v26 =	vmpcnt.ones.xlane vm6;
	_ =	sdelay $0x1  }
0x32c: {  	v4 =	vadd.s32 v4, v26  }
0x32d: {  	v28 =	vsub.s32 $0x0, v4;
	v27, _, _ =	vpop (xrf0)  }
0x32e: {  	vm12 =	veq.s32 v27, v28  }
0x32f: {  	(xrf1) =	vunique.msk.u32 vm12, v3;
	_ =	sdelay $0xd  }
0x330: {  	v30 =	vadd.s32 $0xFFFFC480, v3;
	_, v29, vm13 =	vpop (xrf1)  }
0x331: {  	vm14 =	vlt.u32 v30, $0x3B80;
	vm0 =	vmand vm12, vm13  }
0x332: {  	vm2 =	vmand vm14, vm0  }
0x333: {  	vm15 =	vgt.s32 v3, $0x76FF;
	v6 =	vnsel vm2, $0x0, v30  }
0x334: {  	v3 =	vadd.s32 $0xFFFF8900, v3;
	vm0 =	vmand vm15, vm0;
	v31 =	vshll.u32 v6, $0x3  }
0x335: {  	v3 =	vnsel vm0, $0x0, v3;
	v6 =	vand.u32 $0x7F, v6;
	v7 =	vand.u32 $0xFFFFFC00, v31  }
0x336: {  	v32 =	vand.u32 $0xFFFFFF80, v3;
	v6 =	vor.u32 v7, v6  }
0x337: {  	v3 =	vand.u32 $0x7F, v3;
	v7 =	vadd.s32 v2, v32;
	v6 =	vor.u32 v2, v6  }
0x338: {  	v3 =	vor.u32 v3, v7;
	_ =	sdelay $0x1  }
0x339: {  	v5 =	vcvt.s32.f32 v29;
	_ =	sdelay $0x1  }
0x33a: {  	[tilespmem:v6+s9+$0x0] =	vst.idx.add.f32.msk vm2, v5  }
0x33b: {  	[tilespmem:v3+s10+$0x0] =	vst.idx.add.f32.msk vm0, v5  }
0x33c: {  	v3 =	vld [tilespmem:s17+$0x40];
	_ =	sdelay $0x4  }
0x33d: {  	vm6 =	veq.s32 v3, $0x0  }
0x33e: {  	v33 =	vsel vm6, $0x1, v1  }
0x33f: {  	(xrf0) =	vadd.scan.msk.s32 $0xffff, v33;
	_ =	sdelay $0x2  }
0x340: {  	v34 =	vmpcnt.ones.xlane vm11;
	_ =	sdelay $0x1  }
0x341: {  	v4 =	vadd.s32 v4, v34  }
0x342: {  	v36 =	vsub.s32 $0x0, v4;
	v35, _, _ =	vpop (xrf0)  }
0x343: {  	vm7 =	veq.s32 v35, v36  }
0x344: {  	(xrf1) =	vunique.msk.u32 vm7, v3;
	_ =	sdelay $0xd  }
0x345: {  	v38 =	vadd.s32 $0xFFFFC480, v3;
	_, v37, vm8 =	vpop (xrf1)  }
0x346: {  	vm9 =	vlt.u32 v38, $0x3B80;
	vm1 =	vmand vm7, vm8  }
0x347: {  	vm2 =	vmand vm9, vm1  }
0x348: {  	vm10 =	vgt.s32 v3, $0x76FF;
	v6 =	vnsel vm2, $0x0, v38  }
0x349: {  	v3 =	vadd.s32 $0xFFFF8900, v3;
	vm1 =	vmand vm10, vm1;
	v39 =	vshll.u32 v6, $0x3  }
0x34a: {  	v3 =	vnsel vm1, $0x0, v3;
	v6 =	vand.u32 $0x7F, v6;
	v7 =	vand.u32 $0xFFFFFC00, v39  }
0x34b: {  	v40 =	vand.u32 $0xFFFFFF80, v3;
	v6 =	vor.u32 v7, v6  }
0x34c: {  	v3 =	vand.u32 $0x7F, v3;
	v7 =	vadd.s32 v2, v40;
	v6 =	vor.u32 v2, v6  }
0x34d: {  	v3 =	vor.u32 v3, v7;
	_ =	sdelay $0x1  }
0x34e: {  	v5 =	vcvt.s32.f32 v37;
	_ =	sdelay $0x1  }
0x34f: {  	[tilespmem:v6+s9+$0x0] =	vst.idx.add.f32.msk vm2, v5  }
0x350: {  	[tilespmem:v3+s10+$0x0] =	vst.idx.add.f32.msk vm1, v5  }
0x351: {  	v3 =	vld [tilespmem:s17+$0x50];
	_ =	sdelay $0x4  }
0x352: {  	vm11 =	veq.s32 v3, $0x0  }
0x353: {  	v41 =	vsel vm11, $0x1, v1  }
0x354: {  	(xrf0) =	vadd.scan.msk.s32 $0xffff, v41;
	_ =	sdelay $0x2  }
0x355: {  	v42 =	vmpcnt.ones.xlane vm6;
	_ =	sdelay $0x1  }
0x356: {  	v4 =	vadd.s32 v4, v42  }
0x357: {  	v44 =	vsub.s32 $0x0, v4;
	v43, _, _ =	vpop (xrf0)  }
0x358: {  	vm12 =	veq.s32 v43, v44  }
0x359: {  	(xrf1) =	vunique.msk.u32 vm12, v3;
	_ =	sdelay $0xd  }
0x35a: {  	v46 =	vadd.s32 $0xFFFFC480, v3;
	_, v45, vm13 =	vpop (xrf1)  }
0x35b: {  	vm14 =	vlt.u32 v46, $0x3B80;
	vm0 =	vmand vm12, vm13  }
0x35c: {  	vm2 =	vmand vm14, vm0  }
0x35d: {  	vm15 =	vgt.s32 v3, $0x76FF;
	v6 =	vnsel vm2, $0x0, v46  }
0x35e: {  	v3 =	vadd.s32 $0xFFFF8900, v3;
	vm0 =	vmand vm15, vm0;
	v47 =	vshll.u32 v6, $0x3  }
0x35f: {  	v3 =	vnsel vm0, $0x0, v3;
	v6 =	vand.u32 $0x7F, v6;
	v7 =	vand.u32 $0xFFFFFC00, v47  }
0x360: {  	v48 =	vand.u32 $0xFFFFFF80, v3;
	v6 =	vor.u32 v7, v6  }
0x361: {  	v3 =	vand.u32 $0x7F, v3;
	v7 =	vadd.s32 v2, v48;
	v6 =	vor.u32 v2, v6  }
0x362: {  	v3 =	vor.u32 v3, v7;
	_ =	sdelay $0x1  }
0x363: {  	v5 =	vcvt.s32.f32 v45;
	_ =	sdelay $0x1  }
0x364: {  	[tilespmem:v6+s9+$0x0] =	vst.idx.add.f32.msk vm2, v5  }
0x365: {  	[tilespmem:v3+s10+$0x0] =	vst.idx.add.f32.msk vm0, v5  }
0x366: {  	v3 =	vld [tilespmem:s17+$0x60];
	_ =	sdelay $0x4  }
0x367: {  	vm6 =	veq.s32 v3, $0x0  }
0x368: {  	v49 =	vsel vm6, $0x1, v1  }
0x369: {  	(xrf0) =	vadd.scan.msk.s32 $0xffff, v49;
	_ =	sdelay $0x2  }
0x36a: {  	v50 =	vmpcnt.ones.xlane vm11;
	_ =	sdelay $0x1  }
0x36b: {  	v4 =	vadd.s32 v4, v50  }
0x36c: {  	v52 =	vsub.s32 $0x0, v4;
	v51, _, _ =	vpop (xrf0)  }
0x36d: {  	vm7 =	veq.s32 v51, v52  }
0x36e: {  	(xrf1) =	vunique.msk.u32 vm7, v3;
	_ =	sdelay $0xd  }
0x36f: {  	v54 =	vadd.s32 $0xFFFFC480, v3;
	_, v53, vm8 =	vpop (xrf1)  }
0x370: {  	vm9 =	vlt.u32 v54, $0x3B80;
	vm1 =	vmand vm7, vm8  }
0x371: {  	vm2 =	vmand vm9, vm1  }
0x372: {  	vm10 =	vgt.s32 v3, $0x76FF;
	v6 =	vnsel vm2, $0x0, v54  }
0x373: {  	v3 =	vadd.s32 $0xFFFF8900, v3;
	vm1 =	vmand vm10, vm1;
	v55 =	vshll.u32 v6, $0x3  }
0x374: {  	v3 =	vnsel vm1, $0x0, v3;
	v6 =	vand.u32 $0x7F, v6;
	v7 =	vand.u32 $0xFFFFFC00, v55  }
0x375: {  	v56 =	vand.u32 $0xFFFFFF80, v3;
	v6 =	vor.u32 v7, v6  }
0x376: {  	v3 =	vand.u32 $0x7F, v3;
	v7 =	vadd.s32 v2, v56;
	v6 =	vor.u32 v2, v6  }
0x377: {  	v3 =	vor.u32 v3, v7;
	_ =	sdelay $0x1  }
0x378: {  	v5 =	vcvt.s32.f32 v53;
	_ =	sdelay $0x1  }
0x379: {  	[tilespmem:v6+s9+$0x0] =	vst.idx.add.f32.msk vm2, v5  }
0x37a: {  	[tilespmem:v3+s10+$0x0] =	vst.idx.add.f32.msk vm1, v5  }
0x37b: {  	v3 =	vld [tilespmem:s17+$0x70];
	_ =	sdelay $0x4  }
0x37c: {  	vm11 =	veq.s32 v3, $0x0  }
0x37d: {  	v57 =	vsel vm11, $0x1, v1  }
0x37e: {  	(xrf0) =	vadd.scan.msk.s32 $0xffff, v57;
	_ =	sdelay $0x2  }
0x37f: {  	v58 =	vmpcnt.ones.xlane vm6;
	_ =	sdelay $0x1  }
0x380: {  	v4 =	vadd.s32 v58, v4  }
0x381: {  	v4 =	vsub.s32 $0x0, v4;
	v59, _, _ =	vpop (xrf0)  }
0x382: {  	vm12 =	veq.s32 v59, v4  }
0x383: {  	(xrf1) =	vunique.msk.u32 vm12, v3;
	_ =	sdelay $0xd  }
0x384: {  	v61 =	vadd.s32 $0xFFFFC480, v3;
	_, v60, vm13 =	vpop (xrf1)  }
0x385: {  	vm14 =	vlt.u32 v61, $0x3B80;
	vm0 =	vmand vm12, vm13  }
0x386: {  	vm1 =	vmand vm14, vm0  }
0x387: {  	vm15 =	vgt.s32 v3, $0x76FF;
	v5 =	vnsel vm1, $0x0, v61  }
0x388: {  	v3 =	vadd.s32 $0xFFFF8900, v3;
	vm0 =	vmand vm15, vm0;
	v62 =	vshll.u32 v5, $0x3  }
0x389: {  	v3 =	vnsel vm0, $0x0, v3;
	v5 =	vand.u32 $0x7F, v5;
	v6 =	vand.u32 $0xFFFFFC00, v62  }
0x38a: {  	v63 =	vand.u32 $0xFFFFFF80, v3;
	v5 =	vor.u32 v6, v5  }
0x38b: {  	v3 =	vand.u32 $0x7F, v3;
	v5 =	vor.u32 v2, v5;
	v2 =	vadd.s32 v2, v63  }
0x38c: {  	p0 =	sne.s32 s16, $0x7;
	v2 =	vor.u32 v3, v2  }
.Ltmp10:
0x38d: {  	_ = 	snop;
	(pc) =	sbr.rel @p0 .LBB2_22-.Ltmp10, $3  }
0x38e: {  	v3 =	vcvt.s32.f32 v60;
	_ =	sdelay $0x1  }
0x38f: {  	[tilespmem:v5+s9+$0x0] =	vst.idx.add.f32.msk vm1, v3  }
0x390: {  	s16 =	sadd.s32 $0x1, s16;
	s17 =	sadd.s32 $0x80, s17;
	[tilespmem:v2+s10+$0x0] =	vst.idx.add.f32.msk vm0, v3  }
0x391: {  	s16 =	sadd.s32 $0x3B80, s15;
	s15 =	simm.s32 $0x0  }
0x392: {  	[hbm4b:s16+s15] =	stream.linear.scatter [tilespmem:s9], [sflag:$0x1], $0x1DC00, $0x38;
	[tilespmem:$0x1E800] =	vst v63  }
0x393: {  	_ =	swait.ge [sflag:s8], $0x1DC00  }
0x394: {  	[sflag:s8] =	ssyncset.done $0x0  }
0x395: {  	s16 =	simm.s32 $0x400;
	[sflag:s8] =	ssyncadd.s32 $0xFFFE2400  }
.LBB2_24:
0x396: {  	v2 =	vld [tilespmem:s16+$0xFFFFFC00];
	_ =	sdelay $0x4  }
0x397: {  	v2 =	vadd.s32 $0xFFFFC480, v2  }
0x398: {  	v3 =	vmov s15;
	vm0 =	vlt.u32 v2, $0x3B80  }
0x399: {  	v3 =	vshll.u32 v3, $0x7;
	v2 =	vnsel vm0, $0x0, v2  }
0x39a: {  	v3 =	vand.u32 $0x380, v3;
	v4 =	vshll.u32 v2, $0x3  }
0x39b: {  	v5 =	vand.u32 $0x7F, v2;
	v2 =	vbroadcast v3, $0x0;
	v4 =	vand.u32 $0xFFFFFC00, v4  }
0x39c: {  	v3 =	vor.u32 v4, v5  }
0x39d: {  	v3 =	vor.u32 v2, v3;
	_ =	sdelay $0x4  }
0x39e: {  	[tilespmem:v3+s9+$0x0] =	vst.idx.msk vm0, v0  }
0x39f: {  	v3 =	vld [tilespmem:s16+$0xFFFFFC10];
	_ =	sdelay $0x4  }
0x3a0: {  	v3 =	vadd.s32 $0xFFFFC480, v3  }
0x3a1: {  	vm13 =	vlt.u32 v3, $0x3B80  }
0x3a2: {  	v3 =	vnsel vm13, $0x0, v3  }
0x3a3: {  	v49 =	vshll.u32 v3, $0x3  }
0x3a4: {  	v3 =	vand.u32 $0x7F, v3;
	v4 =	vand.u32 $0xFFFFFC00, v49  }
0x3a5: {  	v3 =	vor.u32 v4, v3  }
0x3a6: {  	v3 =	vor.u32 v2, v3;
	_ =	sdelay $0x4  }
0x3a7: {  	[tilespmem:v3+s9+$0x0] =	vst.idx.msk vm13, v0  }
0x3a8: {  	v3 =	vld [tilespmem:s16+$0xFFFFFC20];
	_ =	sdelay $0x4  }
0x3a9: {  	v3 =	vadd.s32 $0xFFFFC480, v3  }
0x3aa: {  	vm14 =	vlt.u32 v3, $0x3B80  }
0x3ab: {  	v3 =	vnsel vm14, $0x0, v3  }
0x3ac: {  	v50 =	vshll.u32 v3, $0x3  }
0x3ad: {  	v3 =	vand.u32 $0x7F, v3;
	v4 =	vand.u32 $0xFFFFFC00, v50  }
0x3ae: {  	v3 =	vor.u32 v4, v3  }
0x3af: {  	v3 =	vor.u32 v2, v3;
	_ =	sdelay $0x4  }
0x3b0: {  	[tilespmem:v3+s9+$0x0] =	vst.idx.msk vm14, v0  }
0x3b1: {  	v3 =	vld [tilespmem:s16+$0xFFFFFC30];
	_ =	sdelay $0x4  }
0x3b2: {  	v3 =	vadd.s32 $0xFFFFC480, v3  }
0x3b3: {  	vm15 =	vlt.u32 v3, $0x3B80  }
0x3b4: {  	v3 =	vnsel vm15, $0x0, v3  }
0x3b5: {  	v51 =	vshll.u32 v3, $0x3  }
0x3b6: {  	v3 =	vand.u32 $0x7F, v3;
	v4 =	vand.u32 $0xFFFFFC00, v51  }
0x3b7: {  	v3 =	vor.u32 v4, v3  }
0x3b8: {  	v3 =	vor.u32 v2, v3;
	_ =	sdelay $0x4  }
0x3b9: {  	[tilespmem:v3+s9+$0x0] =	vst.idx.msk vm15, v0  }
0x3ba: {  	v3 =	vld [tilespmem:s16+$0xFFFFFC40];
	_ =	sdelay $0x4  }
0x3bb: {  	v3 =	vadd.s32 $0xFFFFC480, v3  }
0x3bc: {  	vm4 =	vlt.u32 v3, $0x3B80  }
0x3bd: {  	v3 =	vnsel vm4, $0x0, v3  }
0x3be: {  	v52 =	vshll.u32 v3, $0x3  }
0x3bf: {  	v3 =	vand.u32 $0x7F, v3;
	v4 =	vand.u32 $0xFFFFFC00, v52  }
0x3c0: {  	v3 =	vor.u32 v4, v3  }
0x3c1: {  	v3 =	vor.u32 v2, v3;
	_ =	sdelay $0x4  }
0x3c2: {  	[tilespmem:v3+s9+$0x0] =	vst.idx.msk vm4, v0  }
0x3c3: {  	v3 =	vld [tilespmem:s16+$0xFFFFFC50];
	_ =	sdelay $0x4  }
0x3c4: {  	v3 =	vadd.s32 $0xFFFFC480, v3  }
0x3c5: {  	vm5 =	vlt.u32 v3, $0x3B80  }
0x3c6: {  	v3 =	vnsel vm5, $0x0, v3  }
0x3c7: {  	v53 =	vshll.u32 v3, $0x3  }
0x3c8: {  	v3 =	vand.u32 $0x7F, v3;
	v4 =	vand.u32 $0xFFFFFC00, v53  }
0x3c9: {  	v3 =	vor.u32 v4, v3  }
0x3ca: {  	v3 =	vor.u32 v2, v3;
	_ =	sdelay $0x4  }
0x3cb: {  	[tilespmem:v3+s9+$0x0] =	vst.idx.msk vm5, v0  }
0x3cc: {  	v3 =	vld [tilespmem:s16+$0xFFFFFC60];
	_ =	sdelay $0x4  }
0x3cd: {  	v3 =	vadd.s32 $0xFFFFC480, v3  }
0x3ce: {  	vm6 =	vlt.u32 v3, $0x3B80  }
0x3cf: {  	v3 =	vnsel vm6, $0x0, v3  }
0x3d0: {  	v54 =	vshll.u32 v3, $0x3  }
0x3d1: {  	v3 =	vand.u32 $0x7F, v3;
	v4 =	vand.u32 $0xFFFFFC00, v54  }
0x3d2: {  	v3 =	vor.u32 v4, v3  }
0x3d3: {  	v3 =	vor.u32 v2, v3;
	_ =	sdelay $0x4  }
0x3d4: {  	[tilespmem:v3+s9+$0x0] =	vst.idx.msk vm6, v0  }
0x3d5: {  	v3 =	vld [tilespmem:s16+$0xFFFFFC70];
	_ =	sdelay $0x4  }
0x3d6: {  	v3 =	vadd.s32 $0xFFFFC480, v3  }
0x3d7: {  	vm7 =	vlt.u32 v3, $0x3B80  }
0x3d8: {  	v3 =	vnsel vm7, $0x0, v3  }
0x3d9: {  	v55 =	vshll.u32 v3, $0x3  }
0x3da: {  	v3 =	vand.u32 $0x7F, v3;
	v4 =	vand.u32 $0xFFFFFC00, v55  }
0x3db: {  	v3 =	vor.u32 v4, v3  }
0x3dc: {  	v3 =	vor.u32 v2, v3;
	_ =	sdelay $0x4  }
0x3dd: {  	[tilespmem:v3+s9+$0x0] =	vst.idx.msk vm7, v0  }
0x3de: {  	v3 =	vld [tilespmem:s16+$0x0];
	_ =	sdelay $0x4  }
0x3df: {  	v3 =	vadd.s32 $0xFFFFC480, v3  }
0x3e0: {  	vm8 =	vlt.u32 v3, $0x3B80  }
0x3e1: {  	v3 =	vnsel vm8, $0x0, v3  }
0x3e2: {  	v56 =	vshll.u32 v3, $0x3  }
0x3e3: {  	v3 =	vand.u32 $0x7F, v3;
	v4 =	vand.u32 $0xFFFFFC00, v56  }
0x3e4: {  	v3 =	vor.u32 v4, v3  }
0x3e5: {  	v3 =	vor.u32 v2, v3;
	_ =	sdelay $0x4  }
0x3e6: {  	[tilespmem:v3+s9+$0x0] =	vst.idx.msk vm8, v0  }
0x3e7: {  	v3 =	vld [tilespmem:s16+$0x10];
	_ =	sdelay $0x4  }
0x3e8: {  	v3 =	vadd.s32 $0xFFFFC480, v3  }
0x3e9: {  	vm9 =	vlt.u32 v3, $0x3B80  }
0x3ea: {  	v3 =	vnsel vm9, $0x0, v3  }
0x3eb: {  	v57 =	vshll.u32 v3, $0x3  }
0x3ec: {  	v3 =	vand.u32 $0x7F, v3;
	v4 =	vand.u32 $0xFFFFFC00, v57  }
0x3ed: {  	v3 =	vor.u32 v4, v3  }
0x3ee: {  	v3 =	vor.u32 v2, v3;
	_ =	sdelay $0x4  }
0x3ef: {  	[tilespmem:v3+s9+$0x0] =	vst.idx.msk vm9, v0  }
0x3f0: {  	v3 =	vld [tilespmem:s16+$0x20];
	_ =	sdelay $0x4  }
0x3f1: {  	v3 =	vadd.s32 $0xFFFFC480, v3  }
0x3f2: {  	vm10 =	vlt.u32 v3, $0x3B80  }
0x3f3: {  	v3 =	vnsel vm10, $0x0, v3  }
0x3f4: {  	v58 =	vshll.u32 v3, $0x3  }
0x3f5: {  	v3 =	vand.u32 $0x7F, v3;
	v4 =	vand.u32 $0xFFFFFC00, v58  }
0x3f6: {  	v3 =	vor.u32 v4, v3  }
0x3f7: {  	v3 =	vor.u32 v2, v3;
	_ =	sdelay $0x4  }
0x3f8: {  	[tilespmem:v3+s9+$0x0] =	vst.idx.msk vm10, v0  }
0x3f9: {  	v3 =	vld [tilespmem:s16+$0x30];
	_ =	sdelay $0x4  }
0x3fa: {  	v3 =	vadd.s32 $0xFFFFC480, v3  }
0x3fb: {  	vm11 =	vlt.u32 v3, $0x3B80  }
0x3fc: {  	v3 =	vnsel vm11, $0x0, v3  }
0x3fd: {  	v59 =	vshll.u32 v3, $0x3  }
0x3fe: {  	v3 =	vand.u32 $0x7F, v3;
	v4 =	vand.u32 $0xFFFFFC00, v59  }
0x3ff: {  	v3 =	vor.u32 v4, v3  }
0x400: {  	v3 =	vor.u32 v2, v3;
	_ =	sdelay $0x4  }
0x401: {  	[tilespmem:v3+s9+$0x0] =	vst.idx.msk vm11, v0  }
0x402: {  	v3 =	vld [tilespmem:s16+$0x40];
	_ =	sdelay $0x4  }
0x403: {  	v3 =	vadd.s32 $0xFFFFC480, v3  }
0x404: {  	vm12 =	vlt.u32 v3, $0x3B80  }
0x405: {  	v3 =	vnsel vm12, $0x0, v3  }
0x406: {  	v60 =	vshll.u32 v3, $0x3  }
0x407: {  	v3 =	vand.u32 $0x7F, v3;
	v4 =	vand.u32 $0xFFFFFC00, v60  }
0x408: {  	v3 =	vor.u32 v4, v3  }
0x409: {  	v3 =	vor.u32 v2, v3;
	_ =	sdelay $0x4  }
0x40a: {  	[tilespmem:v3+s9+$0x0] =	vst.idx.msk vm12, v0  }
0x40b: {  	v3 =	vld [tilespmem:s16+$0x50];
	_ =	sdelay $0x4  }
0x40c: {  	v3 =	vadd.s32 $0xFFFFC480, v3  }
0x40d: {  	vm13 =	vlt.u32 v3, $0x3B80  }
0x40e: {  	v3 =	vnsel vm13, $0x0, v3  }
0x40f: {  	v61 =	vshll.u32 v3, $0x3  }
0x410: {  	v3 =	vand.u32 $0x7F, v3;
	v4 =	vand.u32 $0xFFFFFC00, v61  }
0x411: {  	v3 =	vor.u32 v4, v3  }
0x412: {  	v3 =	vor.u32 v2, v3;
	_ =	sdelay $0x4  }
0x413: {  	[tilespmem:v3+s9+$0x0] =	vst.idx.msk vm13, v0  }
0x414: {  	v3 =	vld [tilespmem:s16+$0x60];
	_ =	sdelay $0x4  }
0x415: {  	v3 =	vadd.s32 $0xFFFFC480, v3  }
0x416: {  	vm14 =	vlt.u32 v3, $0x3B80  }
0x417: {  	v3 =	vnsel vm14, $0x0, v3  }
0x418: {  	v62 =	vshll.u32 v3, $0x3  }
0x419: {  	v3 =	vand.u32 $0x7F, v3;
	v4 =	vand.u32 $0xFFFFFC00, v62  }
0x41a: {  	v3 =	vor.u32 v4, v3  }
0x41b: {  	v3 =	vor.u32 v2, v3;
	_ =	sdelay $0x4  }
0x41c: {  	[tilespmem:v3+s9+$0x0] =	vst.idx.msk vm14, v0  }
0x41d: {  	v3 =	vld [tilespmem:s16+$0x70];
	_ =	sdelay $0x4  }
0x41e: {  	v3 =	vadd.s32 $0xFFFFC480, v3  }
0x41f: {  	vm15 =	vlt.u32 v3, $0x3B80  }
0x420: {  	v3 =	vnsel vm15, $0x0, v3  }
0x421: {  	v63 =	vshll.u32 v3, $0x3  }
0x422: {  	v3 =	vand.u32 $0x7F, v3;
	v4 =	vand.u32 $0xFFFFFC00, v63  }
0x423: {  	v3 =	vor.u32 v4, v3  }
0x424: {  	p0 =	sne.s32 s15, $0x7;
	v2 =	vor.u32 v2, v3  }
.Ltmp11:
0x425: {  	_ = 	snop;
	(pc) =	sbr.rel @p0 .LBB2_24-.Ltmp11, $2  }
0x426: {  	_ =	sdelay $0x2  }
0x427: {  	s15 =	sadd.s32 $0x1, s15;
	s16 =	sadd.s32 $0x80, s16;
	[tilespmem:v2+s9+$0x0] =	vst.idx.msk vm15, v0  }
0x428: {  	s14 =	sshll.u32 s14, $0x7  }
0x429: {  	s15 =	sadd.s32 s5, s14;
	s14 =	simm.s32 $0x0  }
0x42a: {  	[hbm4b:s15+s14] =	stream.linear.scatter [tilespmem:s10], [sflag:$0x1], $0x400, $0x38;
	[tilespmem:$0x1E800] =	vst v63  }
0x42b: {  	_ =	swait.ge [sflag:s8], $0x400  }
0x42c: {  	[sflag:s8] =	ssyncset.done $0x0  }
0x42d: {  	s15 =	simm.s32 $0x400;
	[sflag:s8] =	ssyncadd.s32 $0xFFFFFC00  }
.LBB2_26:
0x42e: {  	v3 =	vld [tilespmem:s15+$0xFFFFFC00];
	_ =	sdelay $0x2  }
0x42f: {  	s16 =	sshll.u32 s14, $0x7  }
0x430: {  	v2 =	vmov s16  }
0x431: {  	v2 =	vadd.s32 $0xFFFF8900, v2;
	vm0 =	vgt.s32 v3, $0x7700  }
0x432: {  	v2 =	vbroadcast v2, $0x0;
	v4 =	vnsel vm0, $0x7700, v3  }
0x433: {  	v5 =	vand.u32 $0x7FFFFF80, v4  }
0x434: {  	vm9 =	vgt.s32 v3, $0x76FF;
	v3 =	vand.u32 $0x7F, v4;
	v19 =	vadd.s32 v5, v2  }
0x435: {  	v3 =	vor.u32 v3, v19;
	_ =	sdelay $0x4  }
0x436: {  	[tilespmem:v3+s10+$0x0] =	vst.idx.msk vm9, v0  }
0x437: {  	v3 =	vld [tilespmem:s15+$0xFFFFFC10];
	_ =	sdelay $0x4  }
0x438: {  	vm10 =	vgt.s32 v3, $0x7700  }
0x439: {  	v20 =	vnsel vm10, $0x7700, v3  }
0x43a: {  	v21 =	vand.u32 $0x7FFFFF80, v20  }
0x43b: {  	vm11 =	vgt.s32 v3, $0x76FF;
	v3 =	vand.u32 $0x7F, v20;
	v22 =	vadd.s32 v21, v2  }
0x43c: {  	v3 =	vor.u32 v3, v22;
	_ =	sdelay $0x4  }
0x43d: {  	[tilespmem:v3+s10+$0x0] =	vst.idx.msk vm11, v0  }
0x43e: {  	v3 =	vld [tilespmem:s15+$0xFFFFFC20];
	_ =	sdelay $0x4  }
0x43f: {  	vm12 =	vgt.s32 v3, $0x7700  }
0x440: {  	v23 =	vnsel vm12, $0x7700, v3  }
0x441: {  	v24 =	vand.u32 $0x7FFFFF80, v23  }
0x442: {  	vm13 =	vgt.s32 v3, $0x76FF;
	v3 =	vand.u32 $0x7F, v23;
	v25 =	vadd.s32 v24, v2  }
0x443: {  	v3 =	vor.u32 v3, v25;
	_ =	sdelay $0x4  }
0x444: {  	[tilespmem:v3+s10+$0x0] =	vst.idx.msk vm13, v0  }
0x445: {  	v3 =	vld [tilespmem:s15+$0xFFFFFC30];
	_ =	sdelay $0x4  }
0x446: {  	vm14 =	vgt.s32 v3, $0x7700  }
0x447: {  	v26 =	vnsel vm14, $0x7700, v3  }
0x448: {  	v27 =	vand.u32 $0x7FFFFF80, v26  }
0x449: {  	vm15 =	vgt.s32 v3, $0x76FF;
	v3 =	vand.u32 $0x7F, v26;
	v28 =	vadd.s32 v27, v2  }
0x44a: {  	v3 =	vor.u32 v3, v28;
	_ =	sdelay $0x4  }
0x44b: {  	[tilespmem:v3+s10+$0x0] =	vst.idx.msk vm15, v0  }
0x44c: {  	v3 =	vld [tilespmem:s15+$0xFFFFFC40];
	_ =	sdelay $0x4  }
0x44d: {  	vm4 =	vgt.s32 v3, $0x7700  }
0x44e: {  	v29 =	vnsel vm4, $0x7700, v3  }
0x44f: {  	v30 =	vand.u32 $0x7FFFFF80, v29  }
0x450: {  	vm5 =	vgt.s32 v3, $0x76FF;
	v3 =	vand.u32 $0x7F, v29;
	v31 =	vadd.s32 v30, v2  }
0x451: {  	v3 =	vor.u32 v3, v31;
	_ =	sdelay $0x4  }
0x452: {  	[tilespmem:v3+s10+$0x0] =	vst.idx.msk vm5, v0  }
0x453: {  	v3 =	vld [tilespmem:s15+$0xFFFFFC50];
	_ =	sdelay $0x4  }
0x454: {  	vm6 =	vgt.s32 v3, $0x7700  }
0x455: {  	v32 =	vnsel vm6, $0x7700, v3  }
0x456: {  	v33 =	vand.u32 $0x7FFFFF80, v32  }
0x457: {  	vm7 =	vgt.s32 v3, $0x76FF;
	v3 =	vand.u32 $0x7F, v32;
	v34 =	vadd.s32 v33, v2  }
0x458: {  	v3 =	vor.u32 v3, v34;
	_ =	sdelay $0x4  }
0x459: {  	[tilespmem:v3+s10+$0x0] =	vst.idx.msk vm7, v0  }
0x45a: {  	v3 =	vld [tilespmem:s15+$0xFFFFFC60];
	_ =	sdelay $0x4  }
0x45b: {  	vm8 =	vgt.s32 v3, $0x7700  }
0x45c: {  	v35 =	vnsel vm8, $0x7700, v3  }
0x45d: {  	v36 =	vand.u32 $0x7FFFFF80, v35  }
0x45e: {  	vm9 =	vgt.s32 v3, $0x76FF;
	v3 =	vand.u32 $0x7F, v35;
	v37 =	vadd.s32 v36, v2  }
0x45f: {  	v3 =	vor.u32 v3, v37;
	_ =	sdelay $0x4  }
0x460: {  	[tilespmem:v3+s10+$0x0] =	vst.idx.msk vm9, v0  }
0x461: {  	v3 =	vld [tilespmem:s15+$0xFFFFFC70];
	_ =	sdelay $0x4  }
0x462: {  	vm10 =	vgt.s32 v3, $0x7700  }
0x463: {  	v38 =	vnsel vm10, $0x7700, v3  }
0x464: {  	v39 =	vand.u32 $0x7FFFFF80, v38  }
0x465: {  	vm11 =	vgt.s32 v3, $0x76FF;
	v3 =	vand.u32 $0x7F, v38;
	v40 =	vadd.s32 v39, v2  }
0x466: {  	v3 =	vor.u32 v3, v40;
	_ =	sdelay $0x4  }
0x467: {  	[tilespmem:v3+s10+$0x0] =	vst.idx.msk vm11, v0  }
0x468: {  	v3 =	vld [tilespmem:s15+$0x0];
	_ =	sdelay $0x4  }
0x469: {  	vm12 =	vgt.s32 v3, $0x7700  }
0x46a: {  	v41 =	vnsel vm12, $0x7700, v3  }
0x46b: {  	v42 =	vand.u32 $0x7FFFFF80, v41  }
0x46c: {  	vm13 =	vgt.s32 v3, $0x76FF;
	v3 =	vand.u32 $0x7F, v41;
	v43 =	vadd.s32 v42, v2  }
0x46d: {  	v3 =	vor.u32 v3, v43;
	_ =	sdelay $0x4  }
0x46e: {  	[tilespmem:v3+s10+$0x0] =	vst.idx.msk vm13, v0  }
0x46f: {  	v3 =	vld [tilespmem:s15+$0x10];
	_ =	sdelay $0x4  }
0x470: {  	vm14 =	vgt.s32 v3, $0x7700  }
0x471: {  	v44 =	vnsel vm14, $0x7700, v3  }
0x472: {  	v45 =	vand.u32 $0x7FFFFF80, v44  }
0x473: {  	vm15 =	vgt.s32 v3, $0x76FF;
	v3 =	vand.u32 $0x7F, v44;
	v46 =	vadd.s32 v45, v2  }
0x474: {  	v3 =	vor.u32 v3, v46;
	_ =	sdelay $0x4  }
0x475: {  	[tilespmem:v3+s10+$0x0] =	vst.idx.msk vm15, v0  }
0x476: {  	v3 =	vld [tilespmem:s15+$0x20];
	_ =	sdelay $0x4  }
0x477: {  	vm4 =	vgt.s32 v3, $0x7700  }
0x478: {  	v47 =	vnsel vm4, $0x7700, v3  }
0x479: {  	v48 =	vand.u32 $0x7FFFFF80, v47  }
0x47a: {  	vm5 =	vgt.s32 v3, $0x76FF;
	v3 =	vand.u32 $0x7F, v47;
	v49 =	vadd.s32 v48, v2  }
0x47b: {  	v3 =	vor.u32 v3, v49;
	_ =	sdelay $0x4  }
0x47c: {  	[tilespmem:v3+s10+$0x0] =	vst.idx.msk vm5, v0  }
0x47d: {  	v3 =	vld [tilespmem:s15+$0x30];
	_ =	sdelay $0x4  }
0x47e: {  	vm6 =	vgt.s32 v3, $0x7700  }
0x47f: {  	v50 =	vnsel vm6, $0x7700, v3  }
0x480: {  	v51 =	vand.u32 $0x7FFFFF80, v50  }
0x481: {  	vm7 =	vgt.s32 v3, $0x76FF;
	v3 =	vand.u32 $0x7F, v50;
	v52 =	vadd.s32 v51, v2  }
0x482: {  	v3 =	vor.u32 v3, v52;
	_ =	sdelay $0x4  }
0x483: {  	[tilespmem:v3+s10+$0x0] =	vst.idx.msk vm7, v0  }
0x484: {  	v3 =	vld [tilespmem:s15+$0x40];
	_ =	sdelay $0x4  }
0x485: {  	vm8 =	vgt.s32 v3, $0x7700  }
0x486: {  	v53 =	vnsel vm8, $0x7700, v3  }
0x487: {  	v54 =	vand.u32 $0x7FFFFF80, v53  }
0x488: {  	vm9 =	vgt.s32 v3, $0x76FF;
	v3 =	vand.u32 $0x7F, v53;
	v55 =	vadd.s32 v54, v2  }
0x489: {  	v3 =	vor.u32 v3, v55;
	_ =	sdelay $0x4  }
0x48a: {  	[tilespmem:v3+s10+$0x0] =	vst.idx.msk vm9, v0  }
0x48b: {  	v3 =	vld [tilespmem:s15+$0x50];
	_ =	sdelay $0x4  }
0x48c: {  	vm10 =	vgt.s32 v3, $0x7700  }
0x48d: {  	v56 =	vnsel vm10, $0x7700, v3  }
0x48e: {  	v57 =	vand.u32 $0x7FFFFF80, v56  }
0x48f: {  	vm11 =	vgt.s32 v3, $0x76FF;
	v3 =	vand.u32 $0x7F, v56;
	v58 =	vadd.s32 v57, v2  }
0x490: {  	v3 =	vor.u32 v3, v58;
	_ =	sdelay $0x4  }
0x491: {  	[tilespmem:v3+s10+$0x0] =	vst.idx.msk vm11, v0  }
0x492: {  	v3 =	vld [tilespmem:s15+$0x60];
	_ =	sdelay $0x4  }
0x493: {  	vm12 =	vgt.s32 v3, $0x7700  }
0x494: {  	v59 =	vnsel vm12, $0x7700, v3  }
0x495: {  	v60 =	vand.u32 $0x7FFFFF80, v59  }
0x496: {  	vm13 =	vgt.s32 v3, $0x76FF;
	v3 =	vand.u32 $0x7F, v59;
	v61 =	vadd.s32 v60, v2  }
0x497: {  	v3 =	vor.u32 v3, v61;
	_ =	sdelay $0x4  }
0x498: {  	[tilespmem:v3+s10+$0x0] =	vst.idx.msk vm13, v0  }
0x499: {  	v3 =	vld [tilespmem:s15+$0x70];
	_ =	sdelay $0x4  }
0x49a: {  	vm14 =	vgt.s32 v3, $0x7700  }
0x49b: {  	v62 =	vnsel vm14, $0x7700, v3  }
0x49c: {  	v63 =	vand.u32 $0x7FFFFF80, v62  }
0x49d: {  	vm15 =	vgt.s32 v3, $0x76FF;
	v3 =	vand.u32 $0x7F, v62;
	v2 =	vadd.s32 v63, v2  }
0x49e: {  	p0 =	sne.s32 s14, $0x7;
	v2 =	vor.u32 v3, v2  }
.Ltmp12:
0x49f: {  	_ = 	snop;
	(pc) =	sbr.rel @p0 .LBB2_26-.Ltmp12, $2  }
0x4a0: {  	_ =	sdelay $0x2  }
0x4a1: {  	s14 =	sadd.s32 $0x1, s14;
	s15 =	sadd.s32 $0x80, s15;
	[tilespmem:v2+s10+$0x0] =	vst.idx.msk vm15, v0  }
0x4a2: {  	s13 =	sadd.s32 $0x1, s13  }
0x4a3: {  	p0 =	sne.s32 s13, $0x4  }
.Ltmp13:
0x4a4: {  	_ = 	snop;
	(pc) =	sbr.rel @p0 .LBB2_18-.Ltmp13, $1  }
0x4a5: {  	_ =	sdelay $0x3  }
0x4a6: {  	s11 =	sadd.s32 $0x1, s11  }
0x4a7: {  	p0 =	sne.s32 s11, s7  }
.Ltmp14:
0x4a8: {  	_ = 	snop;
	(pc) =	sbr.rel @p0 .LBB2_1-.Ltmp14, $1  }
0x4a9: {  	_ =	sdelay $0x3  }
0x4aa: {  	_ =	sfence.sel $0x180000  }
0x4ab: {  	[bflag:$0x0] =	sbarrier.arrive $0xFFFF  }
0x4ac: {  	p0 =	sne.s32 s3, $0x0;
	_ =	strace $0x90000047  }
0x4ad: {  	s0 =	sadd.s32 @!p0 $0x100000, s0;
	[bflag:$0x2] =	sbarrier.arrive $0xFFFF  }
0x4ae: {  	[sflag:s0] =	ssyncadd.tile.s32 @!p0 $0x1;
	_ =	shalt  }
.Lfunc_end2:
_tile_overlayer_lowered:
.L_overlay_start_2:
0x4af: {  	(tag) =	ssettag $0x2  }
0x4b0: {  	s0 =	rddreg [dreg:$0x0];
	s2 =	stileid.u32  }
0x4b1: {  	s1 =	rddreg [dreg:$0x1];
	p0 =	sne.s32 s2, $0x0  }
0x4b2: {  	s3 =	rddreg [dreg:$0x2];
	[bflag:$0x3] =	sbarrier.arrive $0xFFFF;
	s2 =	simm.s32 @!p0 $0x1C01  }
0x4b3: {  	[timem:s3], [sflag:s2] =	dma.local @!p0 [hbm:s0], s1  }
0x4b4: {  	s0 =	simm.s32 @!p0 $0x1  }
0x4b5: {  	_ =	swait.ge @!p0 [sflag:s0], s1  }
0x4b6: {  	s1 =	ssub.s32 @!p0 $0x0, s1;
	[sflag:s0] =	ssyncset.done @!p0 $0x0  }
0x4b7: {  	[sflag:s0] =	ssyncadd.s32 @!p0 s1  }
0x4b8: {  	[bflag:$0x3] =	sbarrier.arrive $0xFFFF  }
0x4b9: {  	_ =	shalt  }

// kernel: sparse-core-data-format-call.cloned.1.call-start
scs
called_computation_lowered:
.L_overlay_start_0:
0x0: {  	s2 =	sld [smem:$0x3FD9]  }
0x1: {  	s3 =	sld [smem:$0x3FFE];
	_ =	sdelay $0x1  }
0x2: {  	s1 =	srdreg.scid  }
0x3: {  	s0 =	sand.u32 $0x1, s1  }
0x4: {  	s18 =	sshll.u32 s0, $0xA;
	s2 =	sadd.s32 s3, s2  }
0x5: {  	s2 =	sadd.s32 s2, s18  }
0x6: {  	[smem:$0x3FC7] =	sst s2  }
0x7: {  	_ = 	snop  }
0x8: {  	s2 =	sld [smem:$0x3FD0];
	(tm) =	ssettm $0x1  }
0x9: {  	s19 =	sld [smem:$0x3FFB];
	_ =	sdelay $0x3  }
0xa: {  	_ =	strace s19  }
0xb: {  	s3 =	sld [smem:$0x3FFC];
	_ =	sdelay $0x3  }
0xc: {  	_ =	strace s3  }
0xd: {  	s3 =	sld [smem:$0x3FFD];
	_ =	sdelay $0x3  }
0xe: {  	_ =	strace s3  }
0xf: {  	_ =	strace $0x8FFFFFFF  }
0x10: {  	s20 =	sld [smem:$0x3FDB];
	_ =	sdelay $0x1  }
0x11: {  	s4 =	simm.s32 $_scs_section_size  }
0x12: {  	s5 =	simm.s32 $_size__tile_overlayer_lowered;
	s6 =	simm.s32 $_tile_overlayer_lowered  }
0x13: {  	s23 =	simm.s32 $0x1BFF;
	s22 =	sshll.u32 s6, $0x1;
	s3 =	sadd.s32 s4, s20  }
0x14: {  	s7 =	simm.s32 $0x0;
	s21 =	sshll.u32 s5, $0x1;
	s5 =	sadd.s32 s22, s3  }
0x15: {  	[timem:s7], [sflag:s23] =	dma.local [hbm:s5], s21  }
0x16: {  	_ =	swait.ge [sflag:s23], s21  }
0x17: {  	s4 =	ssub.s32 $0x0, s21;
	[sflag:s23] =	ssyncset.done $0x0  }
0x18: {  	[sflag:s23] =	ssyncadd.s32 s4;
	_ =	sdelay $0x1  }
0x19: {  	s24 =	simm.s32 $0x1B8B  }
0x1a: {  	_ =	swait.ge [sflag:s24], $0x1  }
0x1b: {  	[sflag:s24] =	ssyncset.done $0x0  }
0x1c: {  	s26 =	simm.s32 $0x1B8E;
	s25 =	sld [smem:$0x3FFE];
	[sflag:s24] =	ssyncadd.s32 $0xFFFFFFFF  }
0x1d: {  	s27 =	simm.s32 $execute0_lowered;
	[smem:$0x3FD2] =	sst s26  }
0x1e: {  	s5 =	sshll.u32 s27, $0x1;
	_ =	strace $0x80000049;
	[dreg:$0x1] =	wrdreg $0xFFFFFFFF  }
0x1f: {  	s28 =	simm.s32 $_size_execute0_lowered;
	s3 =	sadd.s32 s3, s5;
	[dreg:$0x0] =	wrdreg $0x0  }
0x20: {  	s5 =	sshll.u32 s28, $0x1;
	[dreg:$0x2] =	wrdreg s3  }
0x21: {  	[dreg:$0x3] =	wrdreg s5  }
0x22: {  	[dreg:$0x4] =	wrdreg $0xC0  }
0x23: {  	_ =	task [dreg:s7], $0x5FFFF  }
0x24: {  	[dreg:$0x1] =	wrdreg $0xFFFFFFFF  }
0x25: {  	[dreg:$0x0] =	wrdreg $0x60  }
0x26: {  	[dreg:$0x2] =	wrdreg s25  }
0x27: {  	[dreg:$0x3] =	wrdreg s2  }
0x28: {  	[dreg:$0x4] =	wrdreg $0x9  }
0x29: {  	_ =	task.clear_ibuf [dreg:s7], $0x5FFFF;
	_ =	strace $0x90000049  }
0x2a: {  	s29 =	simm.s32 $0x9;
	_ =	strace $0x8000004B  }
0x2b: {  	_ =	swait.ge [sflag:s29], $0x1  }
0x2c: {  	[sflag:s29] =	ssyncadd.s32 $0xFFFFFFFF  }
0x2d: {  	_ =	strace $0x9000004B  }
0x2e: {  	_ =	sfence  }
0x2f: {  	s30 =	sld [smem:$0x0];
	_ =	sdelay $0x2  }
0x30: {  	s31 =	sshll.u32 s1, $0xD;
	s1 =	sshrl.u32 s1, $0x2  }
0x31: {  	s3 =	sand.u32 $0x4000, s31;
	s1 =	sadd.s32 s1, s30  }
0x32: {  	s0 =	sor.u32 s3, s0;
	s1 =	sshll.u32 s1, $0x11  }
0x33: {  	s0 =	sor.u32 s1, s0  }
0x34: {  	s0 =	sadd.s32 $0x8F2B, s0  }
0x35: {  	[sflag:s0] =	ssyncadd.remote.s32 $0x1  }
0x36: {  	_ =	sfence.sel $0xFFFF  }
0x37: {  	[dreg:$0x0] =	wrdreg $0xFFFFFFFF;
	(pc) =	sbr.abs _section_cstart, $3  }
0x38: {  	[dreg:$0x1] =	wrdreg $0xFFFFFFFF  }
0x39: {  	_ =	task.clear_ibuf [dreg:s7], $0x2FFFF;
	_ =	strace $0x9FFFFFFF  }
0x3a: {  	(tm) =	ssettm $0x7FFFFFFF  }
0x3b: {  	_ =	shalt  }
tec
execute0_lowered:
.L_overlay_start_1:
0x0: {  	(tag) =	ssettag $0x1  }
0x1: {  	s0 =	stileid.u32  }
0x2: {  	s2 =	srdreg.scid;
	s7 =	rddreg [dreg:$0x0]  }
0x3: {  	s6 =	simm.s32 $0x1;
	s31 =	simm.s32 $0x2;
	s16 =	simm.s32 $0x0  }
0x4: {  	s9 =	simm.s32 $0x2000;
	s15 =	simm.s32 $0x0;
	s10 =	simm.s32 $0x0  }
0x5: {  	s11 =	simm.s32 $0x0;
	s14 =	simm.s32 $0x0;
	s1 =	sshll.u32 s0, $0x7  }
0x6: {  	s3 =	sshll.u32 s0, $0x4;
	s2 =	sshll.u32 s2, $0x8;
	s1 =	sand.u32 $0x380, s1  }
0x7: {  	s7 =	sadd.s32 $0xC00, s7;
	s2 =	sor.u32 s3, s2;
	s5 =	ssub.s32 $0x400, s1  }
0x8: {  	s3 =	rddreg [dreg:$0x1];
	s4 =	sand.u32 $0x180, s2;
	s29 =	sand.u32 $0x380, s5  }
0x9: {  	s30 =	ssub.s32 $0x7700, s4;
	s5 =	sshrl.u32 s5, $0xA;
	p0 =	sne.s32 s29, $0x0  }
.Ltmp0:
0xa: {  	s8 =	sshrl.u32 s30, $0x9;
	s6 =	simm.s32 @!p0 $0x0;
	(pc) =	sbr.rel .LBB1_1-.Ltmp0, $4  }
0xb: {  	s2 =	rddreg [dreg:$0x2];
	s8 =	sadd.s32 $0x1, s8;
	s6 =	sadd.s32 s6, s5  }
0xc: {  	_ =	strace $0x8000004A;
	s5 =	simm.s32 $0x1;
	s6 =	smul.u32 s6, s8  }
0xd: {  	s13 =	smov.u32 s1;
	s12 =	smov.u32 s4;
	[sflag:s5] =	ssyncpa.u1 $0x0  }
0xe: {  	p0 =	por $0x0, $0x0;
	[sflag:s31] =	ssyncpa.u1 $0x0;
	s8 =	sadd.s32 $0x1, s6  }
.LBB1_4:
0xf: {  	s21 =	sshra.s32 s21, $0x2;
	s27 =	sshll.u32 s10, $0xA;
	s22 =	sshll.u32 s11, $0x3  }
0x10: {  	s23 =	sshll.u32 s10, $0x7;
	s24 =	sand.u32 $0x78, s11;
	p1 =	sgt.s32 s10, $0x76C0  }
0x11: {  	s25 =	sshra.s32 s10, $0x1F;
	s26 =	sshra.s32 s11, $0x1F;
	s20 =	sadd.s32 s21, s20  }
0x12: {  	v5 =	vld [tilespmem:s18+$0xFFFFFFD0];
	[tilespmem:s19+$0x2040 ss:$0x81] =	vst.msk $0xffff, v4;
	s21 =	sand.u32 $0xFFFFE000, s27;
	s22 =	sand.u32 $0xFFFFFC00, s22;
	s28 =	sand.u32 $0x380, s23  }
0x13: {  	v58 =	vld [tilespmem:s18+$0xFFFFFFE0];
	[tilespmem:s19+$0x2850 ss:$0x81] =	vst.msk $0xffff, v3;
	s23 =	smov.u32 s10;
	s30 =	sand.u32 s25, s10;
	s25 =	smov.u32 s11  }
0x14: {  	v59 =	vld [tilespmem:s18+$0xFFFFFFF0];
	[tilespmem:s19+$0x3060 ss:$0x81] =	vst.msk $0xffff, v2;
	s31 =	sand.u32 s26, s11;
	s21 =	sadd.s32 s22, s21;
	s22 =	sor.u32 s24, s28  }
0x15: {  	v60 =	vld [tilespmem:s18+$0x0];
	[tilespmem:s19+$0x0 ss:$0x81] =	vst.msk $0xffff, v1;
	s23 =	simm.s32 @!p1 $0x76C0;
	p1 =	sgt.s32 s11, $0x380;
	s21 =	sshrl.u32 s21, $0xA  }
0x16: {  	v61 =	vld [tilespmem:s18+$0x10];
	[tilespmem:s20+$0x3870 ss:$0x81] =	vst.msk $0xffff, v0;
	s19 =	ssub.s32 s23, s30;
	s25 =	simm.s32 @!p1 $0x380;
	s29 =	smulhi.u32 $0x44B22F, s21  }
0x17: {  	v62 =	vld [tilespmem:s18+$0x20];
	s23 =	ssub.s32 s25, s31;
	s26 =	sadd.s32 $0xFFFF8940, s19;
	s19 =	ssub.s32 $0x7740, s19;
	[tilespmem:s20+$0x810 ss:$0x81] =	vst.msk $0xffff, v5  }
0x18: {  	v63 =	vld [tilespmem:s18+$0xFFFFFFC0];
	[tilespmem:s20+$0x1020 ss:$0x81] =	vst.msk $0xffff, v58;
	p1 =	sgt.s32 s26, $0x7F;
	s28 =	sadd.s32 $0xFFFFFC80, s23;
	s24 =	sshrl.u32 s29, $0x5  }
0x19: {  	[tilespmem:s20+$0x1830 ss:$0x81] =	vst.msk $0xffff, v59;
	s23 =	ssub.s32 $0x400, s23;
	p2 =	sgt.s32 s28, $0x7F;
	s27 =	smul.u32 $0x7740, s24  }
0x1a: {  	s30 =	sand.u32 $0x7, s11;
	[tilespmem:s20+$0x2040 ss:$0x81] =	vst.msk $0xffff, v60;
	s19 =	simm.s32 @p1 $0x0;
	s23 =	simm.s32 @p2 $0x0  }
0x1b: {  	[tilespmem:s20+$0x2850 ss:$0x81] =	vst.msk $0xffff, v61;
	s29 =	sshrl.u32 s22, $0x3;
	s19 =	smul.u32 s23, s19;
	s18 =	ssub.s32 s21, s27  }
0x1c: {  	[tilespmem:s20+$0x3060 ss:$0x81] =	vst.msk $0xffff, v62;
	s22 =	sshll.u32 s30, $0x12;
	s21 =	sadd.s32 s3, s29;
	s18 =	sshll.u32 s18, $0x7  }
0x1d: {  	[tilespmem:s20+$0x0 ss:$0x81] =	vst.msk $0xffff, v63;
	s31 =	sor.u32 $0x400, s22;
	s19 =	sand.u32 $0x3FFFFFFF, s19;
	s18 =	sadd.s32 s18, s21  }
0x1e: {  	[hbm4b:s18+s31] =	stream.strided.scatter [tilespmem:s17], [sflag:$0x2], s19, s9, s31, $0x20;
	[tilespmem:$0x10100] =	vst v63  }
.LBB1_5:
0x1f: {  	p1 =	slt.u32 s14, $0x2  }
0x20: {  	s18 =	smov.u32 s16;
	p2 =	sgt.s32 @!p1 s16, $0x76C0;
	s17 =	sshra.s32 @!p1 s16, $0x1F  }
0x21: {  	p3 =	sgt.s32 @!p1 s15, $0x380;
	s19 =	sshra.s32 @!p1 s15, $0x1F;
	p2 =	por !p2, p1  }
0x22: {  	s16 =	sand.u32 @!p1 s17, s16;
	p3 =	por !p3, p1;
	s17 =	smov.u32 s15  }
0x23: {  	s15 =	sand.u32 @!p1 s19, s15;
	s18 =	simm.s32 @p2 $0x76C0;
	s17 =	simm.s32 @p3 $0x380  }
0x24: {  	s16 =	ssub.s32 @!p1 s18, s16;
	s15 =	ssub.s32 @!p1 s17, s15  }
0x25: {  	s19 =	smov.u32 s13;
	s17 =	sadd.s32 @!p1 $0xFFFF8940, s16;
	s18 =	sadd.s32 @!p1 $0xFFFFFC80, s15  }
0x26: {  	s16 =	ssub.s32 @!p1 $0x7740, s16;
	p2 =	sgt.s32 @!p1 s17, $0x7F;
	p3 =	sgt.s32 @!p1 s18, $0x7F  }
0x27: {  	s15 =	ssub.s32 @!p1 $0x400, s15;
	p2 =	por !p2, p1;
	p3 =	por !p3, p1  }
0x28: {  	s17 =	sadd.s32 $0x200, s12;
	s16 =	simm.s32 @!p2 $0x0;
	s15 =	simm.s32 @!p3 $0x0  }
0x29: {  	p2 =	sgt.s32 s17, $0x7739;
	s15 =	smul.u32 @!p1 s15, s16;
	s16 =	sadd.s32 $0x400, s13  }
0x2a: {  	s19 =	smov.u32 @p2 s16  }
0x2b: {  	s17 =	smov.u32 @p2 s4;
	p2 =	sgt.s32 s19, $0x3FF  }
0x2c: {  	s19 =	smov.u32 @p2 s1;
	p2 =	sne.s32 s14, s8  }
.Ltmp1:
0x2d: {  	p0 =	por !p0, !p0;
	s18 =	simm.s32 @!p1 $0x2;
	(pc) =	sbr.rel @!p2 .LBB1_6-.Ltmp1, $4  }
0x2e: {  	s16 =	smov.u32 s10;
	s10 =	smov.u32 s12;
	s15 =	sand.u32 @!p1 $0x3FFFFFFF, s15  }
0x2f: {  	s12 =	smov.u32 s17;
	_ =	swait.ge @!p1 [sflag:s18], s15;
	s20 =	ssub.s32 @!p1 $0x0, s15  }
0x30: {  	s15 =	smov.u32 s11;
	s14 =	sadd.s32 $0x1, s14;
	[sflag:s18] =	ssyncset.done @!p1 $0x0  }
0x31: {  	s11 =	smov.u32 s13;
	s13 =	smov.u32 s19;
	[sflag:s18] =	ssyncadd.s32 @!p1 s20  }
.LBB1_1:
0x32: {  	p1 =	sge.u32 s14, s6  }
0x33: {  	s17 =	sshrl.u32 @!p1 s13, $0x3  }
0x34: {  	s18 =	sshll.u32 @!p1 s12, $0x3;
	s17 =	smul.u32 @!p1 $0x3BC00, s17  }
0x35: {  	s19 =	sshll.u32 @!p1 s13, $0x7;
	s18 =	sand.u32 @!p1 $0xFFFFFC00, s18  }
0x36: {  	s17 =	sadd.s32 @!p1 s17, s18;
	s18 =	sand.u32 @!p1 $0x380, s19  }
0x37: {  	s19 =	sand.u32 @!p1 $0x7F, s12;
	s17 =	sor.u32 @!p1 s18, s17  }
0x38: {  	s18 =	sor.u32 @!p1 s19, s17  }
0x39: {  	s19 =	smulhi.u32 @!p1 $0x891AC73B, s18;
	_ =	sdelay $0x1  }
0x3a: {  	s17 =	smulhi.u32 @!p1 $0x891AC73B, s17;
	s19 =	sshrl.u32 @!p1 s19, $0xE  }
0x3b: {  	s19 =	smul.u32 @!p1 $0x7780, s19  }
0x3c: {  	s31 =	sadd.s32 $0xFFFFFFFF, s14;
	s20 =	sxor.u32 @!p1 $0xFFFFFFFF, s14;
	s17 =	sshrl.u32 @!p1 s17, $0xE  }
0x3d: {  	s20 =	sshll.u32 @!p1 s20, $0xE;
	s17 =	sand.u32 @!p1 $0x3FF, s17;
	s18 =	ssub.s32 @!p1 s18, s19  }
0x3e: {  	s17 =	smul.u32 @!p1 $0xEF0, s17;
	s19 =	sshrl.u32 @!p1 s18, $0x3;
	s18 =	sand.u32 @!p1 $0x7, s18  }
0x3f: {  	s20 =	sand.u32 @!p1 $0x4000, s20;
	s19 =	sadd.s32 @!p1 s7, s19;
	s18 =	sshll.u32 @!p1 s18, $0x12  }
0x40: {  	s17 =	sadd.s32 @!p1 s17, s19;
	s18 =	sor.u32 @!p1 $0x400, s18;
	s19 =	simm.s32 @!p1 $0x3BC00  }
0x41: {  	[tilespmem:s20], [sflag:$0x1] =	stream.strided.gather @!p1 [hbm4b:s17+s18], $0x4000, s19, s18, $0x38;
	[tilespmem:$0x10100] =	vst v63  }
0x42: {  	p1 =	sge.u32 s31, s6  }
.Ltmp2:
0x43: {  	_ = 	snop;
	(pc) =	sbr.rel @p1 .LBB1_5-.Ltmp2, $1  }
0x44: {  	_ =	sdelay $0x3  }
0x45: {  	s17 =	simm.s32 $0x1  }
0x46: {  	_ =	swait.ge [sflag:s5], $0x4000;
	s17 =	simm.s32 @!p0 $0x0  }
0x47: {  	[sflag:s5] =	ssyncset.done $0x0;
	s18 =	sshll.u32 s17, $0xE  }
0x48: {  	[sflag:s5] =	ssyncadd.s32 $0xFFFFC000;
	s18 =	sor.u32 $0x40, s18  }
0x49: {  	s17 =	smul.u32 $0x10200, s17;
	v0 =	vld [tilespmem:s18+$0x30]  }
0x4a: {  	v1 =	vld [tilespmem:s18+$0xFFFFFFD0]  }
0x4b: {  	s17 =	sshrl.u32 s17, $0x2;
	v5 =	vld [tilespmem:s18+$0xFFFFFFE0]  }
0x4c: {  	v6 =	vld [tilespmem:s18+$0xFFFFFFF0];
	s20 =	sor.u32 $0x8000, s17  }
0x4d: {  	s31 =	sand.u32 $0x1, s14;
	v4 =	vld [tilespmem:s18+$0x0];
	s19 =	sadd.s32 $0x0, s20  }
0x4e: {  	v3 =	vld [tilespmem:s18+$0x10];
	s17 =	smul.u32 $0x10200, s31;
	[tilespmem:s19+$0x3870 ss:$0x81] =	vst.msk $0xffff, v0  }
0x4f: {  	v2 =	vld [tilespmem:s18+$0x20];
	[tilespmem:s19+$0x810 ss:$0x81] =	vst.msk $0xffff, v1  }
0x50: {  	s17 =	sshrl.u32 s17, $0x2;
	v1 =	vld [tilespmem:s18+$0xFFFFFFC0];
	[tilespmem:s19+$0x1020 ss:$0x81] =	vst.msk $0xffff, v5;
	s18 =	sadd.s32 $0x80, s18  }
0x51: {  	s21 =	simm.s32 $0x4;
	s22 =	simm.s32 $0x8;
	s17 =	sor.u32 $0x8000, s17;
	[tilespmem:s19+$0x1830 ss:$0x81] =	vst.msk $0xffff, v6;
	v0 =	vld [tilespmem:s18+$0x30]  }
.LBB1_3:
0x52: {  	p1 =	sne.s32 s22, $0x1FC;
	v5 =	vld [tilespmem:s18+$0xFFFFFFD0];
	[tilespmem:s19+$0x2040 ss:$0x81] =	vst.msk $0xffff, v4  }
0x53: {  	v6 =	vld [tilespmem:s18+$0xFFFFFFE0];
	[tilespmem:s19+$0x2850 ss:$0x81] =	vst.msk $0xffff, v3  }
0x54: {  	s23 =	sshra.s32 s21, $0x2;
	s21 =	smov.u32 s22;
	v7 =	vld [tilespmem:s18+$0xFFFFFFF0];
	[tilespmem:s19+$0x3060 ss:$0x81] =	vst.msk $0xffff, v2  }
.Ltmp3:
0x55: {  	v4 =	vld [tilespmem:s18+$0x0];
	[tilespmem:s19+$0x0 ss:$0x81] =	vst.msk $0xffff, v1;
	s19 =	sadd.s32 s23, s20;
	(pc) =	sbr.rel @p1 .LBB1_3-.Ltmp3, $4  }
0x56: {  	v3 =	vld [tilespmem:s18+$0x10];
	[tilespmem:s19+$0x3870 ss:$0x81] =	vst.msk $0xffff, v0  }
0x57: {  	[tilespmem:s19+$0x810 ss:$0x81] =	vst.msk $0xffff, v5;
	v2 =	vld [tilespmem:s18+$0x20]  }
0x58: {  	v1 =	vld [tilespmem:s18+$0xFFFFFFC0];
	[tilespmem:s19+$0x1020 ss:$0x81] =	vst.msk $0xffff, v6;
	s18 =	sadd.s32 $0x80, s18  }
0x59: {  	s22 =	sadd.s32 $0x4, s22;
	v0 =	vld [tilespmem:s18+$0x30];
	[tilespmem:s19+$0x1830 ss:$0x81] =	vst.msk $0xffff, v7  }
.Ltmp4:
0x5a: {  	_ = 	snop;
	(pc) =	sbr.rel .LBB1_4-.Ltmp4, $1  }
0x5b: {  	_ =	sdelay $0x3  }
.LBB1_6:
0x5c: {  	_ =	sfence.sel $0x180000  }
0x5d: {  	s1 =	simm.s32 $0x1;
	[bflag:$0x0] =	sbarrier.arrive $0xFFFF  }
0x5e: {  	s31 =	simm.s32 $0x2;
	[sflag:s1] =	ssyncpa.u1 $0x1  }
0x5f: {  	[sflag:s31] =	ssyncpa.u1 $0x1  }
0x60: {  	p0 =	sne.s32 s0, $0x0;
	_ =	strace $0x9000004A  }
0x61: {  	s0 =	sadd.s32 @!p0 $0x100000, s2;
	[bflag:$0x2] =	sbarrier.arrive $0xFFFF  }
0x62: {  	[sflag:s0] =	ssyncadd.tile.s32 @!p0 $0x1;
	_ =	shalt  }
.Lfunc_end1:
_tile_overlayer_lowered:
.L_overlay_start_2:
0x63: {  	(tag) =	ssettag $0x2  }
0x64: {  	s0 =	rddreg [dreg:$0x0];
	s2 =	stileid.u32  }
0x65: {  	s1 =	rddreg [dreg:$0x1];
	p0 =	sne.s32 s2, $0x0  }
0x66: {  	s3 =	rddreg [dreg:$0x2];
	[bflag:$0x3] =	sbarrier.arrive $0xFFFF;
	s2 =	simm.s32 @!p0 $0x1C01  }
0x67: {  	[timem:s3], [sflag:s2] =	dma.local @!p0 [hbm:s0], s1  }
0x68: {  	s0 =	simm.s32 @!p0 $0x1  }
0x69: {  	_ =	swait.ge @!p0 [sflag:s0], s1  }
0x6a: {  	s1 =	ssub.s32 @!p0 $0x0, s1;
	[sflag:s0] =	ssyncset.done @!p0 $0x0  }
0x6b: {  	[sflag:s0] =	ssyncadd.s32 @!p0 s1  }
0x6c: {  	[bflag:$0x3] =	sbarrier.arrive $0xFFFF  }
0x6d: {  	_ =	shalt  }

</sc_bundles>
